<compile_context>
chip_gen: v7x
topology: tpu7x:2x2x1
jax: 0.10.2.dev20260603
libtpu: 0.0.44.dev20260713+nightly
codegen_flags: <defaults>
</compile_context>

<pallas_src>
import jax
import jax.numpy as jnp
from jax import lax
from jax.experimental import pallas as pl
from jax.experimental.pallas import tpu as pltpu
from jax.experimental.pallas import tpu_sc as plsc

N = 10000
F = 256
H = 256
HH = 128
N_PAD = 10240
E_PAD = 163840
CH = 128
NCH = 80
NB = 8
LEAD = 4
EPT = NCH * CH
RPT = N_PAD // 16


def _z16():
  return jnp.zeros((16,), jnp.float32)


def _sc_agg_body(xcat, src3, dst3, agg_out, deg_out,
                 ed_v, rows_v, misc_v, agg_sp, deg_sp, sem, sem_s):
  cid = lax.axis_index("c")
  sid = lax.axis_index("s")

  pltpu.sync_copy(src3.at[sid], ed_v.at[0])
  pltpu.sync_copy(dst3.at[sid], ed_v.at[1])

  def _zrow(j, _):
    def _zlane(l, _):
      rows_v[0, j, pl.ds(l * 32, 32)] = jnp.zeros((32,), jnp.bfloat16)
      return 0
    return lax.fori_loop(0, HH // 32, _zlane, 0)
  lax.fori_loop(0, CH, _zrow, 0)

  def _zv(k, _):
    misc_v[pl.ds(k * 16, 16)] = _z16()
    return 0
  lax.fori_loop(0, RPT // 16, _zv, 0)

  def _ov(k, _):
    misc_v[pl.ds(RPT + k * 16, 16)] = jnp.ones((16,), jnp.float32)
    return 0
  lax.fori_loop(0, CH // 16, _ov, 0)

  for r in range(RPT // CH):
    pltpu.sync_copy(rows_v.at[0], agg_sp.at[pl.ds(sid * RPT + r * CH, CH)])
  pltpu.sync_copy(misc_v.at[pl.ds(0, RPT)], deg_sp.at[pl.ds(sid * RPT, RPT)])

  off = (cid * N).astype(jnp.int32)
  def _adjj(j, _):
    def _adjl(l, _):
      ed_v[0, j, pl.ds(l * 16, 16)] = ed_v[0, j, pl.ds(l * 16, 16)] + off
      return 0
    return lax.fori_loop(0, CH // 16, _adjl, 0)
  lax.fori_loop(0, NCH, _adjj, 0)

  plsc.subcore_barrier()

  for b in range(LEAD):
    pltpu.async_copy(xcat.at[ed_v.at[0, b]], rows_v.at[b], sem)

  def _group(g, _):
    for b in range(NB):
      c = g * NB + b
      cl = c + LEAD
      bl = (b + LEAD) % NB

      @pl.when(cl < NCH)
      def _():
        @pl.when(c >= NB - LEAD)
        def _():
          pltpu.make_async_copy(rows_v.at[0], agg_sp.at[ed_v.at[1, 0]],
                                sem_s).wait()
        pltpu.async_copy(xcat.at[ed_v.at[0, cl]], rows_v.at[bl], sem)

      pltpu.make_async_copy(xcat.at[ed_v.at[0, c]], rows_v.at[b],
                            sem).wait()
      pltpu.async_copy(rows_v.at[b], agg_sp.at[ed_v.at[1, c]], sem_s,
                       add=True)
    return 0

  lax.fori_loop(0, NCH // NB, _group, 0)

  for _ in range(NB):
    pltpu.make_async_copy(rows_v.at[0], agg_sp.at[ed_v.at[1, 0]],
                          sem_s).wait()

  def _deg(j, _):
    pltpu.sync_copy(misc_v.at[pl.ds(RPT, CH)], deg_sp.at[ed_v.at[1, j]],
                    add=True)
    return 0
  lax.fori_loop(cid * (NCH // 2), (cid + 1) * (NCH // 2), _deg, 0)

  plsc.subcore_barrier()

  pltpu.sync_copy(agg_sp.at[pl.ds(sid * RPT, RPT)],
                  agg_out.at[cid, pl.ds(sid * RPT, RPT)])
  pltpu.sync_copy(deg_sp.at[pl.ds(sid * RPT, RPT)],
                  deg_out.at[cid, pl.ds(sid * RPT, RPT)])


_sc_agg = pl.kernel(
    _sc_agg_body,
    out_type=(
        jax.ShapeDtypeStruct((2, N_PAD, HH), jnp.bfloat16),
        jax.ShapeDtypeStruct((2, N_PAD), jnp.float32),
    ),
    mesh=plsc.VectorSubcoreMesh(core_axis_name="c", subcore_axis_name="s"),
    compiler_params=pltpu.CompilerParams(needs_layout_passes=False,
                                         use_tc_tiling_on_sc=False),
    scratch_types=[
        pltpu.VMEM((2, NCH, CH), jnp.int32),
        pltpu.VMEM((NB, CH, HH), jnp.bfloat16),
        pltpu.VMEM((RPT + CH,), jnp.float32),
        pltpu.VMEM_SHARED((N_PAD, HH), jnp.bfloat16),
        pltpu.VMEM_SHARED((N_PAD,), jnp.float32),
        pltpu.SemaphoreType.DMA,
        pltpu.SemaphoreType.DMA,
    ],
)


def _tc_mid_body(agg, deg, x, w1lt, w1rt, b1, w2lt, w2rt, b2,
                 s_out, u_out, invd_out):
  d = deg[0] + deg[1]
  invd = 1.0 / jnp.maximum(d, 1.0)
  m0 = agg[0].astype(jnp.float32) * invd
  m1 = agg[1].astype(jnp.float32) * invd
  a = jnp.dot(x[...], w1rt[...], preferred_element_type=jnp.float32)
  a = a + jnp.dot(m0, w1lt[0:HH, :], preferred_element_type=jnp.float32)
  a = a + jnp.dot(m1, w1lt[HH:F, :], preferred_element_type=jnp.float32)
  h = jnp.maximum(a + b1[...], 0.0)
  s_out[...] = jnp.dot(h, w2lt[...], preferred_element_type=jnp.float32)
  u_out[...] = jnp.dot(h, w2rt[...], preferred_element_type=jnp.float32) + b2[...]
  invd_out[...] = invd


_BM = 2000


def _tc_mid(agg, deg, x, w1lt, w1rt, b1, w2lt, w2rt, b2):
  grid = (N // _BM,)
  row = lambda i: (i, 0)
  rep = lambda i: (0, 0)
  return pl.pallas_call(
      _tc_mid_body,
      grid=grid,
      in_specs=[
          pl.BlockSpec((2, _BM, HH), lambda i: (0, i, 0)),
          pl.BlockSpec((2, _BM, 1), lambda i: (0, i, 0)),
          pl.BlockSpec((_BM, F), row),
          pl.BlockSpec((F, H), rep),
          pl.BlockSpec((F, H), rep),
          pl.BlockSpec((1, H), rep),
          pl.BlockSpec((H, 1), rep),
          pl.BlockSpec((H, 1), rep),
          pl.BlockSpec((1, 1), rep),
      ],
      out_specs=[
          pl.BlockSpec((_BM, 1), row),
          pl.BlockSpec((_BM, 1), row),
          pl.BlockSpec((_BM, 1), row),
      ],
      out_shape=[
          jax.ShapeDtypeStruct((N_PAD, 1), jnp.float32),
          jax.ShapeDtypeStruct((N_PAD, 1), jnp.float32),
          jax.ShapeDtypeStruct((N_PAD, 1), jnp.float32),
      ],
  )(agg, deg, x, w1lt, w1rt, b1, w2lt, w2rt, b2)


def _sc_out_body(s_pad, u_pad, invd_pad, src2, dst2, out,
                 s_v, src_v, dst_v, hist_v, hsum_v, acc_v, stage_sp):
  cid = lax.axis_index("c")
  sid = lax.axis_index("s")

  pltpu.sync_copy(s_pad, s_v)
  pltpu.sync_copy(src2.at[sid], src_v)
  pltpu.sync_copy(dst2.at[sid], dst_v)

  def _zhist(k, _):
    hist_v[pl.ds(k * 16, 16)] = _z16()
    return 0
  lax.fori_loop(0, N_PAD // 16, _zhist, 0)

  def _edge(k, _):
    idx = src_v[pl.ds(k * 16, 16)]
    d = dst_v[pl.ds(k * 16, 16)]
    v = plsc.load_gather(s_v, [idx])
    plsc.addupdate_scatter(hist_v, [d], v)
    return 0
  lax.fori_loop(0, EPT // 16, _edge, 0)

  pltpu.sync_copy(hist_v, stage_sp.at[sid])
  plsc.subcore_barrier()

  for r in range(16):
    pltpu.sync_copy(stage_sp.at[r, pl.ds(sid * RPT, RPT)], hsum_v.at[r])
  pltpu.sync_copy(invd_pad.at[pl.ds(sid * RPT, RPT)], acc_v.at[0])
  pltpu.sync_copy(u_pad.at[pl.ds(sid * RPT, RPT)], acc_v.at[1])

  def _fin(k, _):
    sl = pl.ds(k * 16, 16)
    v = hsum_v[0, sl]
    for r in range(1, 16):
      v = v + hsum_v[r, sl]
    acc_v[0, sl] = v * acc_v[0, sl] + acc_v[1, sl]
    return 0
  lax.fori_loop(0, RPT // 16, _fin, 0)

  @pl.when(cid == 0)
  def _():
    pltpu.sync_copy(acc_v.at[0], out.at[pl.ds(sid * RPT, RPT)])


_sc_out = pl.kernel(
    _sc_out_body,
    out_type=jax.ShapeDtypeStruct((N_PAD,), jnp.float32),
    mesh=plsc.VectorSubcoreMesh(core_axis_name="c", subcore_axis_name="s"),
    compiler_params=pltpu.CompilerParams(needs_layout_passes=False,
                                         use_tc_tiling_on_sc=False),
    scratch_types=[
        pltpu.VMEM((N_PAD,), jnp.float32),
        pltpu.VMEM((EPT,), jnp.int32),
        pltpu.VMEM((EPT,), jnp.int32),
        pltpu.VMEM((N_PAD,), jnp.float32),
        pltpu.VMEM((16, RPT), jnp.float32),
        pltpu.VMEM((2, RPT), jnp.float32),
        pltpu.VMEM_SHARED((16, N_PAD), jnp.float32),
    ],
)


@jax.jit
def kernel(x, edge_index, W1l, b1, W1r, W2l, b2, W2r):
  src = edge_index[0]
  dst = edge_index[1]
  pad = E_PAD - src.shape[0]
  src_p = jnp.concatenate([src, jnp.zeros((pad,), jnp.int32)])
  dst_p = jnp.concatenate([dst, jnp.full((pad,), N, jnp.int32)])
  src3 = src_p.reshape(16, NCH, CH)
  dst3 = dst_p.reshape(16, NCH, CH)
  src2 = src_p.reshape(16, EPT)
  dst2 = dst_p.reshape(16, EPT)

  xbf = x.astype(jnp.bfloat16).reshape(N, 2, HH).swapaxes(0, 1).reshape(
      2 * N, HH)

  agg, deg = _sc_agg(xbf, src3, dst3)

  s, u, invd = _tc_mid(agg, deg[:, :, None], x, W1l.T, W1r.T, b1[None, :],
                       W2l.T, W2r.T, b2[None, :])

  out = _sc_out(s.reshape(N_PAD), u.reshape(N_PAD), invd.reshape(N_PAD),
                src2, dst2)
  return out[:N]

# --- scband reference (transcript-rebuilt; emitter-appended) ---
"""Pipeline reference for scband-gnn-1614907703641 (READ-ONLY COPY).

The authoritative reference and input builder live on the scoring server;
editing this copy changes nothing except your own understanding.
"""

import jax, jax.numpy as jnp
import numpy as np

N = 10000
E = 160000
F = 256
H = 256


def setup_inputs(seed: int = 0) -> dict:
    key = jax.random.key(seed)
    ks = jax.random.split(key, 9)
    x = jax.random.normal(ks[0], (N, F), dtype=jnp.float32)
    edge_index = jax.random.randint(ks[1], (2, E), 0, N, dtype=jnp.int32)
    s1 = 1.0 / np.sqrt(F)
    s2 = 1.0 / np.sqrt(H)
    W1l = jax.random.uniform(ks[2], (H, F), minval=-s1, maxval=s1, dtype=jnp.float32)
    b1 = jax.random.uniform(ks[3], (H,), minval=-s1, maxval=s1, dtype=jnp.float32)
    W1r = jax.random.uniform(ks[4], (H, F), minval=-s1, maxval=s1, dtype=jnp.float32)
    W2l = jax.random.uniform(ks[5], (1, H), minval=-s2, maxval=s2, dtype=jnp.float32)
    b2 = jax.random.uniform(ks[6], (1,), minval=-s2, maxval=s2, dtype=jnp.float32)
    W2r = jax.random.uniform(ks[7], (1, H), minval=-s2, maxval=s2, dtype=jnp.float32)
    return {"x": x, "edge_index": edge_index, "W1l": W1l, "b1": b1, "W1r": W1r, "W2l": W2l, "b2": b2, "W2r": W2r}


def _sage(h, edge_index, Wl, bl, Wr):
    # PyG SAGEConv (mean aggr): out = lin_l(mean_{j in N(i)} x_j) + lin_r(x_i)
    src = edge_index[0]
    dst = edge_index[1]
    msg = h[src]                                   # gather
    agg = jax.ops.segment_sum(msg, dst, num_segments=N)   # scatter-add
    deg = jax.ops.segment_sum(jnp.ones((E,), dtype=h.dtype), dst, num_segments=N)
    mean = agg / jnp.clip(deg, 1.0)[:, None]
    return mean @ Wl.T + bl + h @ Wr.T


def reference(x, edge_index, W1l, b1, W1r, W2l, b2, W2r):
    h = jax.nn.relu(_sage(x, edge_index, W1l, b1, W1r))
    out = _sage(h, edge_index, W2l, b2, W2r)   # [N, 1]
    return out.mean(axis=1)                    # [N]

if __name__ == "__main__":
    import jax
    _d = setup_inputs()
    print(jax.jit(kernel)(*tuple(_d.values())))

</pallas_src>

<mosaic_0001>
#map = affine_map<(d0, d1) -> (0, 0)>
#map1 = affine_map<(d0, d1) -> (0, 0, 0)>
module attributes {stable_mosaic.version = 14 : i64} {
  func.func @_sc_agg_body(%arg0: i32, %arg1: i32, %arg2: memref<20000x128xbf16, #tpu.memory_space<hbm>>, %arg3: memref<16x80x128xi32, #tpu.memory_space<hbm>>, %arg4: memref<16x80x128xi32, #tpu.memory_space<hbm>>, %arg5: memref<2x10240x128xbf16, #tpu.memory_space<hbm>>, %arg6: memref<2x10240xf32, #tpu.memory_space<hbm>>, %arg7: memref<2x80x128xi32, #tpu.memory_space<vmem>>, %arg8: memref<8x128x128xbf16, #tpu.memory_space<vmem>>, %arg9: memref<768xf32, #tpu.memory_space<vmem>>, %arg10: memref<10240x128xbf16, #tpu.memory_space<vmem_shared>>, %arg11: memref<10240xf32, #tpu.memory_space<vmem_shared>>, %arg12: memref<!tpu.dma_semaphore, #tpu.memory_space<semaphore_mem>>, %arg13: memref<!tpu.dma_semaphore, #tpu.memory_space<semaphore_mem>>) attributes {dimension_semantics = [#tpu.dimension_semantics<core_parallel>, #tpu.dimension_semantics<subcore_parallel>], iteration_bounds = array<i64: 2, 16>, scalar_prefetch = 0 : i64, scratch_operands = 7 : i64, tpu.core_type = #tpu.core_type<sc_vector_subcore>, window_params = [{transform_indices = #map}, {transform_indices = #map1}, {transform_indices = #map1}, {transform_indices = #map1}, {transform_indices = #map}]} {
    %run_scoped3A = arith.constant 0 : i32
    "tpu.region"() ({
      %run_scoped3A_241 = tpu.sem_alloc : memref<!tpu.dma_semaphore, #tpu.memory_space<semaphore_mem>>
      %dma_start3A_242 = arith.constant 0 : i32
      %dma_start3A_243 = arith.constant 0 : i32
      %dma_start3A_244 = tpu.memref_slice %arg7[%run_scoped3A, %dma_start3A_242, %dma_start3A_243] : memref<2x80x128xi32, #tpu.memory_space<vmem>> -> memref<1x80x128xi32, #tpu.memory_space<vmem>>
      %dma_start3A_245 = tpu.memref_squeeze %dma_start3A_244 : memref<1x80x128xi32, #tpu.memory_space<vmem>> -> memref<80x128xi32, #tpu.memory_space<vmem>>
      %dma_start3A_246 = arith.constant 0 : i32
      %dma_start3A_247 = arith.constant 0 : i32
      %dma_start3A_248 = tpu.memref_slice %arg3[%arg1, %dma_start3A_246, %dma_start3A_247] : memref<16x80x128xi32, #tpu.memory_space<hbm>> -> memref<1x80x128xi32, #tpu.memory_space<hbm>>
      %dma_start3A_249 = tpu.memref_squeeze %dma_start3A_248 : memref<1x80x128xi32, #tpu.memory_space<hbm>> -> memref<80x128xi32, #tpu.memory_space<hbm>>
      %dma_start3A_250 = arith.constant 0 : i32
      %dma_start3A_251 = arith.constant 0 : i32
      %dma_start3A_252 = tpu.memref_slice %arg7[%run_scoped3A, %dma_start3A_250, %dma_start3A_251] : memref<2x80x128xi32, #tpu.memory_space<vmem>> -> memref<1x80x128xi32, #tpu.memory_space<vmem>>
      %dma_start3A_253 = tpu.memref_squeeze %dma_start3A_252 : memref<1x80x128xi32, #tpu.memory_space<vmem>> -> memref<80x128xi32, #tpu.memory_space<vmem>>
      %dma_start3A_254 = arith.constant 0 : i32
      %dma_start3A_255 = arith.constant 0 : i32
      %dma_start3A_256 = tpu.memref_slice %arg3[%arg1, %dma_start3A_254, %dma_start3A_255] : memref<16x80x128xi32, #tpu.memory_space<hbm>> -> memref<1x80x128xi32, #tpu.memory_space<hbm>>
      %dma_start3A_257 = tpu.memref_squeeze %dma_start3A_256 : memref<1x80x128xi32, #tpu.memory_space<hbm>> -> memref<80x128xi32, #tpu.memory_space<hbm>>
      tpu.enqueue_dma source(%dma_start3A_257 : memref<80x128xi32, #tpu.memory_space<hbm>>) target(%dma_start3A_253 : memref<80x128xi32, #tpu.memory_space<vmem>>) target_semaphore(%run_scoped3A_241 : memref<!tpu.dma_semaphore, #tpu.memory_space<semaphore_mem>>)
      %dma_wait3A_258 = arith.constant 0 : i32
      %dma_wait3A_259 = arith.constant 0 : i32
      %dma_wait3A_260 = tpu.memref_slice %arg7[%run_scoped3A, %dma_wait3A_258, %dma_wait3A_259] : memref<2x80x128xi32, #tpu.memory_space<vmem>> -> memref<1x80x128xi32, #tpu.memory_space<vmem>>
      %dma_wait3A_261 = tpu.memref_squeeze %dma_wait3A_260 : memref<1x80x128xi32, #tpu.memory_space<vmem>> -> memref<80x128xi32, #tpu.memory_space<vmem>>
      %dma_wait3A_262 = arith.constant 0 : i32
      %dma_wait3A_263 = arith.constant 0 : i32
      %dma_wait3A_264 = tpu.memref_slice %arg3[%arg1, %dma_wait3A_262, %dma_wait3A_263] : memref<16x80x128xi32, #tpu.memory_space<hbm>> -> memref<1x80x128xi32, #tpu.memory_space<hbm>>
      %dma_wait3A_265 = tpu.memref_squeeze %dma_wait3A_264 : memref<1x80x128xi32, #tpu.memory_space<hbm>> -> memref<80x128xi32, #tpu.memory_space<hbm>>
      %dma_wait3A_266 = arith.constant 0 : i32
      %dma_wait3A_267 = arith.constant 0 : i32
      %dma_wait3A_268 = tpu.memref_slice %arg7[%run_scoped3A, %dma_wait3A_266, %dma_wait3A_267] : memref<2x80x128xi32, #tpu.memory_space<vmem>> -> memref<1x80x128xi32, #tpu.memory_space<vmem>>
      %dma_wait3A_269 = tpu.memref_squeeze %dma_wait3A_268 : memref<1x80x128xi32, #tpu.memory_space<vmem>> -> memref<80x128xi32, #tpu.memory_space<vmem>>
      %dma_wait3A_270 = arith.constant 0 : i32
      %dma_wait3A_271 = arith.constant 0 : i32
      %dma_wait3A_272 = tpu.memref_slice %arg3[%arg1, %dma_wait3A_270, %dma_wait3A_271] : memref<16x80x128xi32, #tpu.memory_space<hbm>> -> memref<1x80x128xi32, #tpu.memory_space<hbm>>
      %dma_wait3A_273 = tpu.memref_squeeze %dma_wait3A_272 : memref<1x80x128xi32, #tpu.memory_space<hbm>> -> memref<80x128xi32, #tpu.memory_space<hbm>>
      tpu.wait_dma2 semaphore(%run_scoped3A_241 : memref<!tpu.dma_semaphore, #tpu.memory_space<semaphore_mem>>) src(%dma_wait3A_273 : memref<80x128xi32, #tpu.memory_space<hbm>>) dst(%dma_wait3A_269 : memref<80x128xi32, #tpu.memory_space<vmem>>)
      tpu.yield
    }) : () -> ()
    %run_scoped3A_0 = arith.constant 1 : i32
    "tpu.region"() ({
      %run_scoped3A_241 = tpu.sem_alloc : memref<!tpu.dma_semaphore, #tpu.memory_space<semaphore_mem>>
      %dma_start3A_242 = arith.constant 0 : i32
      %dma_start3A_243 = arith.constant 0 : i32
      %dma_start3A_244 = tpu.memref_slice %arg7[%run_scoped3A_0, %dma_start3A_242, %dma_start3A_243] : memref<2x80x128xi32, #tpu.memory_space<vmem>> -> memref<1x80x128xi32, #tpu.memory_space<vmem>>
      %dma_start3A_245 = tpu.memref_squeeze %dma_start3A_244 : memref<1x80x128xi32, #tpu.memory_space<vmem>> -> memref<80x128xi32, #tpu.memory_space<vmem>>
      %dma_start3A_246 = arith.constant 0 : i32
      %dma_start3A_247 = arith.constant 0 : i32
      %dma_start3A_248 = tpu.memref_slice %arg4[%arg1, %dma_start3A_246, %dma_start3A_247] : memref<16x80x128xi32, #tpu.memory_space<hbm>> -> memref<1x80x128xi32, #tpu.memory_space<hbm>>
      %dma_start3A_249 = tpu.memref_squeeze %dma_start3A_248 : memref<1x80x128xi32, #tpu.memory_space<hbm>> -> memref<80x128xi32, #tpu.memory_space<hbm>>
      %dma_start3A_250 = arith.constant 0 : i32
      %dma_start3A_251 = arith.constant 0 : i32
      %dma_start3A_252 = tpu.memref_slice %arg7[%run_scoped3A_0, %dma_start3A_250, %dma_start3A_251] : memref<2x80x128xi32, #tpu.memory_space<vmem>> -> memref<1x80x128xi32, #tpu.memory_space<vmem>>
      %dma_start3A_253 = tpu.memref_squeeze %dma_start3A_252 : memref<1x80x128xi32, #tpu.memory_space<vmem>> -> memref<80x128xi32, #tpu.memory_space<vmem>>
      %dma_start3A_254 = arith.constant 0 : i32
      %dma_start3A_255 = arith.constant 0 : i32
      %dma_start3A_256 = tpu.memref_slice %arg4[%arg1, %dma_start3A_254, %dma_start3A_255] : memref<16x80x128xi32, #tpu.memory_space<hbm>> -> memref<1x80x128xi32, #tpu.memory_space<hbm>>
      %dma_start3A_257 = tpu.memref_squeeze %dma_start3A_256 : memref<1x80x128xi32, #tpu.memory_space<hbm>> -> memref<80x128xi32, #tpu.memory_space<hbm>>
      tpu.enqueue_dma source(%dma_start3A_257 : memref<80x128xi32, #tpu.memory_space<hbm>>) target(%dma_start3A_253 : memref<80x128xi32, #tpu.memory_space<vmem>>) target_semaphore(%run_scoped3A_241 : memref<!tpu.dma_semaphore, #tpu.memory_space<semaphore_mem>>)
      %dma_wait3A_258 = arith.constant 0 : i32
      %dma_wait3A_259 = arith.constant 0 : i32
      %dma_wait3A_260 = tpu.memref_slice %arg7[%run_scoped3A_0, %dma_wait3A_258, %dma_wait3A_259] : memref<2x80x128xi32, #tpu.memory_space<vmem>> -> memref<1x80x128xi32, #tpu.memory_space<vmem>>
      %dma_wait3A_261 = tpu.memref_squeeze %dma_wait3A_260 : memref<1x80x128xi32, #tpu.memory_space<vmem>> -> memref<80x128xi32, #tpu.memory_space<vmem>>
      %dma_wait3A_262 = arith.constant 0 : i32
      %dma_wait3A_263 = arith.constant 0 : i32
      %dma_wait3A_264 = tpu.memref_slice %arg4[%arg1, %dma_wait3A_262, %dma_wait3A_263] : memref<16x80x128xi32, #tpu.memory_space<hbm>> -> memref<1x80x128xi32, #tpu.memory_space<hbm>>
      %dma_wait3A_265 = tpu.memref_squeeze %dma_wait3A_264 : memref<1x80x128xi32, #tpu.memory_space<hbm>> -> memref<80x128xi32, #tpu.memory_space<hbm>>
      %dma_wait3A_266 = arith.constant 0 : i32
      %dma_wait3A_267 = arith.constant 0 : i32
      %dma_wait3A_268 = tpu.memref_slice %arg7[%run_scoped3A_0, %dma_wait3A_266, %dma_wait3A_267] : memref<2x80x128xi32, #tpu.memory_space<vmem>> -> memref<1x80x128xi32, #tpu.memory_space<vmem>>
      %dma_wait3A_269 = tpu.memref_squeeze %dma_wait3A_268 : memref<1x80x128xi32, #tpu.memory_space<vmem>> -> memref<80x128xi32, #tpu.memory_space<vmem>>
      %dma_wait3A_270 = arith.constant 0 : i32
      %dma_wait3A_271 = arith.constant 0 : i32
      %dma_wait3A_272 = tpu.memref_slice %arg4[%arg1, %dma_wait3A_270, %dma_wait3A_271] : memref<16x80x128xi32, #tpu.memory_space<hbm>> -> memref<1x80x128xi32, #tpu.memory_space<hbm>>
      %dma_wait3A_273 = tpu.memref_squeeze %dma_wait3A_272 : memref<1x80x128xi32, #tpu.memory_space<hbm>> -> memref<80x128xi32, #tpu.memory_space<hbm>>
      tpu.wait_dma2 semaphore(%run_scoped3A_241 : memref<!tpu.dma_semaphore, #tpu.memory_space<semaphore_mem>>) src(%dma_wait3A_273 : memref<80x128xi32, #tpu.memory_space<hbm>>) dst(%dma_wait3A_269 : memref<80x128xi32, #tpu.memory_space<vmem>>)
      tpu.yield
    }) : () -> ()
    %scan3A = arith.constant 0 : i32
    %scan3A_1 = arith.constant 0 : i32
    %scan3A_2 = arith.constant 128 : i32
    %scan3A_3 = arith.addi %scan3A_1, %scan3A_2 : i32
    %scan3A_4 = arith.constant 1 : i32
    %scan3A_5 = scf.for %scan3A_241 = %scan3A_1 to %scan3A_3 step %scan3A_4 iter_args(%scan3A_242 = %scan3A) -> (i32)  : i32 {
      %scan3A_243 = arith.constant 0 : i32
      %scan3A_244 = arith.constant 0 : i32
      %scan3A_245 = arith.constant 4 : i32
      %scan3A_246 = arith.addi %scan3A_244, %scan3A_245 : i32
      %scan3A_247 = arith.constant 1 : i32
      %scan3A_248 = scf.for %scan3A_250 = %scan3A_244 to %scan3A_246 step %scan3A_247 iter_args(%scan3A_251 = %scan3A_243) -> (i32)  : i32 {
        %broadcast_in_dim3A = arith.constant 0.000000e+00 : bf16
        %broadcast_in_dim3A_252 = vector.broadcast %broadcast_in_dim3A : bf16 to vector<32xbf16>
        %mul3A_253 = arith.constant 32 : i32
        %mul3A_254 = arith.muli %scan3A_250, %mul3A_253 : i32
        %swap3A = arith.constant 0 : i32
        %swap3A_255 = arith.index_cast %swap3A : i32 to index
        %swap3A_256 = arith.index_cast %scan3A_241 : i32 to index
        %swap3A_257 = arith.index_cast %mul3A_254 : i32 to index
        %swap3A_258 = tpu.vector_load %arg8[%swap3A_255, %swap3A_256, %swap3A_257] {strides = array<i32>} : memref<8x128x128xbf16, #tpu.memory_space<vmem>>, vector<32xbf16>,
        tpu.vector_store %arg8[%swap3A_255, %swap3A_256, %swap3A_257], %broadcast_in_dim3A_252 {strides = array<i32>} : memref<8x128x128xbf16, #tpu.memory_space<vmem>>, vector<32xbf16>,
        %scan3A_259 = arith.constant 0 : i32
        scf.yield %scan3A_259 : i32
      }
      %scan3A_249 = arith.constant 4 : i32
      scf.yield %scan3A_248 : i32
    }
    %scan3A_6 = arith.constant 128 : i32
    %scan3A_7 = arith.constant 0 : i32
    %scan3A_8 = arith.constant 0 : i32
    %scan3A_9 = arith.constant 40 : i32
    %scan3A_10 = arith.addi %scan3A_8, %scan3A_9 : i32
    %scan3A_11 = arith.constant 1 : i32
    %scan3A_12 = scf.for %scan3A_241 = %scan3A_8 to %scan3A_10 step %scan3A_11 iter_args(%scan3A_242 = %scan3A_7) -> (i32)  : i32 {
      %broadcast_in_dim3A = arith.constant 0.000000e+00 : f32
      %broadcast_in_dim3A_243 = vector.broadcast %broadcast_in_dim3A : f32 to vector<16xf32>
      %mul3A_244 = arith.constant 16 : i32
      %mul3A_245 = arith.muli %scan3A_241, %mul3A_244 : i32
      %swap3A = arith.index_cast %mul3A_245 : i32 to index
      %swap3A_246 = tpu.vector_load %arg9[%swap3A] {strides = array<i32>} : memref<768xf32, #tpu.memory_space<vmem>>, vector<16xf32>,
      tpu.vector_store %arg9[%swap3A], %broadcast_in_dim3A_243 {strides = array<i32>} : memref<768xf32, #tpu.memory_space<vmem>>, vector<16xf32>,
      %scan3A_247 = arith.constant 0 : i32
      scf.yield %scan3A_247 : i32
    }
    %scan3A_13 = arith.constant 40 : i32
    %scan3A_14 = arith.constant 0 : i32
    %scan3A_15 = arith.constant 0 : i32
    %scan3A_16 = arith.constant 8 : i32
    %scan3A_17 = arith.addi %scan3A_15, %scan3A_16 : i32
    %scan3A_18 = arith.constant 1 : i32
    %scan3A_19 = scf.for %scan3A_241 = %scan3A_15 to %scan3A_17 step %scan3A_18 iter_args(%scan3A_242 = %scan3A_14) -> (i32)  : i32 {
      %broadcast_in_dim3A = arith.constant 1.000000e+00 : f32
      %broadcast_in_dim3A_243 = vector.broadcast %broadcast_in_dim3A : f32 to vector<16xf32>
      %mul3A_244 = arith.constant 16 : i32
      %mul3A_245 = arith.muli %scan3A_241, %mul3A_244 : i32
      %add3A_246 = arith.constant 640 : i32
      %add3A_247 = arith.addi %add3A_246, %mul3A_245 : i32
      %swap3A = arith.index_cast %add3A_247 : i32 to index
      %swap3A_248 = tpu.vector_load %arg9[%swap3A] {strides = array<i32>} : memref<768xf32, #tpu.memory_space<vmem>>, vector<16xf32>,
      tpu.vector_store %arg9[%swap3A], %broadcast_in_dim3A_243 {strides = array<i32>} : memref<768xf32, #tpu.memory_space<vmem>>, vector<16xf32>,
      %scan3A_249 = arith.constant 0 : i32
      scf.yield %scan3A_249 : i32
    }
    %scan3A_20 = arith.constant 8 : i32
    %mul3A = arith.constant 640 : i32
    %mul3A_21 = arith.muli %arg1, %mul3A : i32
    %add3A = arith.constant 0 : i32
    %add3A_22 = arith.addi %mul3A_21, %add3A : i32
    %run_scoped3A_23 = arith.constant 0 : i32
    "tpu.region"() ({
      %run_scoped3A_241 = tpu.sem_alloc : memref<!tpu.dma_semaphore, #tpu.memory_space<semaphore_mem>>
      %dma_start3A_242 = arith.constant 0 : i32
      %dma_start3A_243 = arith.constant 0 : i32
      %dma_start3A_244 = tpu.memref_slice %arg8[%run_scoped3A_23, %dma_start3A_242, %dma_start3A_243] : memref<8x128x128xbf16, #tpu.memory_space<vmem>> -> memref<1x128x128xbf16, #tpu.memory_space<vmem>>
      %dma_start3A_245 = tpu.memref_squeeze %dma_start3A_244 : memref<1x128x128xbf16, #tpu.memory_space<vmem>> -> memref<128x128xbf16, #tpu.memory_space<vmem>>
      %dma_start3A_246 = arith.constant 0 : i32
      %dma_start3A_247 = tpu.memref_slice %arg10[%add3A_22, %dma_start3A_246] : memref<10240x128xbf16, #tpu.memory_space<vmem_shared>> -> memref<128x128xbf16, #tpu.memory_space<vmem_shared>>
      %dma_start3A_248 = arith.constant 0 : i32
      %dma_start3A_249 = tpu.memref_slice %arg10[%add3A_22, %dma_start3A_248] : memref<10240x128xbf16, #tpu.memory_space<vmem_shared>> -> memref<128x128xbf16, #tpu.memory_space<vmem_shared>>
      %dma_start3A_250 = arith.constant 0 : i32
      %dma_start3A_251 = arith.constant 0 : i32
      %dma_start3A_252 = tpu.memref_slice %arg8[%run_scoped3A_23, %dma_start3A_250, %dma_start3A_251] : memref<8x128x128xbf16, #tpu.memory_space<vmem>> -> memref<1x128x128xbf16, #tpu.memory_space<vmem>>
      %dma_start3A_253 = tpu.memref_squeeze %dma_start3A_252 : memref<1x128x128xbf16, #tpu.memory_space<vmem>> -> memref<128x128xbf16, #tpu.memory_space<vmem>>
      tpu.enqueue_dma source(%dma_start3A_253 : memref<128x128xbf16, #tpu.memory_space<vmem>>) target(%dma_start3A_249 : memref<128x128xbf16, #tpu.memory_space<vmem_shared>>) target_semaphore(%run_scoped3A_241 : memref<!tpu.dma_semaphore, #tpu.memory_space<semaphore_mem>>)
      %dma_wait3A_254 = arith.constant 0 : i32
      %dma_wait3A_255 = arith.constant 0 : i32
      %dma_wait3A_256 = tpu.memref_slice %arg8[%run_scoped3A_23, %dma_wait3A_254, %dma_wait3A_255] : memref<8x128x128xbf16, #tpu.memory_space<vmem>> -> memref<1x128x128xbf16, #tpu.memory_space<vmem>>
      %dma_wait3A_257 = tpu.memref_squeeze %dma_wait3A_256 : memref<1x128x128xbf16, #tpu.memory_space<vmem>> -> memref<128x128xbf16, #tpu.memory_space<vmem>>
      %dma_wait3A_258 = arith.constant 0 : i32
      %dma_wait3A_259 = tpu.memref_slice %arg10[%add3A_22, %dma_wait3A_258] : memref<10240x128xbf16, #tpu.memory_space<vmem_shared>> -> memref<128x128xbf16, #tpu.memory_space<vmem_shared>>
      %dma_wait3A_260 = arith.constant 0 : i32
      %dma_wait3A_261 = tpu.memref_slice %arg10[%add3A_22, %dma_wait3A_260] : memref<10240x128xbf16, #tpu.memory_space<vmem_shared>> -> memref<128x128xbf16, #tpu.memory_space<vmem_shared>>
      %dma_wait3A_262 = arith.constant 0 : i32
      %dma_wait3A_263 = arith.constant 0 : i32
      %dma_wait3A_264 = tpu.memref_slice %arg8[%run_scoped3A_23, %dma_wait3A_262, %dma_wait3A_263] : memref<8x128x128xbf16, #tpu.memory_space<vmem>> -> memref<1x128x128xbf16, #tpu.memory_space<vmem>>
      %dma_wait3A_265 = tpu.memref_squeeze %dma_wait3A_264 : memref<1x128x128xbf16, #tpu.memory_space<vmem>> -> memref<128x128xbf16, #tpu.memory_space<vmem>>
      tpu.wait_dma2 semaphore(%run_scoped3A_241 : memref<!tpu.dma_semaphore, #tpu.memory_space<semaphore_mem>>) src(%dma_wait3A_265 : memref<128x128xbf16, #tpu.memory_space<vmem>>) dst(%dma_wait3A_261 : memref<128x128xbf16, #tpu.memory_space<vmem_shared>>)
      tpu.yield
    }) : () -> ()
    %mul3A_24 = arith.constant 640 : i32
    %mul3A_25 = arith.muli %arg1, %mul3A_24 : i32
    %add3A_26 = arith.constant 128 : i32
    %add3A_27 = arith.addi %mul3A_25, %add3A_26 : i32
    %run_scoped3A_28 = arith.constant 0 : i32
    "tpu.region"() ({
      %run_scoped3A_241 = tpu.sem_alloc : memref<!tpu.dma_semaphore, #tpu.memory_space<semaphore_mem>>
      %dma_start3A_242 = arith.constant 0 : i32
      %dma_start3A_243 = arith.constant 0 : i32
      %dma_start3A_244 = tpu.memref_slice %arg8[%run_scoped3A_28, %dma_start3A_242, %dma_start3A_243] : memref<8x128x128xbf16, #tpu.memory_space<vmem>> -> memref<1x128x128xbf16, #tpu.memory_space<vmem>>
      %dma_start3A_245 = tpu.memref_squeeze %dma_start3A_244 : memref<1x128x128xbf16, #tpu.memory_space<vmem>> -> memref<128x128xbf16, #tpu.memory_space<vmem>>
      %dma_start3A_246 = arith.constant 0 : i32
      %dma_start3A_247 = tpu.memref_slice %arg10[%add3A_27, %dma_start3A_246] : memref<10240x128xbf16, #tpu.memory_space<vmem_shared>> -> memref<128x128xbf16, #tpu.memory_space<vmem_shared>>
      %dma_start3A_248 = arith.constant 0 : i32
      %dma_start3A_249 = tpu.memref_slice %arg10[%add3A_27, %dma_start3A_248] : memref<10240x128xbf16, #tpu.memory_space<vmem_shared>> -> memref<128x128xbf16, #tpu.memory_space<vmem_shared>>
      %dma_start3A_250 = arith.constant 0 : i32
      %dma_start3A_251 = arith.constant 0 : i32
      %dma_start3A_252 = tpu.memref_slice %arg8[%run_scoped3A_28, %dma_start3A_250, %dma_start3A_251] : memref<8x128x128xbf16, #tpu.memory_space<vmem>> -> memref<1x128x128xbf16, #tpu.memory_space<vmem>>
      %dma_start3A_253 = tpu.memref_squeeze %dma_start3A_252 : memref<1x128x128xbf16, #tpu.memory_space<vmem>> -> memref<128x128xbf16, #tpu.memory_space<vmem>>
      tpu.enqueue_dma source(%dma_start3A_253 : memref<128x128xbf16, #tpu.memory_space<vmem>>) target(%dma_start3A_249 : memref<128x128xbf16, #tpu.memory_space<vmem_shared>>) target_semaphore(%run_scoped3A_241 : memref<!tpu.dma_semaphore, #tpu.memory_space<semaphore_mem>>)
      %dma_wait3A_254 = arith.constant 0 : i32
      %dma_wait3A_255 = arith.constant 0 : i32
      %dma_wait3A_256 = tpu.memref_slice %arg8[%run_scoped3A_28, %dma_wait3A_254, %dma_wait3A_255] : memref<8x128x128xbf16, #tpu.memory_space<vmem>> -> memref<1x128x128xbf16, #tpu.memory_space<vmem>>
      %dma_wait3A_257 = tpu.memref_squeeze %dma_wait3A_256 : memref<1x128x128xbf16, #tpu.memory_space<vmem>> -> memref<128x128xbf16, #tpu.memory_space<vmem>>
      %dma_wait3A_258 = arith.constant 0 : i32
      %dma_wait3A_259 = tpu.memref_slice %arg10[%add3A_27, %dma_wait3A_258] : memref<10240x128xbf16, #tpu.memory_space<vmem_shared>> -> memref<128x128xbf16, #tpu.memory_space<vmem_shared>>
      %dma_wait3A_260 = arith.constant 0 : i32
      %dma_wait3A_261 = tpu.memref_slice %arg10[%add3A_27, %dma_wait3A_260] : memref<10240x128xbf16, #tpu.memory_space<vmem_shared>> -> memref<128x128xbf16, #tpu.memory_space<vmem_shared>>
      %dma_wait3A_262 = arith.constant 0 : i32
      %dma_wait3A_263 = arith.constant 0 : i32
      %dma_wait3A_264 = tpu.memref_slice %arg8[%run_scoped3A_28, %dma_wait3A_262, %dma_wait3A_263] : memref<8x128x128xbf16, #tpu.memory_space<vmem>> -> memref<1x128x128xbf16, #tpu.memory_space<vmem>>
      %dma_wait3A_265 = tpu.memref_squeeze %dma_wait3A_264 : memref<1x128x128xbf16, #tpu.memory_space<vmem>> -> memref<128x128xbf16, #tpu.memory_space<vmem>>
      tpu.wait_dma2 semaphore(%run_scoped3A_241 : memref<!tpu.dma_semaphore, #tpu.memory_space<semaphore_mem>>) src(%dma_wait3A_265 : memref<128x128xbf16, #tpu.memory_space<vmem>>) dst(%dma_wait3A_261 : memref<128x128xbf16, #tpu.memory_space<vmem_shared>>)
      tpu.yield
    }) : () -> ()
    %mul3A_29 = arith.constant 640 : i32
    %mul3A_30 = arith.muli %arg1, %mul3A_29 : i32
    %add3A_31 = arith.constant 256 : i32
    %add3A_32 = arith.addi %mul3A_30, %add3A_31 : i32
    %run_scoped3A_33 = arith.constant 0 : i32
    "tpu.region"() ({
      %run_scoped3A_241 = tpu.sem_alloc : memref<!tpu.dma_semaphore, #tpu.memory_space<semaphore_mem>>
      %dma_start3A_242 = arith.constant 0 : i32
      %dma_start3A_243 = arith.constant 0 : i32
      %dma_start3A_244 = tpu.memref_slice %arg8[%run_scoped3A_33, %dma_start3A_242, %dma_start3A_243] : memref<8x128x128xbf16, #tpu.memory_space<vmem>> -> memref<1x128x128xbf16, #tpu.memory_space<vmem>>
      %dma_start3A_245 = tpu.memref_squeeze %dma_start3A_244 : memref<1x128x128xbf16, #tpu.memory_space<vmem>> -> memref<128x128xbf16, #tpu.memory_space<vmem>>
      %dma_start3A_246 = arith.constant 0 : i32
      %dma_start3A_247 = tpu.memref_slice %arg10[%add3A_32, %dma_start3A_246] : memref<10240x128xbf16, #tpu.memory_space<vmem_shared>> -> memref<128x128xbf16, #tpu.memory_space<vmem_shared>>
      %dma_start3A_248 = arith.constant 0 : i32
      %dma_start3A_249 = tpu.memref_slice %arg10[%add3A_32, %dma_start3A_248] : memref<10240x128xbf16, #tpu.memory_space<vmem_shared>> -> memref<128x128xbf16, #tpu.memory_space<vmem_shared>>
      %dma_start3A_250 = arith.constant 0 : i32
      %dma_start3A_251 = arith.constant 0 : i32
      %dma_start3A_252 = tpu.memref_slice %arg8[%run_scoped3A_33, %dma_start3A_250, %dma_start3A_251] : memref<8x128x128xbf16, #tpu.memory_space<vmem>> -> memref<1x128x128xbf16, #tpu.memory_space<vmem>>
      %dma_start3A_253 = tpu.memref_squeeze %dma_start3A_252 : memref<1x128x128xbf16, #tpu.memory_space<vmem>> -> memref<128x128xbf16, #tpu.memory_space<vmem>>
      tpu.enqueue_dma source(%dma_start3A_253 : memref<128x128xbf16, #tpu.memory_space<vmem>>) target(%dma_start3A_249 : memref<128x128xbf16, #tpu.memory_space<vmem_shared>>) target_semaphore(%run_scoped3A_241 : memref<!tpu.dma_semaphore, #tpu.memory_space<semaphore_mem>>)
      %dma_wait3A_254 = arith.constant 0 : i32
      %dma_wait3A_255 = arith.constant 0 : i32
      %dma_wait3A_256 = tpu.memref_slice %arg8[%run_scoped3A_33, %dma_wait3A_254, %dma_wait3A_255] : memref<8x128x128xbf16, #tpu.memory_space<vmem>> -> memref<1x128x128xbf16, #tpu.memory_space<vmem>>
      %dma_wait3A_257 = tpu.memref_squeeze %dma_wait3A_256 : memref<1x128x128xbf16, #tpu.memory_space<vmem>> -> memref<128x128xbf16, #tpu.memory_space<vmem>>
      %dma_wait3A_258 = arith.constant 0 : i32
      %dma_wait3A_259 = tpu.memref_slice %arg10[%add3A_32, %dma_wait3A_258] : memref<10240x128xbf16, #tpu.memory_space<vmem_shared>> -> memref<128x128xbf16, #tpu.memory_space<vmem_shared>>
      %dma_wait3A_260 = arith.constant 0 : i32
      %dma_wait3A_261 = tpu.memref_slice %arg10[%add3A_32, %dma_wait3A_260] : memref<10240x128xbf16, #tpu.memory_space<vmem_shared>> -> memref<128x128xbf16, #tpu.memory_space<vmem_shared>>
      %dma_wait3A_262 = arith.constant 0 : i32
      %dma_wait3A_263 = arith.constant 0 : i32
      %dma_wait3A_264 = tpu.memref_slice %arg8[%run_scoped3A_33, %dma_wait3A_262, %dma_wait3A_263] : memref<8x128x128xbf16, #tpu.memory_space<vmem>> -> memref<1x128x128xbf16, #tpu.memory_space<vmem>>
      %dma_wait3A_265 = tpu.memref_squeeze %dma_wait3A_264 : memref<1x128x128xbf16, #tpu.memory_space<vmem>> -> memref<128x128xbf16, #tpu.memory_space<vmem>>
      tpu.wait_dma2 semaphore(%run_scoped3A_241 : memref<!tpu.dma_semaphore, #tpu.memory_space<semaphore_mem>>) src(%dma_wait3A_265 : memref<128x128xbf16, #tpu.memory_space<vmem>>) dst(%dma_wait3A_261 : memref<128x128xbf16, #tpu.memory_space<vmem_shared>>)
      tpu.yield
    }) : () -> ()
    %mul3A_34 = arith.constant 640 : i32
    %mul3A_35 = arith.muli %arg1, %mul3A_34 : i32
    %add3A_36 = arith.constant 384 : i32
    %add3A_37 = arith.addi %mul3A_35, %add3A_36 : i32
    %run_scoped3A_38 = arith.constant 0 : i32
    "tpu.region"() ({
      %run_scoped3A_241 = tpu.sem_alloc : memref<!tpu.dma_semaphore, #tpu.memory_space<semaphore_mem>>
      %dma_start3A_242 = arith.constant 0 : i32
      %dma_start3A_243 = arith.constant 0 : i32
      %dma_start3A_244 = tpu.memref_slice %arg8[%run_scoped3A_38, %dma_start3A_242, %dma_start3A_243] : memref<8x128x128xbf16, #tpu.memory_space<vmem>> -> memref<1x128x128xbf16, #tpu.memory_space<vmem>>
      %dma_start3A_245 = tpu.memref_squeeze %dma_start3A_244 : memref<1x128x128xbf16, #tpu.memory_space<vmem>> -> memref<128x128xbf16, #tpu.memory_space<vmem>>
      %dma_start3A_246 = arith.constant 0 : i32
      %dma_start3A_247 = tpu.memref_slice %arg10[%add3A_37, %dma_start3A_246] : memref<10240x128xbf16, #tpu.memory_space<vmem_shared>> -> memref<128x128xbf16, #tpu.memory_space<vmem_shared>>
      %dma_start3A_248 = arith.constant 0 : i32
      %dma_start3A_249 = tpu.memref_slice %arg10[%add3A_37, %dma_start3A_248] : memref<10240x128xbf16, #tpu.memory_space<vmem_shared>> -> memref<128x128xbf16, #tpu.memory_space<vmem_shared>>
      %dma_start3A_250 = arith.constant 0 : i32
      %dma_start3A_251 = arith.constant 0 : i32
      %dma_start3A_252 = tpu.memref_slice %arg8[%run_scoped3A_38, %dma_start3A_250, %dma_start3A_251] : memref<8x128x128xbf16, #tpu.memory_space<vmem>> -> memref<1x128x128xbf16, #tpu.memory_space<vmem>>
      %dma_start3A_253 = tpu.memref_squeeze %dma_start3A_252 : memref<1x128x128xbf16, #tpu.memory_space<vmem>> -> memref<128x128xbf16, #tpu.memory_space<vmem>>
      tpu.enqueue_dma source(%dma_start3A_253 : memref<128x128xbf16, #tpu.memory_space<vmem>>) target(%dma_start3A_249 : memref<128x128xbf16, #tpu.memory_space<vmem_shared>>) target_semaphore(%run_scoped3A_241 : memref<!tpu.dma_semaphore, #tpu.memory_space<semaphore_mem>>)
      %dma_wait3A_254 = arith.constant 0 : i32
      %dma_wait3A_255 = arith.constant 0 : i32
      %dma_wait3A_256 = tpu.memref_slice %arg8[%run_scoped3A_38, %dma_wait3A_254, %dma_wait3A_255] : memref<8x128x128xbf16, #tpu.memory_space<vmem>> -> memref<1x128x128xbf16, #tpu.memory_space<vmem>>
      %dma_wait3A_257 = tpu.memref_squeeze %dma_wait3A_256 : memref<1x128x128xbf16, #tpu.memory_space<vmem>> -> memref<128x128xbf16, #tpu.memory_space<vmem>>
      %dma_wait3A_258 = arith.constant 0 : i32
      %dma_wait3A_259 = tpu.memref_slice %arg10[%add3A_37, %dma_wait3A_258] : memref<10240x128xbf16, #tpu.memory_space<vmem_shared>> -> memref<128x128xbf16, #tpu.memory_space<vmem_shared>>
      %dma_wait3A_260 = arith.constant 0 : i32
      %dma_wait3A_261 = tpu.memref_slice %arg10[%add3A_37, %dma_wait3A_260] : memref<10240x128xbf16, #tpu.memory_space<vmem_shared>> -> memref<128x128xbf16, #tpu.memory_space<vmem_shared>>
      %dma_wait3A_262 = arith.constant 0 : i32
      %dma_wait3A_263 = arith.constant 0 : i32
      %dma_wait3A_264 = tpu.memref_slice %arg8[%run_scoped3A_38, %dma_wait3A_262, %dma_wait3A_263] : memref<8x128x128xbf16, #tpu.memory_space<vmem>> -> memref<1x128x128xbf16, #tpu.memory_space<vmem>>
      %dma_wait3A_265 = tpu.memref_squeeze %dma_wait3A_264 : memref<1x128x128xbf16, #tpu.memory_space<vmem>> -> memref<128x128xbf16, #tpu.memory_space<vmem>>
      tpu.wait_dma2 semaphore(%run_scoped3A_241 : memref<!tpu.dma_semaphore, #tpu.memory_space<semaphore_mem>>) src(%dma_wait3A_265 : memref<128x128xbf16, #tpu.memory_space<vmem>>) dst(%dma_wait3A_261 : memref<128x128xbf16, #tpu.memory_space<vmem_shared>>)
      tpu.yield
    }) : () -> ()
    %mul3A_39 = arith.constant 640 : i32
    %mul3A_40 = arith.muli %arg1, %mul3A_39 : i32
    %add3A_41 = arith.constant 512 : i32
    %add3A_42 = arith.addi %mul3A_40, %add3A_41 : i32
    %run_scoped3A_43 = arith.constant 0 : i32
    "tpu.region"() ({
      %run_scoped3A_241 = tpu.sem_alloc : memref<!tpu.dma_semaphore, #tpu.memory_space<semaphore_mem>>
      %dma_start3A_242 = arith.constant 0 : i32
      %dma_start3A_243 = arith.constant 0 : i32
      %dma_start3A_244 = tpu.memref_slice %arg8[%run_scoped3A_43, %dma_start3A_242, %dma_start3A_243] : memref<8x128x128xbf16, #tpu.memory_space<vmem>> -> memref<1x128x128xbf16, #tpu.memory_space<vmem>>
      %dma_start3A_245 = tpu.memref_squeeze %dma_start3A_244 : memref<1x128x128xbf16, #tpu.memory_space<vmem>> -> memref<128x128xbf16, #tpu.memory_space<vmem>>
      %dma_start3A_246 = arith.constant 0 : i32
      %dma_start3A_247 = tpu.memref_slice %arg10[%add3A_42, %dma_start3A_246] : memref<10240x128xbf16, #tpu.memory_space<vmem_shared>> -> memref<128x128xbf16, #tpu.memory_space<vmem_shared>>
      %dma_start3A_248 = arith.constant 0 : i32
      %dma_start3A_249 = tpu.memref_slice %arg10[%add3A_42, %dma_start3A_248] : memref<10240x128xbf16, #tpu.memory_space<vmem_shared>> -> memref<128x128xbf16, #tpu.memory_space<vmem_shared>>
      %dma_start3A_250 = arith.constant 0 : i32
      %dma_start3A_251 = arith.constant 0 : i32
      %dma_start3A_252 = tpu.memref_slice %arg8[%run_scoped3A_43, %dma_start3A_250, %dma_start3A_251] : memref<8x128x128xbf16, #tpu.memory_space<vmem>> -> memref<1x128x128xbf16, #tpu.memory_space<vmem>>
      %dma_start3A_253 = tpu.memref_squeeze %dma_start3A_252 : memref<1x128x128xbf16, #tpu.memory_space<vmem>> -> memref<128x128xbf16, #tpu.memory_space<vmem>>
      tpu.enqueue_dma source(%dma_start3A_253 : memref<128x128xbf16, #tpu.memory_space<vmem>>) target(%dma_start3A_249 : memref<128x128xbf16, #tpu.memory_space<vmem_shared>>) target_semaphore(%run_scoped3A_241 : memref<!tpu.dma_semaphore, #tpu.memory_space<semaphore_mem>>)
      %dma_wait3A_254 = arith.constant 0 : i32
      %dma_wait3A_255 = arith.constant 0 : i32
      %dma_wait3A_256 = tpu.memref_slice %arg8[%run_scoped3A_43, %dma_wait3A_254, %dma_wait3A_255] : memref<8x128x128xbf16, #tpu.memory_space<vmem>> -> memref<1x128x128xbf16, #tpu.memory_space<vmem>>
      %dma_wait3A_257 = tpu.memref_squeeze %dma_wait3A_256 : memref<1x128x128xbf16, #tpu.memory_space<vmem>> -> memref<128x128xbf16, #tpu.memory_space<vmem>>
      %dma_wait3A_258 = arith.constant 0 : i32
      %dma_wait3A_259 = tpu.memref_slice %arg10[%add3A_42, %dma_wait3A_258] : memref<10240x128xbf16, #tpu.memory_space<vmem_shared>> -> memref<128x128xbf16, #tpu.memory_space<vmem_shared>>
      %dma_wait3A_260 = arith.constant 0 : i32
      %dma_wait3A_261 = tpu.memref_slice %arg10[%add3A_42, %dma_wait3A_260] : memref<10240x128xbf16, #tpu.memory_space<vmem_shared>> -> memref<128x128xbf16, #tpu.memory_space<vmem_shared>>
      %dma_wait3A_262 = arith.constant 0 : i32
      %dma_wait3A_263 = arith.constant 0 : i32
      %dma_wait3A_264 = tpu.memref_slice %arg8[%run_scoped3A_43, %dma_wait3A_262, %dma_wait3A_263] : memref<8x128x128xbf16, #tpu.memory_space<vmem>> -> memref<1x128x128xbf16, #tpu.memory_space<vmem>>
      %dma_wait3A_265 = tpu.memref_squeeze %dma_wait3A_264 : memref<1x128x128xbf16, #tpu.memory_space<vmem>> -> memref<128x128xbf16, #tpu.memory_space<vmem>>
      tpu.wait_dma2 semaphore(%run_scoped3A_241 : memref<!tpu.dma_semaphore, #tpu.memory_space<semaphore_mem>>) src(%dma_wait3A_265 : memref<128x128xbf16, #tpu.memory_space<vmem>>) dst(%dma_wait3A_261 : memref<128x128xbf16, #tpu.memory_space<vmem_shared>>)
      tpu.yield
    }) : () -> ()
    %mul3A_44 = arith.constant 640 : i32
    %mul3A_45 = arith.muli %arg1, %mul3A_44 : i32
    "tpu.region"() ({
      %run_scoped3A_241 = tpu.sem_alloc : memref<!tpu.dma_semaphore, #tpu.memory_space<semaphore_mem>>
      %dma_start3A_242 = arith.constant 0 : i32
      %dma_start3A_243 = tpu.memref_slice %arg9[%dma_start3A_242] : memref<768xf32, #tpu.memory_space<vmem>> -> memref<640xf32, #tpu.memory_space<vmem>>
      %dma_start3A_244 = tpu.memref_slice %arg11[%mul3A_45] : memref<10240xf32, #tpu.memory_space<vmem_shared>> -> memref<640xf32, #tpu.memory_space<vmem_shared>>
      %dma_start3A_245 = tpu.memref_slice %arg11[%mul3A_45] : memref<10240xf32, #tpu.memory_space<vmem_shared>> -> memref<640xf32, #tpu.memory_space<vmem_shared>>
      %dma_start3A_246 = arith.constant 0 : i32
      %dma_start3A_247 = tpu.memref_slice %arg9[%dma_start3A_246] : memref<768xf32, #tpu.memory_space<vmem>> -> memref<640xf32, #tpu.memory_space<vmem>>
      tpu.enqueue_dma source(%dma_start3A_247 : memref<640xf32, #tpu.memory_space<vmem>>) target(%dma_start3A_245 : memref<640xf32, #tpu.memory_space<vmem_shared>>) target_semaphore(%run_scoped3A_241 : memref<!tpu.dma_semaphore, #tpu.memory_space<semaphore_mem>>)
      %dma_wait3A_248 = arith.constant 0 : i32
      %dma_wait3A_249 = tpu.memref_slice %arg9[%dma_wait3A_248] : memref<768xf32, #tpu.memory_space<vmem>> -> memref<640xf32, #tpu.memory_space<vmem>>
      %dma_wait3A_250 = tpu.memref_slice %arg11[%mul3A_45] : memref<10240xf32, #tpu.memory_space<vmem_shared>> -> memref<640xf32, #tpu.memory_space<vmem_shared>>
      %dma_wait3A_251 = tpu.memref_slice %arg11[%mul3A_45] : memref<10240xf32, #tpu.memory_space<vmem_shared>> -> memref<640xf32, #tpu.memory_space<vmem_shared>>
      %dma_wait3A_252 = arith.constant 0 : i32
      %dma_wait3A_253 = tpu.memref_slice %arg9[%dma_wait3A_252] : memref<768xf32, #tpu.memory_space<vmem>> -> memref<640xf32, #tpu.memory_space<vmem>>
      tpu.wait_dma2 semaphore(%run_scoped3A_241 : memref<!tpu.dma_semaphore, #tpu.memory_space<semaphore_mem>>) src(%dma_wait3A_253 : memref<640xf32, #tpu.memory_space<vmem>>) dst(%dma_wait3A_251 : memref<640xf32, #tpu.memory_space<vmem_shared>>)
      tpu.yield
    }) : () -> ()
    %mul3A_46 = arith.constant 10000 : i32
    %mul3A_47 = arith.muli %arg0, %mul3A_46 : i32
    %scan3A_48 = arith.constant 0 : i32
    %scan3A_49 = arith.constant 0 : i32
    %scan3A_50 = arith.constant 80 : i32
    %scan3A_51 = arith.addi %scan3A_49, %scan3A_50 : i32
    %scan3A_52 = arith.constant 1 : i32
    %scan3A_53 = scf.for %scan3A_241 = %scan3A_49 to %scan3A_51 step %scan3A_52 iter_args(%scan3A_242 = %scan3A_48) -> (i32)  : i32 {
      %scan3A_243 = arith.constant 0 : i32
      %scan3A_244 = arith.constant 0 : i32
      %scan3A_245 = arith.constant 8 : i32
      %scan3A_246 = arith.addi %scan3A_244, %scan3A_245 : i32
      %scan3A_247 = arith.constant 1 : i32
      %scan3A_248 = scf.for %scan3A_250 = %scan3A_244 to %scan3A_246 step %scan3A_247 iter_args(%scan3A_251 = %scan3A_243) -> (i32)  : i32 {
        %mul3A_252 = arith.constant 16 : i32
        %mul3A_253 = arith.muli %scan3A_250, %mul3A_252 : i32
        %get3A = arith.constant 0 : i32
        %get3A_254 = arith.index_cast %get3A : i32 to index
        %get3A_255 = arith.index_cast %scan3A_241 : i32 to index
        %get3A_256 = arith.index_cast %mul3A_253 : i32 to index
        %get3A_257 = tpu.vector_load %arg7[%get3A_254, %get3A_255, %get3A_256] {strides = array<i32>} : memref<2x80x128xi32, #tpu.memory_space<vmem>>, vector<16xi32>,
        %add3A_258 = vector.broadcast %mul3A_47 : i32 to vector<16xi32>
        %add3A_259 = arith.addi %get3A_257, %add3A_258 : vector<16xi32>
        %mul3A_260 = arith.constant 16 : i32
        %mul3A_261 = arith.muli %scan3A_250, %mul3A_260 : i32
        %swap3A = arith.constant 0 : i32
        %swap3A_262 = arith.index_cast %swap3A : i32 to index
        %swap3A_263 = arith.index_cast %scan3A_241 : i32 to index
        %swap3A_264 = arith.index_cast %mul3A_261 : i32 to index
        %swap3A_265 = tpu.vector_load %arg7[%swap3A_262, %swap3A_263, %swap3A_264] {strides = array<i32>} : memref<2x80x128xi32, #tpu.memory_space<vmem>>, vector<16xi32>,
        tpu.vector_store %arg7[%swap3A_262, %swap3A_263, %swap3A_264], %add3A_259 {strides = array<i32>} : memref<2x80x128xi32, #tpu.memory_space<vmem>>, vector<16xi32>,
        %scan3A_266 = arith.constant 0 : i32
        scf.yield %scan3A_266 : i32
      }
      %scan3A_249 = arith.constant 8 : i32
      scf.yield %scan3A_248 : i32
    }
    %scan3A_54 = arith.constant 80 : i32
    %barrier3A = arith.constant 0 : index
    tpu.barrier barrier_id(%barrier3A)
    %dma_start3A = arith.constant 0 : i32
    %dma_start3A_55 = arith.constant 0 : i32
    %dma_start3A_56 = arith.constant 0 : i32
    %dma_start3A_57 = arith.constant 0 : i32
    %dma_start3A_58 = arith.constant 0 : i32
    %dma_start3A_59 = tpu.memref_slice %arg8[%dma_start3A_56, %dma_start3A_57, %dma_start3A_58] : memref<8x128x128xbf16, #tpu.memory_space<vmem>> -> memref<1x128x128xbf16, #tpu.memory_space<vmem>>
    %dma_start3A_60 = tpu.memref_squeeze %dma_start3A_59 : memref<1x128x128xbf16, #tpu.memory_space<vmem>> -> memref<128x128xbf16, #tpu.memory_space<vmem>>
    %dma_start3A_61 = arith.constant 0 : i32
    %dma_start3A_62 = tpu.memref_slice %arg7[%dma_start3A, %dma_start3A_55, %dma_start3A_61] : memref<2x80x128xi32, #tpu.memory_space<vmem>> -> memref<1x1x128xi32, #tpu.memory_space<vmem>>
    %dma_start3A_63 = tpu.memref_squeeze %dma_start3A_62 : memref<1x1x128xi32, #tpu.memory_space<vmem>> -> memref<128xi32, #tpu.memory_space<vmem>>
    %dma_start3A_64 = arith.constant 0 : i32
    %dma_start3A_65 = arith.constant 0 : i32
    %dma_start3A_66 = tpu.memref_slice %arg2[%dma_start3A_64, %dma_start3A_65] : memref<20000x128xbf16, #tpu.memory_space<hbm>> -> memref<20000x128xbf16, #tpu.memory_space<hbm>>
    tpu.enqueue_indirect_dma source(%dma_start3A_66 : memref<20000x128xbf16, #tpu.memory_space<hbm>>) target(%dma_start3A_60 : memref<128x128xbf16, #tpu.memory_space<vmem>>) offsets(%dma_start3A_63 : memref<128xi32, #tpu.memory_space<vmem>>) semaphore(%arg12 : memref<!tpu.dma_semaphore, #tpu.memory_space<semaphore_mem>>)
    %dma_start3A_67 = arith.constant 0 : i32
    %dma_start3A_68 = arith.constant 1 : i32
    %dma_start3A_69 = arith.constant 1 : i32
    %dma_start3A_70 = arith.constant 0 : i32
    %dma_start3A_71 = arith.constant 0 : i32
    %dma_start3A_72 = tpu.memref_slice %arg8[%dma_start3A_69, %dma_start3A_70, %dma_start3A_71] : memref<8x128x128xbf16, #tpu.memory_space<vmem>> -> memref<1x128x128xbf16, #tpu.memory_space<vmem>>
    %dma_start3A_73 = tpu.memref_squeeze %dma_start3A_72 : memref<1x128x128xbf16, #tpu.memory_space<vmem>> -> memref<128x128xbf16, #tpu.memory_space<vmem>>
    %dma_start3A_74 = arith.constant 0 : i32
    %dma_start3A_75 = tpu.memref_slice %arg7[%dma_start3A_67, %dma_start3A_68, %dma_start3A_74] : memref<2x80x128xi32, #tpu.memory_space<vmem>> -> memref<1x1x128xi32, #tpu.memory_space<vmem>>
    %dma_start3A_76 = tpu.memref_squeeze %dma_start3A_75 : memref<1x1x128xi32, #tpu.memory_space<vmem>> -> memref<128xi32, #tpu.memory_space<vmem>>
    %dma_start3A_77 = arith.constant 0 : i32
    %dma_start3A_78 = arith.constant 0 : i32
    %dma_start3A_79 = tpu.memref_slice %arg2[%dma_start3A_77, %dma_start3A_78] : memref<20000x128xbf16, #tpu.memory_space<hbm>> -> memref<20000x128xbf16, #tpu.memory_space<hbm>>
    tpu.enqueue_indirect_dma source(%dma_start3A_79 : memref<20000x128xbf16, #tpu.memory_space<hbm>>) target(%dma_start3A_73 : memref<128x128xbf16, #tpu.memory_space<vmem>>) offsets(%dma_start3A_76 : memref<128xi32, #tpu.memory_space<vmem>>) semaphore(%arg12 : memref<!tpu.dma_semaphore, #tpu.memory_space<semaphore_mem>>)
    %dma_start3A_80 = arith.constant 0 : i32
    %dma_start3A_81 = arith.constant 2 : i32
    %dma_start3A_82 = arith.constant 2 : i32
    %dma_start3A_83 = arith.constant 0 : i32
    %dma_start3A_84 = arith.constant 0 : i32
    %dma_start3A_85 = tpu.memref_slice %arg8[%dma_start3A_82, %dma_start3A_83, %dma_start3A_84] : memref<8x128x128xbf16, #tpu.memory_space<vmem>> -> memref<1x128x128xbf16, #tpu.memory_space<vmem>>
    %dma_start3A_86 = tpu.memref_squeeze %dma_start3A_85 : memref<1x128x128xbf16, #tpu.memory_space<vmem>> -> memref<128x128xbf16, #tpu.memory_space<vmem>>
    %dma_start3A_87 = arith.constant 0 : i32
    %dma_start3A_88 = tpu.memref_slice %arg7[%dma_start3A_80, %dma_start3A_81, %dma_start3A_87] : memref<2x80x128xi32, #tpu.memory_space<vmem>> -> memref<1x1x128xi32, #tpu.memory_space<vmem>>
    %dma_start3A_89 = tpu.memref_squeeze %dma_start3A_88 : memref<1x1x128xi32, #tpu.memory_space<vmem>> -> memref<128xi32, #tpu.memory_space<vmem>>
    %dma_start3A_90 = arith.constant 0 : i32
    %dma_start3A_91 = arith.constant 0 : i32
    %dma_start3A_92 = tpu.memref_slice %arg2[%dma_start3A_90, %dma_start3A_91] : memref<20000x128xbf16, #tpu.memory_space<hbm>> -> memref<20000x128xbf16, #tpu.memory_space<hbm>>
    tpu.enqueue_indirect_dma source(%dma_start3A_92 : memref<20000x128xbf16, #tpu.memory_space<hbm>>) target(%dma_start3A_86 : memref<128x128xbf16, #tpu.memory_space<vmem>>) offsets(%dma_start3A_89 : memref<128xi32, #tpu.memory_space<vmem>>) semaphore(%arg12 : memref<!tpu.dma_semaphore, #tpu.memory_space<semaphore_mem>>)
    %dma_start3A_93 = arith.constant 0 : i32
    %dma_start3A_94 = arith.constant 3 : i32
    %dma_start3A_95 = arith.constant 3 : i32
    %dma_start3A_96 = arith.constant 0 : i32
    %dma_start3A_97 = arith.constant 0 : i32
    %dma_start3A_98 = tpu.memref_slice %arg8[%dma_start3A_95, %dma_start3A_96, %dma_start3A_97] : memref<8x128x128xbf16, #tpu.memory_space<vmem>> -> memref<1x128x128xbf16, #tpu.memory_space<vmem>>
    %dma_start3A_99 = tpu.memref_squeeze %dma_start3A_98 : memref<1x128x128xbf16, #tpu.memory_space<vmem>> -> memref<128x128xbf16, #tpu.memory_space<vmem>>
    %dma_start3A_100 = arith.constant 0 : i32
    %dma_start3A_101 = tpu.memref_slice %arg7[%dma_start3A_93, %dma_start3A_94, %dma_start3A_100] : memref<2x80x128xi32, #tpu.memory_space<vmem>> -> memref<1x1x128xi32, #tpu.memory_space<vmem>>
    %dma_start3A_102 = tpu.memref_squeeze %dma_start3A_101 : memref<1x1x128xi32, #tpu.memory_space<vmem>> -> memref<128xi32, #tpu.memory_space<vmem>>
    %dma_start3A_103 = arith.constant 0 : i32
    %dma_start3A_104 = arith.constant 0 : i32
    %dma_start3A_105 = tpu.memref_slice %arg2[%dma_start3A_103, %dma_start3A_104] : memref<20000x128xbf16, #tpu.memory_space<hbm>> -> memref<20000x128xbf16, #tpu.memory_space<hbm>>
    tpu.enqueue_indirect_dma source(%dma_start3A_105 : memref<20000x128xbf16, #tpu.memory_space<hbm>>) target(%dma_start3A_99 : memref<128x128xbf16, #tpu.memory_space<vmem>>) offsets(%dma_start3A_102 : memref<128xi32, #tpu.memory_space<vmem>>) semaphore(%arg12 : memref<!tpu.dma_semaphore, #tpu.memory_space<semaphore_mem>>)
    %scan3A_106 = arith.constant 0 : i32
    %scan3A_107 = arith.constant 0 : i32
    %scan3A_108 = arith.constant 10 : i32
    %scan3A_109 = arith.addi %scan3A_107, %scan3A_108 : i32
    %scan3A_110 = arith.constant 1 : i32
    %scan3A_111 = scf.for %scan3A_241 = %scan3A_107 to %scan3A_109 step %scan3A_110 iter_args(%scan3A_242 = %scan3A_106) -> (i32)  : i32 {
      %mul3A_243 = arith.constant 8 : i32
      %mul3A_244 = arith.muli %scan3A_241, %mul3A_243 : i32
      %add3A_245 = arith.constant 0 : i32
      %add3A_246 = arith.addi %mul3A_244, %add3A_245 : i32
      %add3A_247 = arith.constant 4 : i32
      %add3A_248 = arith.addi %add3A_246, %add3A_247 : i32
      %lt3A = arith.constant 80 : i32
      %lt3A_249 = arith.cmpi slt, %add3A_248, %lt3A : i32
      %convert_element_type3A = arith.extui %lt3A_249 : i1 to i32
      %cond3A = arith.constant 0 : i32
      %cond3A_250 = arith.cmpi ne, %convert_element_type3A, %cond3A : i32
      scf.if %cond3A_250 {
        %ge3A = arith.constant 4 : i32
        %ge3A_521 = arith.cmpi sge, %add3A_246, %ge3A : i32
        %convert_element_type3A_522 = arith.extui %ge3A_521 : i1 to i32
        %cond3A_523 = arith.constant 0 : i32
        %cond3A_524 = arith.cmpi ne, %convert_element_type3A_522, %cond3A_523 : i32
        scf.if %cond3A_524 {
          %dma_wait3A_537 = arith.constant 0 : i32
          %dma_wait3A_538 = arith.constant 1 : i32
          %dma_wait3A_539 = arith.constant 0 : i32
          %dma_wait3A_540 = arith.constant 0 : i32
          %dma_wait3A_541 = arith.constant 0 : i32
          %dma_wait3A_542 = tpu.memref_slice %arg8[%dma_wait3A_537, %dma_wait3A_540, %dma_wait3A_541] : memref<8x128x128xbf16, #tpu.memory_space<vmem>> -> memref<1x128x128xbf16, #tpu.memory_space<vmem>>
          %dma_wait3A_543 = tpu.memref_squeeze %dma_wait3A_542 : memref<1x128x128xbf16, #tpu.memory_space<vmem>> -> memref<128x128xbf16, #tpu.memory_space<vmem>>
          %dma_wait3A_544 = arith.constant 0 : i32
          %dma_wait3A_545 = tpu.memref_slice %arg7[%dma_wait3A_538, %dma_wait3A_539, %dma_wait3A_544] : memref<2x80x128xi32, #tpu.memory_space<vmem>> -> memref<1x1x128xi32, #tpu.memory_space<vmem>>
          %dma_wait3A_546 = tpu.memref_squeeze %dma_wait3A_545 : memref<1x1x128xi32, #tpu.memory_space<vmem>> -> memref<128xi32, #tpu.memory_space<vmem>>
          %dma_wait3A_547 = arith.constant 0 : i32
          %dma_wait3A_548 = arith.constant 0 : i32
          %dma_wait3A_549 = tpu.memref_slice %arg10[%dma_wait3A_547, %dma_wait3A_548] : memref<10240x128xbf16, #tpu.memory_space<vmem_shared>> -> memref<10240x128xbf16, #tpu.memory_space<vmem_shared>>
          tpu.wait_indirect_dma semaphore(%arg13 : memref<!tpu.dma_semaphore, #tpu.memory_space<semaphore_mem>>) src(%dma_wait3A_543 : memref<128x128xbf16, #tpu.memory_space<vmem>>) dst(%dma_wait3A_549 : memref<10240x128xbf16, #tpu.memory_space<vmem_shared>>)
        } else {
        }
        %dma_start3A_525 = arith.constant 0 : i32
        %dma_start3A_526 = arith.constant 4 : i32
        %dma_start3A_527 = arith.constant 0 : i32
        %dma_start3A_528 = arith.constant 0 : i32
        %dma_start3A_529 = tpu.memref_slice %arg8[%dma_start3A_526, %dma_start3A_527, %dma_start3A_528] : memref<8x128x128xbf16, #tpu.memory_space<vmem>> -> memref<1x128x128xbf16, #tpu.memory_space<vmem>>
        %dma_start3A_530 = tpu.memref_squeeze %dma_start3A_529 : memref<1x128x128xbf16, #tpu.memory_space<vmem>> -> memref<128x128xbf16, #tpu.memory_space<vmem>>
        %dma_start3A_531 = arith.constant 0 : i32
        %dma_start3A_532 = tpu.memref_slice %arg7[%dma_start3A_525, %add3A_248, %dma_start3A_531] : memref<2x80x128xi32, #tpu.memory_space<vmem>> -> memref<1x1x128xi32, #tpu.memory_space<vmem>>
        %dma_start3A_533 = tpu.memref_squeeze %dma_start3A_532 : memref<1x1x128xi32, #tpu.memory_space<vmem>> -> memref<128xi32, #tpu.memory_space<vmem>>
        %dma_start3A_534 = arith.constant 0 : i32
        %dma_start3A_535 = arith.constant 0 : i32
        %dma_start3A_536 = tpu.memref_slice %arg2[%dma_start3A_534, %dma_start3A_535] : memref<20000x128xbf16, #tpu.memory_space<hbm>> -> memref<20000x128xbf16, #tpu.memory_space<hbm>>
        tpu.enqueue_indirect_dma source(%dma_start3A_536 : memref<20000x128xbf16, #tpu.memory_space<hbm>>) target(%dma_start3A_530 : memref<128x128xbf16, #tpu.memory_space<vmem>>) offsets(%dma_start3A_533 : memref<128xi32, #tpu.memory_space<vmem>>) semaphore(%arg12 : memref<!tpu.dma_semaphore, #tpu.memory_space<semaphore_mem>>)
      } else {
      }
      %dma_wait3A_251 = arith.constant 0 : i32
      %dma_wait3A_252 = arith.constant 0 : i32
      %dma_wait3A_253 = arith.constant 0 : i32
      %dma_wait3A_254 = arith.constant 0 : i32
      %dma_wait3A_255 = tpu.memref_slice %arg8[%dma_wait3A_252, %dma_wait3A_253, %dma_wait3A_254] : memref<8x128x128xbf16, #tpu.memory_space<vmem>> -> memref<1x128x128xbf16, #tpu.memory_space<vmem>>
      %dma_wait3A_256 = tpu.memref_squeeze %dma_wait3A_255 : memref<1x128x128xbf16, #tpu.memory_space<vmem>> -> memref<128x128xbf16, #tpu.memory_space<vmem>>
      %dma_wait3A_257 = arith.constant 0 : i32
      %dma_wait3A_258 = tpu.memref_slice %arg7[%dma_wait3A_251, %add3A_246, %dma_wait3A_257] : memref<2x80x128xi32, #tpu.memory_space<vmem>> -> memref<1x1x128xi32, #tpu.memory_space<vmem>>
      %dma_wait3A_259 = tpu.memref_squeeze %dma_wait3A_258 : memref<1x1x128xi32, #tpu.memory_space<vmem>> -> memref<128xi32, #tpu.memory_space<vmem>>
      %dma_wait3A_260 = arith.constant 0 : i32
      %dma_wait3A_261 = arith.constant 0 : i32
      %dma_wait3A_262 = tpu.memref_slice %arg2[%dma_wait3A_260, %dma_wait3A_261] : memref<20000x128xbf16, #tpu.memory_space<hbm>> -> memref<20000x128xbf16, #tpu.memory_space<hbm>>
      tpu.wait_indirect_dma semaphore(%arg12 : memref<!tpu.dma_semaphore, #tpu.memory_space<semaphore_mem>>) src(%dma_wait3A_262 : memref<20000x128xbf16, #tpu.memory_space<hbm>>) dst(%dma_wait3A_256 : memref<128x128xbf16, #tpu.memory_space<vmem>>)
      %dma_start3A_263 = arith.constant 0 : i32
      %dma_start3A_264 = arith.constant 1 : i32
      %dma_start3A_265 = arith.constant 0 : i32
      %dma_start3A_266 = arith.constant 0 : i32
      %dma_start3A_267 = tpu.memref_slice %arg8[%dma_start3A_263, %dma_start3A_265, %dma_start3A_266] : memref<8x128x128xbf16, #tpu.memory_space<vmem>> -> memref<1x128x128xbf16, #tpu.memory_space<vmem>>
      %dma_start3A_268 = tpu.memref_squeeze %dma_start3A_267 : memref<1x128x128xbf16, #tpu.memory_space<vmem>> -> memref<128x128xbf16, #tpu.memory_space<vmem>>
      %dma_start3A_269 = arith.constant 0 : i32
      %dma_start3A_270 = tpu.memref_slice %arg7[%dma_start3A_264, %add3A_246, %dma_start3A_269] : memref<2x80x128xi32, #tpu.memory_space<vmem>> -> memref<1x1x128xi32, #tpu.memory_space<vmem>>
      %dma_start3A_271 = tpu.memref_squeeze %dma_start3A_270 : memref<1x1x128xi32, #tpu.memory_space<vmem>> -> memref<128xi32, #tpu.memory_space<vmem>>
      %dma_start3A_272 = arith.constant 0 : i32
      %dma_start3A_273 = arith.constant 0 : i32
      %dma_start3A_274 = tpu.memref_slice %arg10[%dma_start3A_272, %dma_start3A_273] : memref<10240x128xbf16, #tpu.memory_space<vmem_shared>> -> memref<10240x128xbf16, #tpu.memory_space<vmem_shared>>
      tpu.enqueue_indirect_dma source(%dma_start3A_268 : memref<128x128xbf16, #tpu.memory_space<vmem>>) target(%dma_start3A_274 : memref<10240x128xbf16, #tpu.memory_space<vmem_shared>>) offsets(%dma_start3A_271 : memref<128xi32, #tpu.memory_space<vmem>>) semaphore(%arg13 : memref<!tpu.dma_semaphore, #tpu.memory_space<semaphore_mem>>) {add = true}
      %mul3A_275 = arith.constant 8 : i32
      %mul3A_276 = arith.muli %scan3A_241, %mul3A_275 : i32
      %add3A_277 = arith.constant 1 : i32
      %add3A_278 = arith.addi %mul3A_276, %add3A_277 : i32
      %add3A_279 = arith.constant 4 : i32
      %add3A_280 = arith.addi %add3A_278, %add3A_279 : i32
      %lt3A_281 = arith.constant 80 : i32
      %lt3A_282 = arith.cmpi slt, %add3A_280, %lt3A_281 : i32
      %convert_element_type3A_283 = arith.extui %lt3A_282 : i1 to i32
      %cond3A_284 = arith.constant 0 : i32
      %cond3A_285 = arith.cmpi ne, %convert_element_type3A_283, %cond3A_284 : i32
      scf.if %cond3A_285 {
        %ge3A = arith.constant 4 : i32
        %ge3A_521 = arith.cmpi sge, %add3A_278, %ge3A : i32
        %convert_element_type3A_522 = arith.extui %ge3A_521 : i1 to i32
        %cond3A_523 = arith.constant 0 : i32
        %cond3A_524 = arith.cmpi ne, %convert_element_type3A_522, %cond3A_523 : i32
        scf.if %cond3A_524 {
          %dma_wait3A_537 = arith.constant 0 : i32
          %dma_wait3A_538 = arith.constant 1 : i32
          %dma_wait3A_539 = arith.constant 0 : i32
          %dma_wait3A_540 = arith.constant 0 : i32
          %dma_wait3A_541 = arith.constant 0 : i32
          %dma_wait3A_542 = tpu.memref_slice %arg8[%dma_wait3A_537, %dma_wait3A_540, %dma_wait3A_541] : memref<8x128x128xbf16, #tpu.memory_space<vmem>> -> memref<1x128x128xbf16, #tpu.memory_space<vmem>>
          %dma_wait3A_543 = tpu.memref_squeeze %dma_wait3A_542 : memref<1x128x128xbf16, #tpu.memory_space<vmem>> -> memref<128x128xbf16, #tpu.memory_space<vmem>>
          %dma_wait3A_544 = arith.constant 0 : i32
          %dma_wait3A_545 = tpu.memref_slice %arg7[%dma_wait3A_538, %dma_wait3A_539, %dma_wait3A_544] : memref<2x80x128xi32, #tpu.memory_space<vmem>> -> memref<1x1x128xi32, #tpu.memory_space<vmem>>
          %dma_wait3A_546 = tpu.memref_squeeze %dma_wait3A_545 : memref<1x1x128xi32, #tpu.memory_space<vmem>> -> memref<128xi32, #tpu.memory_space<vmem>>
          %dma_wait3A_547 = arith.constant 0 : i32
          %dma_wait3A_548 = arith.constant 0 : i32
          %dma_wait3A_549 = tpu.memref_slice %arg10[%dma_wait3A_547, %dma_wait3A_548] : memref<10240x128xbf16, #tpu.memory_space<vmem_shared>> -> memref<10240x128xbf16, #tpu.memory_space<vmem_shared>>
          tpu.wait_indirect_dma semaphore(%arg13 : memref<!tpu.dma_semaphore, #tpu.memory_space<semaphore_mem>>) src(%dma_wait3A_543 : memref<128x128xbf16, #tpu.memory_space<vmem>>) dst(%dma_wait3A_549 : memref<10240x128xbf16, #tpu.memory_space<vmem_shared>>)
        } else {
        }
        %dma_start3A_525 = arith.constant 0 : i32
        %dma_start3A_526 = arith.constant 5 : i32
        %dma_start3A_527 = arith.constant 0 : i32
        %dma_start3A_528 = arith.constant 0 : i32
        %dma_start3A_529 = tpu.memref_slice %arg8[%dma_start3A_526, %dma_start3A_527, %dma_start3A_528] : memref<8x128x128xbf16, #tpu.memory_space<vmem>> -> memref<1x128x128xbf16, #tpu.memory_space<vmem>>
        %dma_start3A_530 = tpu.memref_squeeze %dma_start3A_529 : memref<1x128x128xbf16, #tpu.memory_space<vmem>> -> memref<128x128xbf16, #tpu.memory_space<vmem>>
        %dma_start3A_531 = arith.constant 0 : i32
        %dma_start3A_532 = tpu.memref_slice %arg7[%dma_start3A_525, %add3A_280, %dma_start3A_531] : memref<2x80x128xi32, #tpu.memory_space<vmem>> -> memref<1x1x128xi32, #tpu.memory_space<vmem>>
        %dma_start3A_533 = tpu.memref_squeeze %dma_start3A_532 : memref<1x1x128xi32, #tpu.memory_space<vmem>> -> memref<128xi32, #tpu.memory_space<vmem>>
        %dma_start3A_534 = arith.constant 0 : i32
        %dma_start3A_535 = arith.constant 0 : i32
        %dma_start3A_536 = tpu.memref_slice %arg2[%dma_start3A_534, %dma_start3A_535] : memref<20000x128xbf16, #tpu.memory_space<hbm>> -> memref<20000x128xbf16, #tpu.memory_space<hbm>>
        tpu.enqueue_indirect_dma source(%dma_start3A_536 : memref<20000x128xbf16, #tpu.memory_space<hbm>>) target(%dma_start3A_530 : memref<128x128xbf16, #tpu.memory_space<vmem>>) offsets(%dma_start3A_533 : memref<128xi32, #tpu.memory_space<vmem>>) semaphore(%arg12 : memref<!tpu.dma_semaphore, #tpu.memory_space<semaphore_mem>>)
      } else {
      }
      %dma_wait3A_286 = arith.constant 0 : i32
      %dma_wait3A_287 = arith.constant 1 : i32
      %dma_wait3A_288 = arith.constant 0 : i32
      %dma_wait3A_289 = arith.constant 0 : i32
      %dma_wait3A_290 = tpu.memref_slice %arg8[%dma_wait3A_287, %dma_wait3A_288, %dma_wait3A_289] : memref<8x128x128xbf16, #tpu.memory_space<vmem>> -> memref<1x128x128xbf16, #tpu.memory_space<vmem>>
      %dma_wait3A_291 = tpu.memref_squeeze %dma_wait3A_290 : memref<1x128x128xbf16, #tpu.memory_space<vmem>> -> memref<128x128xbf16, #tpu.memory_space<vmem>>
      %dma_wait3A_292 = arith.constant 0 : i32
      %dma_wait3A_293 = tpu.memref_slice %arg7[%dma_wait3A_286, %add3A_278, %dma_wait3A_292] : memref<2x80x128xi32, #tpu.memory_space<vmem>> -> memref<1x1x128xi32, #tpu.memory_space<vmem>>
      %dma_wait3A_294 = tpu.memref_squeeze %dma_wait3A_293 : memref<1x1x128xi32, #tpu.memory_space<vmem>> -> memref<128xi32, #tpu.memory_space<vmem>>
      %dma_wait3A_295 = arith.constant 0 : i32
      %dma_wait3A_296 = arith.constant 0 : i32
      %dma_wait3A_297 = tpu.memref_slice %arg2[%dma_wait3A_295, %dma_wait3A_296] : memref<20000x128xbf16, #tpu.memory_space<hbm>> -> memref<20000x128xbf16, #tpu.memory_space<hbm>>
      tpu.wait_indirect_dma semaphore(%arg12 : memref<!tpu.dma_semaphore, #tpu.memory_space<semaphore_mem>>) src(%dma_wait3A_297 : memref<20000x128xbf16, #tpu.memory_space<hbm>>) dst(%dma_wait3A_291 : memref<128x128xbf16, #tpu.memory_space<vmem>>)
      %dma_start3A_298 = arith.constant 1 : i32
      %dma_start3A_299 = arith.constant 1 : i32
      %dma_start3A_300 = arith.constant 0 : i32
      %dma_start3A_301 = arith.constant 0 : i32
      %dma_start3A_302 = tpu.memref_slice %arg8[%dma_start3A_298, %dma_start3A_300, %dma_start3A_301] : memref<8x128x128xbf16, #tpu.memory_space<vmem>> -> memref<1x128x128xbf16, #tpu.memory_space<vmem>>
      %dma_start3A_303 = tpu.memref_squeeze %dma_start3A_302 : memref<1x128x128xbf16, #tpu.memory_space<vmem>> -> memref<128x128xbf16, #tpu.memory_space<vmem>>
      %dma_start3A_304 = arith.constant 0 : i32
      %dma_start3A_305 = tpu.memref_slice %arg7[%dma_start3A_299, %add3A_278, %dma_start3A_304] : memref<2x80x128xi32, #tpu.memory_space<vmem>> -> memref<1x1x128xi32, #tpu.memory_space<vmem>>
      %dma_start3A_306 = tpu.memref_squeeze %dma_start3A_305 : memref<1x1x128xi32, #tpu.memory_space<vmem>> -> memref<128xi32, #tpu.memory_space<vmem>>
      %dma_start3A_307 = arith.constant 0 : i32
      %dma_start3A_308 = arith.constant 0 : i32
      %dma_start3A_309 = tpu.memref_slice %arg10[%dma_start3A_307, %dma_start3A_308] : memref<10240x128xbf16, #tpu.memory_space<vmem_shared>> -> memref<10240x128xbf16, #tpu.memory_space<vmem_shared>>
      tpu.enqueue_indirect_dma source(%dma_start3A_303 : memref<128x128xbf16, #tpu.memory_space<vmem>>) target(%dma_start3A_309 : memref<10240x128xbf16, #tpu.memory_space<vmem_shared>>) offsets(%dma_start3A_306 : memref<128xi32, #tpu.memory_space<vmem>>) semaphore(%arg13 : memref<!tpu.dma_semaphore, #tpu.memory_space<semaphore_mem>>) {add = true}
      %mul3A_310 = arith.constant 8 : i32
      %mul3A_311 = arith.muli %scan3A_241, %mul3A_310 : i32
      %add3A_312 = arith.constant 2 : i32
      %add3A_313 = arith.addi %mul3A_311, %add3A_312 : i32
      %add3A_314 = arith.constant 4 : i32
      %add3A_315 = arith.addi %add3A_313, %add3A_314 : i32
      %lt3A_316 = arith.constant 80 : i32
      %lt3A_317 = arith.cmpi slt, %add3A_315, %lt3A_316 : i32
      %convert_element_type3A_318 = arith.extui %lt3A_317 : i1 to i32
      %cond3A_319 = arith.constant 0 : i32
      %cond3A_320 = arith.cmpi ne, %convert_element_type3A_318, %cond3A_319 : i32
      scf.if %cond3A_320 {
        %ge3A = arith.constant 4 : i32
        %ge3A_521 = arith.cmpi sge, %add3A_313, %ge3A : i32
        %convert_element_type3A_522 = arith.extui %ge3A_521 : i1 to i32
        %cond3A_523 = arith.constant 0 : i32
        %cond3A_524 = arith.cmpi ne, %convert_element_type3A_522, %cond3A_523 : i32
        scf.if %cond3A_524 {
          %dma_wait3A_537 = arith.constant 0 : i32
          %dma_wait3A_538 = arith.constant 1 : i32
          %dma_wait3A_539 = arith.constant 0 : i32
          %dma_wait3A_540 = arith.constant 0 : i32
          %dma_wait3A_541 = arith.constant 0 : i32
          %dma_wait3A_542 = tpu.memref_slice %arg8[%dma_wait3A_537, %dma_wait3A_540, %dma_wait3A_541] : memref<8x128x128xbf16, #tpu.memory_space<vmem>> -> memref<1x128x128xbf16, #tpu.memory_space<vmem>>
          %dma_wait3A_543 = tpu.memref_squeeze %dma_wait3A_542 : memref<1x128x128xbf16, #tpu.memory_space<vmem>> -> memref<128x128xbf16, #tpu.memory_space<vmem>>
          %dma_wait3A_544 = arith.constant 0 : i32
          %dma_wait3A_545 = tpu.memref_slice %arg7[%dma_wait3A_538, %dma_wait3A_539, %dma_wait3A_544] : memref<2x80x128xi32, #tpu.memory_space<vmem>> -> memref<1x1x128xi32, #tpu.memory_space<vmem>>
          %dma_wait3A_546 = tpu.memref_squeeze %dma_wait3A_545 : memref<1x1x128xi32, #tpu.memory_space<vmem>> -> memref<128xi32, #tpu.memory_space<vmem>>
          %dma_wait3A_547 = arith.constant 0 : i32
          %dma_wait3A_548 = arith.constant 0 : i32
          %dma_wait3A_549 = tpu.memref_slice %arg10[%dma_wait3A_547, %dma_wait3A_548] : memref<10240x128xbf16, #tpu.memory_space<vmem_shared>> -> memref<10240x128xbf16, #tpu.memory_space<vmem_shared>>
          tpu.wait_indirect_dma semaphore(%arg13 : memref<!tpu.dma_semaphore, #tpu.memory_space<semaphore_mem>>) src(%dma_wait3A_543 : memref<128x128xbf16, #tpu.memory_space<vmem>>) dst(%dma_wait3A_549 : memref<10240x128xbf16, #tpu.memory_space<vmem_shared>>)
        } else {
        }
        %dma_start3A_525 = arith.constant 0 : i32
        %dma_start3A_526 = arith.constant 6 : i32
        %dma_start3A_527 = arith.constant 0 : i32
        %dma_start3A_528 = arith.constant 0 : i32
        %dma_start3A_529 = tpu.memref_slice %arg8[%dma_start3A_526, %dma_start3A_527, %dma_start3A_528] : memref<8x128x128xbf16, #tpu.memory_space<vmem>> -> memref<1x128x128xbf16, #tpu.memory_space<vmem>>
        %dma_start3A_530 = tpu.memref_squeeze %dma_start3A_529 : memref<1x128x128xbf16, #tpu.memory_space<vmem>> -> memref<128x128xbf16, #tpu.memory_space<vmem>>
        %dma_start3A_531 = arith.constant 0 : i32
        %dma_start3A_532 = tpu.memref_slice %arg7[%dma_start3A_525, %add3A_315, %dma_start3A_531] : memref<2x80x128xi32, #tpu.memory_space<vmem>> -> memref<1x1x128xi32, #tpu.memory_space<vmem>>
        %dma_start3A_533 = tpu.memref_squeeze %dma_start3A_532 : memref<1x1x128xi32, #tpu.memory_space<vmem>> -> memref<128xi32, #tpu.memory_space<vmem>>
        %dma_start3A_534 = arith.constant 0 : i32
        %dma_start3A_535 = arith.constant 0 : i32
        %dma_start3A_536 = tpu.memref_slice %arg2[%dma_start3A_534, %dma_start3A_535] : memref<20000x128xbf16, #tpu.memory_space<hbm>> -> memref<20000x128xbf16, #tpu.memory_space<hbm>>
        tpu.enqueue_indirect_dma source(%dma_start3A_536 : memref<20000x128xbf16, #tpu.memory_space<hbm>>) target(%dma_start3A_530 : memref<128x128xbf16, #tpu.memory_space<vmem>>) offsets(%dma_start3A_533 : memref<128xi32, #tpu.memory_space<vmem>>) semaphore(%arg12 : memref<!tpu.dma_semaphore, #tpu.memory_space<semaphore_mem>>)
      } else {
      }
      %dma_wait3A_321 = arith.constant 0 : i32
      %dma_wait3A_322 = arith.constant 2 : i32
      %dma_wait3A_323 = arith.constant 0 : i32
      %dma_wait3A_324 = arith.constant 0 : i32
      %dma_wait3A_325 = tpu.memref_slice %arg8[%dma_wait3A_322, %dma_wait3A_323, %dma_wait3A_324] : memref<8x128x128xbf16, #tpu.memory_space<vmem>> -> memref<1x128x128xbf16, #tpu.memory_space<vmem>>
      %dma_wait3A_326 = tpu.memref_squeeze %dma_wait3A_325 : memref<1x128x128xbf16, #tpu.memory_space<vmem>> -> memref<128x128xbf16, #tpu.memory_space<vmem>>
      %dma_wait3A_327 = arith.constant 0 : i32
      %dma_wait3A_328 = tpu.memref_slice %arg7[%dma_wait3A_321, %add3A_313, %dma_wait3A_327] : memref<2x80x128xi32, #tpu.memory_space<vmem>> -> memref<1x1x128xi32, #tpu.memory_space<vmem>>
      %dma_wait3A_329 = tpu.memref_squeeze %dma_wait3A_328 : memref<1x1x128xi32, #tpu.memory_space<vmem>> -> memref<128xi32, #tpu.memory_space<vmem>>
      %dma_wait3A_330 = arith.constant 0 : i32
      %dma_wait3A_331 = arith.constant 0 : i32
      %dma_wait3A_332 = tpu.memref_slice %arg2[%dma_wait3A_330, %dma_wait3A_331] : memref<20000x128xbf16, #tpu.memory_space<hbm>> -> memref<20000x128xbf16, #tpu.memory_space<hbm>>
      tpu.wait_indirect_dma semaphore(%arg12 : memref<!tpu.dma_semaphore, #tpu.memory_space<semaphore_mem>>) src(%dma_wait3A_332 : memref<20000x128xbf16, #tpu.memory_space<hbm>>) dst(%dma_wait3A_326 : memref<128x128xbf16, #tpu.memory_space<vmem>>)
      %dma_start3A_333 = arith.constant 2 : i32
      %dma_start3A_334 = arith.constant 1 : i32
      %dma_start3A_335 = arith.constant 0 : i32
      %dma_start3A_336 = arith.constant 0 : i32
      %dma_start3A_337 = tpu.memref_slice %arg8[%dma_start3A_333, %dma_start3A_335, %dma_start3A_336] : memref<8x128x128xbf16, #tpu.memory_space<vmem>> -> memref<1x128x128xbf16, #tpu.memory_space<vmem>>
      %dma_start3A_338 = tpu.memref_squeeze %dma_start3A_337 : memref<1x128x128xbf16, #tpu.memory_space<vmem>> -> memref<128x128xbf16, #tpu.memory_space<vmem>>
      %dma_start3A_339 = arith.constant 0 : i32
      %dma_start3A_340 = tpu.memref_slice %arg7[%dma_start3A_334, %add3A_313, %dma_start3A_339] : memref<2x80x128xi32, #tpu.memory_space<vmem>> -> memref<1x1x128xi32, #tpu.memory_space<vmem>>
      %dma_start3A_341 = tpu.memref_squeeze %dma_start3A_340 : memref<1x1x128xi32, #tpu.memory_space<vmem>> -> memref<128xi32, #tpu.memory_space<vmem>>
      %dma_start3A_342 = arith.constant 0 : i32
      %dma_start3A_343 = arith.constant 0 : i32
      %dma_start3A_344 = tpu.memref_slice %arg10[%dma_start3A_342, %dma_start3A_343] : memref<10240x128xbf16, #tpu.memory_space<vmem_shared>> -> memref<10240x128xbf16, #tpu.memory_space<vmem_shared>>
      tpu.enqueue_indirect_dma source(%dma_start3A_338 : memref<128x128xbf16, #tpu.memory_space<vmem>>) target(%dma_start3A_344 : memref<10240x128xbf16, #tpu.memory_space<vmem_shared>>) offsets(%dma_start3A_341 : memref<128xi32, #tpu.memory_space<vmem>>) semaphore(%arg13 : memref<!tpu.dma_semaphore, #tpu.memory_space<semaphore_mem>>) {add = true}
      %mul3A_345 = arith.constant 8 : i32
      %mul3A_346 = arith.muli %scan3A_241, %mul3A_345 : i32
      %add3A_347 = arith.constant 3 : i32
      %add3A_348 = arith.addi %mul3A_346, %add3A_347 : i32
      %add3A_349 = arith.constant 4 : i32
      %add3A_350 = arith.addi %add3A_348, %add3A_349 : i32
      %lt3A_351 = arith.constant 80 : i32
      %lt3A_352 = arith.cmpi slt, %add3A_350, %lt3A_351 : i32
      %convert_element_type3A_353 = arith.extui %lt3A_352 : i1 to i32
      %cond3A_354 = arith.constant 0 : i32
      %cond3A_355 = arith.cmpi ne, %convert_element_type3A_353, %cond3A_354 : i32
      scf.if %cond3A_355 {
        %ge3A = arith.constant 4 : i32
        %ge3A_521 = arith.cmpi sge, %add3A_348, %ge3A : i32
        %convert_element_type3A_522 = arith.extui %ge3A_521 : i1 to i32
        %cond3A_523 = arith.constant 0 : i32
        %cond3A_524 = arith.cmpi ne, %convert_element_type3A_522, %cond3A_523 : i32
        scf.if %cond3A_524 {
          %dma_wait3A_537 = arith.constant 0 : i32
          %dma_wait3A_538 = arith.constant 1 : i32
          %dma_wait3A_539 = arith.constant 0 : i32
          %dma_wait3A_540 = arith.constant 0 : i32
          %dma_wait3A_541 = arith.constant 0 : i32
          %dma_wait3A_542 = tpu.memref_slice %arg8[%dma_wait3A_537, %dma_wait3A_540, %dma_wait3A_541] : memref<8x128x128xbf16, #tpu.memory_space<vmem>> -> memref<1x128x128xbf16, #tpu.memory_space<vmem>>
          %dma_wait3A_543 = tpu.memref_squeeze %dma_wait3A_542 : memref<1x128x128xbf16, #tpu.memory_space<vmem>> -> memref<128x128xbf16, #tpu.memory_space<vmem>>
          %dma_wait3A_544 = arith.constant 0 : i32
          %dma_wait3A_545 = tpu.memref_slice %arg7[%dma_wait3A_538, %dma_wait3A_539, %dma_wait3A_544] : memref<2x80x128xi32, #tpu.memory_space<vmem>> -> memref<1x1x128xi32, #tpu.memory_space<vmem>>
          %dma_wait3A_546 = tpu.memref_squeeze %dma_wait3A_545 : memref<1x1x128xi32, #tpu.memory_space<vmem>> -> memref<128xi32, #tpu.memory_space<vmem>>
          %dma_wait3A_547 = arith.constant 0 : i32
          %dma_wait3A_548 = arith.constant 0 : i32
          %dma_wait3A_549 = tpu.memref_slice %arg10[%dma_wait3A_547, %dma_wait3A_548] : memref<10240x128xbf16, #tpu.memory_space<vmem_shared>> -> memref<10240x128xbf16, #tpu.memory_space<vmem_shared>>
          tpu.wait_indirect_dma semaphore(%arg13 : memref<!tpu.dma_semaphore, #tpu.memory_space<semaphore_mem>>) src(%dma_wait3A_543 : memref<128x128xbf16, #tpu.memory_space<vmem>>) dst(%dma_wait3A_549 : memref<10240x128xbf16, #tpu.memory_space<vmem_shared>>)
        } else {
        }
        %dma_start3A_525 = arith.constant 0 : i32
        %dma_start3A_526 = arith.constant 7 : i32
        %dma_start3A_527 = arith.constant 0 : i32
        %dma_start3A_528 = arith.constant 0 : i32
        %dma_start3A_529 = tpu.memref_slice %arg8[%dma_start3A_526, %dma_start3A_527, %dma_start3A_528] : memref<8x128x128xbf16, #tpu.memory_space<vmem>> -> memref<1x128x128xbf16, #tpu.memory_space<vmem>>
        %dma_start3A_530 = tpu.memref_squeeze %dma_start3A_529 : memref<1x128x128xbf16, #tpu.memory_space<vmem>> -> memref<128x128xbf16, #tpu.memory_space<vmem>>
        %dma_start3A_531 = arith.constant 0 : i32
        %dma_start3A_532 = tpu.memref_slice %arg7[%dma_start3A_525, %add3A_350, %dma_start3A_531] : memref<2x80x128xi32, #tpu.memory_space<vmem>> -> memref<1x1x128xi32, #tpu.memory_space<vmem>>
        %dma_start3A_533 = tpu.memref_squeeze %dma_start3A_532 : memref<1x1x128xi32, #tpu.memory_space<vmem>> -> memref<128xi32, #tpu.memory_space<vmem>>
        %dma_start3A_534 = arith.constant 0 : i32
        %dma_start3A_535 = arith.constant 0 : i32
        %dma_start3A_536 = tpu.memref_slice %arg2[%dma_start3A_534, %dma_start3A_535] : memref<20000x128xbf16, #tpu.memory_space<hbm>> -> memref<20000x128xbf16, #tpu.memory_space<hbm>>
        tpu.enqueue_indirect_dma source(%dma_start3A_536 : memref<20000x128xbf16, #tpu.memory_space<hbm>>) target(%dma_start3A_530 : memref<128x128xbf16, #tpu.memory_space<vmem>>) offsets(%dma_start3A_533 : memref<128xi32, #tpu.memory_space<vmem>>) semaphore(%arg12 : memref<!tpu.dma_semaphore, #tpu.memory_space<semaphore_mem>>)
      } else {
      }
      %dma_wait3A_356 = arith.constant 0 : i32
      %dma_wait3A_357 = arith.constant 3 : i32
      %dma_wait3A_358 = arith.constant 0 : i32
      %dma_wait3A_359 = arith.constant 0 : i32
      %dma_wait3A_360 = tpu.memref_slice %arg8[%dma_wait3A_357, %dma_wait3A_358, %dma_wait3A_359] : memref<8x128x128xbf16, #tpu.memory_space<vmem>> -> memref<1x128x128xbf16, #tpu.memory_space<vmem>>
      %dma_wait3A_361 = tpu.memref_squeeze %dma_wait3A_360 : memref<1x128x128xbf16, #tpu.memory_space<vmem>> -> memref<128x128xbf16, #tpu.memory_space<vmem>>
      %dma_wait3A_362 = arith.constant 0 : i32
      %dma_wait3A_363 = tpu.memref_slice %arg7[%dma_wait3A_356, %add3A_348, %dma_wait3A_362] : memref<2x80x128xi32, #tpu.memory_space<vmem>> -> memref<1x1x128xi32, #tpu.memory_space<vmem>>
      %dma_wait3A_364 = tpu.memref_squeeze %dma_wait3A_363 : memref<1x1x128xi32, #tpu.memory_space<vmem>> -> memref<128xi32, #tpu.memory_space<vmem>>
      %dma_wait3A_365 = arith.constant 0 : i32
      %dma_wait3A_366 = arith.constant 0 : i32
      %dma_wait3A_367 = tpu.memref_slice %arg2[%dma_wait3A_365, %dma_wait3A_366] : memref<20000x128xbf16, #tpu.memory_space<hbm>> -> memref<20000x128xbf16, #tpu.memory_space<hbm>>
      tpu.wait_indirect_dma semaphore(%arg12 : memref<!tpu.dma_semaphore, #tpu.memory_space<semaphore_mem>>) src(%dma_wait3A_367 : memref<20000x128xbf16, #tpu.memory_space<hbm>>) dst(%dma_wait3A_361 : memref<128x128xbf16, #tpu.memory_space<vmem>>)
      %dma_start3A_368 = arith.constant 3 : i32
      %dma_start3A_369 = arith.constant 1 : i32
      %dma_start3A_370 = arith.constant 0 : i32
      %dma_start3A_371 = arith.constant 0 : i32
      %dma_start3A_372 = tpu.memref_slice %arg8[%dma_start3A_368, %dma_start3A_370, %dma_start3A_371] : memref<8x128x128xbf16, #tpu.memory_space<vmem>> -> memref<1x128x128xbf16, #tpu.memory_space<vmem>>
      %dma_start3A_373 = tpu.memref_squeeze %dma_start3A_372 : memref<1x128x128xbf16, #tpu.memory_space<vmem>> -> memref<128x128xbf16, #tpu.memory_space<vmem>>
      %dma_start3A_374 = arith.constant 0 : i32
      %dma_start3A_375 = tpu.memref_slice %arg7[%dma_start3A_369, %add3A_348, %dma_start3A_374] : memref<2x80x128xi32, #tpu.memory_space<vmem>> -> memref<1x1x128xi32, #tpu.memory_space<vmem>>
      %dma_start3A_376 = tpu.memref_squeeze %dma_start3A_375 : memref<1x1x128xi32, #tpu.memory_space<vmem>> -> memref<128xi32, #tpu.memory_space<vmem>>
      %dma_start3A_377 = arith.constant 0 : i32
      %dma_start3A_378 = arith.constant 0 : i32
      %dma_start3A_379 = tpu.memref_slice %arg10[%dma_start3A_377, %dma_start3A_378] : memref<10240x128xbf16, #tpu.memory_space<vmem_shared>> -> memref<10240x128xbf16, #tpu.memory_space<vmem_shared>>
      tpu.enqueue_indirect_dma source(%dma_start3A_373 : memref<128x128xbf16, #tpu.memory_space<vmem>>) target(%dma_start3A_379 : memref<10240x128xbf16, #tpu.memory_space<vmem_shared>>) offsets(%dma_start3A_376 : memref<128xi32, #tpu.memory_space<vmem>>) semaphore(%arg13 : memref<!tpu.dma_semaphore, #tpu.memory_space<semaphore_mem>>) {add = true}
      %mul3A_380 = arith.constant 8 : i32
      %mul3A_381 = arith.muli %scan3A_241, %mul3A_380 : i32
      %add3A_382 = arith.constant 4 : i32
      %add3A_383 = arith.addi %mul3A_381, %add3A_382 : i32
      %add3A_384 = arith.constant 4 : i32
      %add3A_385 = arith.addi %add3A_383, %add3A_384 : i32
      %lt3A_386 = arith.constant 80 : i32
      %lt3A_387 = arith.cmpi slt, %add3A_385, %lt3A_386 : i32
      %convert_element_type3A_388 = arith.extui %lt3A_387 : i1 to i32
      %cond3A_389 = arith.constant 0 : i32
      %cond3A_390 = arith.cmpi ne, %convert_element_type3A_388, %cond3A_389 : i32
      scf.if %cond3A_390 {
        %ge3A = arith.constant 4 : i32
        %ge3A_521 = arith.cmpi sge, %add3A_383, %ge3A : i32
        %convert_element_type3A_522 = arith.extui %ge3A_521 : i1 to i32
        %cond3A_523 = arith.constant 0 : i32
        %cond3A_524 = arith.cmpi ne, %convert_element_type3A_522, %cond3A_523 : i32
        scf.if %cond3A_524 {
          %dma_wait3A_537 = arith.constant 0 : i32
          %dma_wait3A_538 = arith.constant 1 : i32
          %dma_wait3A_539 = arith.constant 0 : i32
          %dma_wait3A_540 = arith.constant 0 : i32
          %dma_wait3A_541 = arith.constant 0 : i32
          %dma_wait3A_542 = tpu.memref_slice %arg8[%dma_wait3A_537, %dma_wait3A_540, %dma_wait3A_541] : memref<8x128x128xbf16, #tpu.memory_space<vmem>> -> memref<1x128x128xbf16, #tpu.memory_space<vmem>>
          %dma_wait3A_543 = tpu.memref_squeeze %dma_wait3A_542 : memref<1x128x128xbf16, #tpu.memory_space<vmem>> -> memref<128x128xbf16, #tpu.memory_space<vmem>>
          %dma_wait3A_544 = arith.constant 0 : i32
          %dma_wait3A_545 = tpu.memref_slice %arg7[%dma_wait3A_538, %dma_wait3A_539, %dma_wait3A_544] : memref<2x80x128xi32, #tpu.memory_space<vmem>> -> memref<1x1x128xi32, #tpu.memory_space<vmem>>
          %dma_wait3A_546 = tpu.memref_squeeze %dma_wait3A_545 : memref<1x1x128xi32, #tpu.memory_space<vmem>> -> memref<128xi32, #tpu.memory_space<vmem>>
          %dma_wait3A_547 = arith.constant 0 : i32
          %dma_wait3A_548 = arith.constant 0 : i32
          %dma_wait3A_549 = tpu.memref_slice %arg10[%dma_wait3A_547, %dma_wait3A_548] : memref<10240x128xbf16, #tpu.memory_space<vmem_shared>> -> memref<10240x128xbf16, #tpu.memory_space<vmem_shared>>
          tpu.wait_indirect_dma semaphore(%arg13 : memref<!tpu.dma_semaphore, #tpu.memory_space<semaphore_mem>>) src(%dma_wait3A_543 : memref<128x128xbf16, #tpu.memory_space<vmem>>) dst(%dma_wait3A_549 : memref<10240x128xbf16, #tpu.memory_space<vmem_shared>>)
        } else {
        }
        %dma_start3A_525 = arith.constant 0 : i32
        %dma_start3A_526 = arith.constant 0 : i32
        %dma_start3A_527 = arith.constant 0 : i32
        %dma_start3A_528 = arith.constant 0 : i32
        %dma_start3A_529 = tpu.memref_slice %arg8[%dma_start3A_526, %dma_start3A_527, %dma_start3A_528] : memref<8x128x128xbf16, #tpu.memory_space<vmem>> -> memref<1x128x128xbf16, #tpu.memory_space<vmem>>
        %dma_start3A_530 = tpu.memref_squeeze %dma_start3A_529 : memref<1x128x128xbf16, #tpu.memory_space<vmem>> -> memref<128x128xbf16, #tpu.memory_space<vmem>>
        %dma_start3A_531 = arith.constant 0 : i32
        %dma_start3A_532 = tpu.memref_slice %arg7[%dma_start3A_525, %add3A_385, %dma_start3A_531] : memref<2x80x128xi32, #tpu.memory_space<vmem>> -> memref<1x1x128xi32, #tpu.memory_space<vmem>>
        %dma_start3A_533 = tpu.memref_squeeze %dma_start3A_532 : memref<1x1x128xi32, #tpu.memory_space<vmem>> -> memref<128xi32, #tpu.memory_space<vmem>>
        %dma_start3A_534 = arith.constant 0 : i32
        %dma_start3A_535 = arith.constant 0 : i32
        %dma_start3A_536 = tpu.memref_slice %arg2[%dma_start3A_534, %dma_start3A_535] : memref<20000x128xbf16, #tpu.memory_space<hbm>> -> memref<20000x128xbf16, #tpu.memory_space<hbm>>
        tpu.enqueue_indirect_dma source(%dma_start3A_536 : memref<20000x128xbf16, #tpu.memory_space<hbm>>) target(%dma_start3A_530 : memref<128x128xbf16, #tpu.memory_space<vmem>>) offsets(%dma_start3A_533 : memref<128xi32, #tpu.memory_space<vmem>>) semaphore(%arg12 : memref<!tpu.dma_semaphore, #tpu.memory_space<semaphore_mem>>)
      } else {
      }
      %dma_wait3A_391 = arith.constant 0 : i32
      %dma_wait3A_392 = arith.constant 4 : i32
      %dma_wait3A_393 = arith.constant 0 : i32
      %dma_wait3A_394 = arith.constant 0 : i32
      %dma_wait3A_395 = tpu.memref_slice %arg8[%dma_wait3A_392, %dma_wait3A_393, %dma_wait3A_394] : memref<8x128x128xbf16, #tpu.memory_space<vmem>> -> memref<1x128x128xbf16, #tpu.memory_space<vmem>>
      %dma_wait3A_396 = tpu.memref_squeeze %dma_wait3A_395 : memref<1x128x128xbf16, #tpu.memory_space<vmem>> -> memref<128x128xbf16, #tpu.memory_space<vmem>>
      %dma_wait3A_397 = arith.constant 0 : i32
      %dma_wait3A_398 = tpu.memref_slice %arg7[%dma_wait3A_391, %add3A_383, %dma_wait3A_397] : memref<2x80x128xi32, #tpu.memory_space<vmem>> -> memref<1x1x128xi32, #tpu.memory_space<vmem>>
      %dma_wait3A_399 = tpu.memref_squeeze %dma_wait3A_398 : memref<1x1x128xi32, #tpu.memory_space<vmem>> -> memref<128xi32, #tpu.memory_space<vmem>>
      %dma_wait3A_400 = arith.constant 0 : i32
      %dma_wait3A_401 = arith.constant 0 : i32
      %dma_wait3A_402 = tpu.memref_slice %arg2[%dma_wait3A_400, %dma_wait3A_401] : memref<20000x128xbf16, #tpu.memory_space<hbm>> -> memref<20000x128xbf16, #tpu.memory_space<hbm>>
      tpu.wait_indirect_dma semaphore(%arg12 : memref<!tpu.dma_semaphore, #tpu.memory_space<semaphore_mem>>) src(%dma_wait3A_402 : memref<20000x128xbf16, #tpu.memory_space<hbm>>) dst(%dma_wait3A_396 : memref<128x128xbf16, #tpu.memory_space<vmem>>)
      %dma_start3A_403 = arith.constant 4 : i32
      %dma_start3A_404 = arith.constant 1 : i32
      %dma_start3A_405 = arith.constant 0 : i32
      %dma_start3A_406 = arith.constant 0 : i32
      %dma_start3A_407 = tpu.memref_slice %arg8[%dma_start3A_403, %dma_start3A_405, %dma_start3A_406] : memref<8x128x128xbf16, #tpu.memory_space<vmem>> -> memref<1x128x128xbf16, #tpu.memory_space<vmem>>
      %dma_start3A_408 = tpu.memref_squeeze %dma_start3A_407 : memref<1x128x128xbf16, #tpu.memory_space<vmem>> -> memref<128x128xbf16, #tpu.memory_space<vmem>>
      %dma_start3A_409 = arith.constant 0 : i32
      %dma_start3A_410 = tpu.memref_slice %arg7[%dma_start3A_404, %add3A_383, %dma_start3A_409] : memref<2x80x128xi32, #tpu.memory_space<vmem>> -> memref<1x1x128xi32, #tpu.memory_space<vmem>>
      %dma_start3A_411 = tpu.memref_squeeze %dma_start3A_410 : memref<1x1x128xi32, #tpu.memory_space<vmem>> -> memref<128xi32, #tpu.memory_space<vmem>>
      %dma_start3A_412 = arith.constant 0 : i32
      %dma_start3A_413 = arith.constant 0 : i32
      %dma_start3A_414 = tpu.memref_slice %arg10[%dma_start3A_412, %dma_start3A_413] : memref<10240x128xbf16, #tpu.memory_space<vmem_shared>> -> memref<10240x128xbf16, #tpu.memory_space<vmem_shared>>
      tpu.enqueue_indirect_dma source(%dma_start3A_408 : memref<128x128xbf16, #tpu.memory_space<vmem>>) target(%dma_start3A_414 : memref<10240x128xbf16, #tpu.memory_space<vmem_shared>>) offsets(%dma_start3A_411 : memref<128xi32, #tpu.memory_space<vmem>>) semaphore(%arg13 : memref<!tpu.dma_semaphore, #tpu.memory_space<semaphore_mem>>) {add = true}
      %mul3A_415 = arith.constant 8 : i32
      %mul3A_416 = arith.muli %scan3A_241, %mul3A_415 : i32
      %add3A_417 = arith.constant 5 : i32
      %add3A_418 = arith.addi %mul3A_416, %add3A_417 : i32
      %add3A_419 = arith.constant 4 : i32
      %add3A_420 = arith.addi %add3A_418, %add3A_419 : i32
      %lt3A_421 = arith.constant 80 : i32
      %lt3A_422 = arith.cmpi slt, %add3A_420, %lt3A_421 : i32
      %convert_element_type3A_423 = arith.extui %lt3A_422 : i1 to i32
      %cond3A_424 = arith.constant 0 : i32
      %cond3A_425 = arith.cmpi ne, %convert_element_type3A_423, %cond3A_424 : i32
      scf.if %cond3A_425 {
        %ge3A = arith.constant 4 : i32
        %ge3A_521 = arith.cmpi sge, %add3A_418, %ge3A : i32
        %convert_element_type3A_522 = arith.extui %ge3A_521 : i1 to i32
        %cond3A_523 = arith.constant 0 : i32
        %cond3A_524 = arith.cmpi ne, %convert_element_type3A_522, %cond3A_523 : i32
        scf.if %cond3A_524 {
          %dma_wait3A_537 = arith.constant 0 : i32
          %dma_wait3A_538 = arith.constant 1 : i32
          %dma_wait3A_539 = arith.constant 0 : i32
          %dma_wait3A_540 = arith.constant 0 : i32
          %dma_wait3A_541 = arith.constant 0 : i32
          %dma_wait3A_542 = tpu.memref_slice %arg8[%dma_wait3A_537, %dma_wait3A_540, %dma_wait3A_541] : memref<8x128x128xbf16, #tpu.memory_space<vmem>> -> memref<1x128x128xbf16, #tpu.memory_space<vmem>>
          %dma_wait3A_543 = tpu.memref_squeeze %dma_wait3A_542 : memref<1x128x128xbf16, #tpu.memory_space<vmem>> -> memref<128x128xbf16, #tpu.memory_space<vmem>>
          %dma_wait3A_544 = arith.constant 0 : i32
          %dma_wait3A_545 = tpu.memref_slice %arg7[%dma_wait3A_538, %dma_wait3A_539, %dma_wait3A_544] : memref<2x80x128xi32, #tpu.memory_space<vmem>> -> memref<1x1x128xi32, #tpu.memory_space<vmem>>
          %dma_wait3A_546 = tpu.memref_squeeze %dma_wait3A_545 : memref<1x1x128xi32, #tpu.memory_space<vmem>> -> memref<128xi32, #tpu.memory_space<vmem>>
          %dma_wait3A_547 = arith.constant 0 : i32
          %dma_wait3A_548 = arith.constant 0 : i32
          %dma_wait3A_549 = tpu.memref_slice %arg10[%dma_wait3A_547, %dma_wait3A_548] : memref<10240x128xbf16, #tpu.memory_space<vmem_shared>> -> memref<10240x128xbf16, #tpu.memory_space<vmem_shared>>
          tpu.wait_indirect_dma semaphore(%arg13 : memref<!tpu.dma_semaphore, #tpu.memory_space<semaphore_mem>>) src(%dma_wait3A_543 : memref<128x128xbf16, #tpu.memory_space<vmem>>) dst(%dma_wait3A_549 : memref<10240x128xbf16, #tpu.memory_space<vmem_shared>>)
        } else {
        }
        %dma_start3A_525 = arith.constant 0 : i32
        %dma_start3A_526 = arith.constant 1 : i32
        %dma_start3A_527 = arith.constant 0 : i32
        %dma_start3A_528 = arith.constant 0 : i32
        %dma_start3A_529 = tpu.memref_slice %arg8[%dma_start3A_526, %dma_start3A_527, %dma_start3A_528] : memref<8x128x128xbf16, #tpu.memory_space<vmem>> -> memref<1x128x128xbf16, #tpu.memory_space<vmem>>
        %dma_start3A_530 = tpu.memref_squeeze %dma_start3A_529 : memref<1x128x128xbf16, #tpu.memory_space<vmem>> -> memref<128x128xbf16, #tpu.memory_space<vmem>>
        %dma_start3A_531 = arith.constant 0 : i32
        %dma_start3A_532 = tpu.memref_slice %arg7[%dma_start3A_525, %add3A_420, %dma_start3A_531] : memref<2x80x128xi32, #tpu.memory_space<vmem>> -> memref<1x1x128xi32, #tpu.memory_space<vmem>>
        %dma_start3A_533 = tpu.memref_squeeze %dma_start3A_532 : memref<1x1x128xi32, #tpu.memory_space<vmem>> -> memref<128xi32, #tpu.memory_space<vmem>>
        %dma_start3A_534 = arith.constant 0 : i32
        %dma_start3A_535 = arith.constant 0 : i32
        %dma_start3A_536 = tpu.memref_slice %arg2[%dma_start3A_534, %dma_start3A_535] : memref<20000x128xbf16, #tpu.memory_space<hbm>> -> memref<20000x128xbf16, #tpu.memory_space<hbm>>
        tpu.enqueue_indirect_dma source(%dma_start3A_536 : memref<20000x128xbf16, #tpu.memory_space<hbm>>) target(%dma_start3A_530 : memref<128x128xbf16, #tpu.memory_space<vmem>>) offsets(%dma_start3A_533 : memref<128xi32, #tpu.memory_space<vmem>>) semaphore(%arg12 : memref<!tpu.dma_semaphore, #tpu.memory_space<semaphore_mem>>)
      } else {
      }
      %dma_wait3A_426 = arith.constant 0 : i32
      %dma_wait3A_427 = arith.constant 5 : i32
      %dma_wait3A_428 = arith.constant 0 : i32
      %dma_wait3A_429 = arith.constant 0 : i32
      %dma_wait3A_430 = tpu.memref_slice %arg8[%dma_wait3A_427, %dma_wait3A_428, %dma_wait3A_429] : memref<8x128x128xbf16, #tpu.memory_space<vmem>> -> memref<1x128x128xbf16, #tpu.memory_space<vmem>>
      %dma_wait3A_431 = tpu.memref_squeeze %dma_wait3A_430 : memref<1x128x128xbf16, #tpu.memory_space<vmem>> -> memref<128x128xbf16, #tpu.memory_space<vmem>>
      %dma_wait3A_432 = arith.constant 0 : i32
      %dma_wait3A_433 = tpu.memref_slice %arg7[%dma_wait3A_426, %add3A_418, %dma_wait3A_432] : memref<2x80x128xi32, #tpu.memory_space<vmem>> -> memref<1x1x128xi32, #tpu.memory_space<vmem>>
      %dma_wait3A_434 = tpu.memref_squeeze %dma_wait3A_433 : memref<1x1x128xi32, #tpu.memory_space<vmem>> -> memref<128xi32, #tpu.memory_space<vmem>>
      %dma_wait3A_435 = arith.constant 0 : i32
      %dma_wait3A_436 = arith.constant 0 : i32
      %dma_wait3A_437 = tpu.memref_slice %arg2[%dma_wait3A_435, %dma_wait3A_436] : memref<20000x128xbf16, #tpu.memory_space<hbm>> -> memref<20000x128xbf16, #tpu.memory_space<hbm>>
      tpu.wait_indirect_dma semaphore(%arg12 : memref<!tpu.dma_semaphore, #tpu.memory_space<semaphore_mem>>) src(%dma_wait3A_437 : memref<20000x128xbf16, #tpu.memory_space<hbm>>) dst(%dma_wait3A_431 : memref<128x128xbf16, #tpu.memory_space<vmem>>)
      %dma_start3A_438 = arith.constant 5 : i32
      %dma_start3A_439 = arith.constant 1 : i32
      %dma_start3A_440 = arith.constant 0 : i32
      %dma_start3A_441 = arith.constant 0 : i32
      %dma_start3A_442 = tpu.memref_slice %arg8[%dma_start3A_438, %dma_start3A_440, %dma_start3A_441] : memref<8x128x128xbf16, #tpu.memory_space<vmem>> -> memref<1x128x128xbf16, #tpu.memory_space<vmem>>
      %dma_start3A_443 = tpu.memref_squeeze %dma_start3A_442 : memref<1x128x128xbf16, #tpu.memory_space<vmem>> -> memref<128x128xbf16, #tpu.memory_space<vmem>>
      %dma_start3A_444 = arith.constant 0 : i32
      %dma_start3A_445 = tpu.memref_slice %arg7[%dma_start3A_439, %add3A_418, %dma_start3A_444] : memref<2x80x128xi32, #tpu.memory_space<vmem>> -> memref<1x1x128xi32, #tpu.memory_space<vmem>>
      %dma_start3A_446 = tpu.memref_squeeze %dma_start3A_445 : memref<1x1x128xi32, #tpu.memory_space<vmem>> -> memref<128xi32, #tpu.memory_space<vmem>>
      %dma_start3A_447 = arith.constant 0 : i32
      %dma_start3A_448 = arith.constant 0 : i32
      %dma_start3A_449 = tpu.memref_slice %arg10[%dma_start3A_447, %dma_start3A_448] : memref<10240x128xbf16, #tpu.memory_space<vmem_shared>> -> memref<10240x128xbf16, #tpu.memory_space<vmem_shared>>
      tpu.enqueue_indirect_dma source(%dma_start3A_443 : memref<128x128xbf16, #tpu.memory_space<vmem>>) target(%dma_start3A_449 : memref<10240x128xbf16, #tpu.memory_space<vmem_shared>>) offsets(%dma_start3A_446 : memref<128xi32, #tpu.memory_space<vmem>>) semaphore(%arg13 : memref<!tpu.dma_semaphore, #tpu.memory_space<semaphore_mem>>) {add = true}
      %mul3A_450 = arith.constant 8 : i32
      %mul3A_451 = arith.muli %scan3A_241, %mul3A_450 : i32
      %add3A_452 = arith.constant 6 : i32
      %add3A_453 = arith.addi %mul3A_451, %add3A_452 : i32
      %add3A_454 = arith.constant 4 : i32
      %add3A_455 = arith.addi %add3A_453, %add3A_454 : i32
      %lt3A_456 = arith.constant 80 : i32
      %lt3A_457 = arith.cmpi slt, %add3A_455, %lt3A_456 : i32
      %convert_element_type3A_458 = arith.extui %lt3A_457 : i1 to i32
      %cond3A_459 = arith.constant 0 : i32
      %cond3A_460 = arith.cmpi ne, %convert_element_type3A_458, %cond3A_459 : i32
      scf.if %cond3A_460 {
        %ge3A = arith.constant 4 : i32
        %ge3A_521 = arith.cmpi sge, %add3A_453, %ge3A : i32
        %convert_element_type3A_522 = arith.extui %ge3A_521 : i1 to i32
        %cond3A_523 = arith.constant 0 : i32
        %cond3A_524 = arith.cmpi ne, %convert_element_type3A_522, %cond3A_523 : i32
        scf.if %cond3A_524 {
          %dma_wait3A_537 = arith.constant 0 : i32
          %dma_wait3A_538 = arith.constant 1 : i32
          %dma_wait3A_539 = arith.constant 0 : i32
          %dma_wait3A_540 = arith.constant 0 : i32
          %dma_wait3A_541 = arith.constant 0 : i32
          %dma_wait3A_542 = tpu.memref_slice %arg8[%dma_wait3A_537, %dma_wait3A_540, %dma_wait3A_541] : memref<8x128x128xbf16, #tpu.memory_space<vmem>> -> memref<1x128x128xbf16, #tpu.memory_space<vmem>>
          %dma_wait3A_543 = tpu.memref_squeeze %dma_wait3A_542 : memref<1x128x128xbf16, #tpu.memory_space<vmem>> -> memref<128x128xbf16, #tpu.memory_space<vmem>>
          %dma_wait3A_544 = arith.constant 0 : i32
          %dma_wait3A_545 = tpu.memref_slice %arg7[%dma_wait3A_538, %dma_wait3A_539, %dma_wait3A_544] : memref<2x80x128xi32, #tpu.memory_space<vmem>> -> memref<1x1x128xi32, #tpu.memory_space<vmem>>
          %dma_wait3A_546 = tpu.memref_squeeze %dma_wait3A_545 : memref<1x1x128xi32, #tpu.memory_space<vmem>> -> memref<128xi32, #tpu.memory_space<vmem>>
          %dma_wait3A_547 = arith.constant 0 : i32
          %dma_wait3A_548 = arith.constant 0 : i32
          %dma_wait3A_549 = tpu.memref_slice %arg10[%dma_wait3A_547, %dma_wait3A_548] : memref<10240x128xbf16, #tpu.memory_space<vmem_shared>> -> memref<10240x128xbf16, #tpu.memory_space<vmem_shared>>
          tpu.wait_indirect_dma semaphore(%arg13 : memref<!tpu.dma_semaphore, #tpu.memory_space<semaphore_mem>>) src(%dma_wait3A_543 : memref<128x128xbf16, #tpu.memory_space<vmem>>) dst(%dma_wait3A_549 : memref<10240x128xbf16, #tpu.memory_space<vmem_shared>>)
        } else {
        }
        %dma_start3A_525 = arith.constant 0 : i32
        %dma_start3A_526 = arith.constant 2 : i32
        %dma_start3A_527 = arith.constant 0 : i32
        %dma_start3A_528 = arith.constant 0 : i32
        %dma_start3A_529 = tpu.memref_slice %arg8[%dma_start3A_526, %dma_start3A_527, %dma_start3A_528] : memref<8x128x128xbf16, #tpu.memory_space<vmem>> -> memref<1x128x128xbf16, #tpu.memory_space<vmem>>
        %dma_start3A_530 = tpu.memref_squeeze %dma_start3A_529 : memref<1x128x128xbf16, #tpu.memory_space<vmem>> -> memref<128x128xbf16, #tpu.memory_space<vmem>>
        %dma_start3A_531 = arith.constant 0 : i32
        %dma_start3A_532 = tpu.memref_slice %arg7[%dma_start3A_525, %add3A_455, %dma_start3A_531] : memref<2x80x128xi32, #tpu.memory_space<vmem>> -> memref<1x1x128xi32, #tpu.memory_space<vmem>>
        %dma_start3A_533 = tpu.memref_squeeze %dma_start3A_532 : memref<1x1x128xi32, #tpu.memory_space<vmem>> -> memref<128xi32, #tpu.memory_space<vmem>>
        %dma_start3A_534 = arith.constant 0 : i32
        %dma_start3A_535 = arith.constant 0 : i32
        %dma_start3A_536 = tpu.memref_slice %arg2[%dma_start3A_534, %dma_start3A_535] : memref<20000x128xbf16, #tpu.memory_space<hbm>> -> memref<20000x128xbf16, #tpu.memory_space<hbm>>
        tpu.enqueue_indirect_dma source(%dma_start3A_536 : memref<20000x128xbf16, #tpu.memory_space<hbm>>) target(%dma_start3A_530 : memref<128x128xbf16, #tpu.memory_space<vmem>>) offsets(%dma_start3A_533 : memref<128xi32, #tpu.memory_space<vmem>>) semaphore(%arg12 : memref<!tpu.dma_semaphore, #tpu.memory_space<semaphore_mem>>)
      } else {
      }
      %dma_wait3A_461 = arith.constant 0 : i32
      %dma_wait3A_462 = arith.constant 6 : i32
      %dma_wait3A_463 = arith.constant 0 : i32
      %dma_wait3A_464 = arith.constant 0 : i32
      %dma_wait3A_465 = tpu.memref_slice %arg8[%dma_wait3A_462, %dma_wait3A_463, %dma_wait3A_464] : memref<8x128x128xbf16, #tpu.memory_space<vmem>> -> memref<1x128x128xbf16, #tpu.memory_space<vmem>>
      %dma_wait3A_466 = tpu.memref_squeeze %dma_wait3A_465 : memref<1x128x128xbf16, #tpu.memory_space<vmem>> -> memref<128x128xbf16, #tpu.memory_space<vmem>>
      %dma_wait3A_467 = arith.constant 0 : i32
      %dma_wait3A_468 = tpu.memref_slice %arg7[%dma_wait3A_461, %add3A_453, %dma_wait3A_467] : memref<2x80x128xi32, #tpu.memory_space<vmem>> -> memref<1x1x128xi32, #tpu.memory_space<vmem>>
      %dma_wait3A_469 = tpu.memref_squeeze %dma_wait3A_468 : memref<1x1x128xi32, #tpu.memory_space<vmem>> -> memref<128xi32, #tpu.memory_space<vmem>>
      %dma_wait3A_470 = arith.constant 0 : i32
      %dma_wait3A_471 = arith.constant 0 : i32
      %dma_wait3A_472 = tpu.memref_slice %arg2[%dma_wait3A_470, %dma_wait3A_471] : memref<20000x128xbf16, #tpu.memory_space<hbm>> -> memref<20000x128xbf16, #tpu.memory_space<hbm>>
      tpu.wait_indirect_dma semaphore(%arg12 : memref<!tpu.dma_semaphore, #tpu.memory_space<semaphore_mem>>) src(%dma_wait3A_472 : memref<20000x128xbf16, #tpu.memory_space<hbm>>) dst(%dma_wait3A_466 : memref<128x128xbf16, #tpu.memory_space<vmem>>)
      %dma_start3A_473 = arith.constant 6 : i32
      %dma_start3A_474 = arith.constant 1 : i32
      %dma_start3A_475 = arith.constant 0 : i32
      %dma_start3A_476 = arith.constant 0 : i32
      %dma_start3A_477 = tpu.memref_slice %arg8[%dma_start3A_473, %dma_start3A_475, %dma_start3A_476] : memref<8x128x128xbf16, #tpu.memory_space<vmem>> -> memref<1x128x128xbf16, #tpu.memory_space<vmem>>
      %dma_start3A_478 = tpu.memref_squeeze %dma_start3A_477 : memref<1x128x128xbf16, #tpu.memory_space<vmem>> -> memref<128x128xbf16, #tpu.memory_space<vmem>>
      %dma_start3A_479 = arith.constant 0 : i32
      %dma_start3A_480 = tpu.memref_slice %arg7[%dma_start3A_474, %add3A_453, %dma_start3A_479] : memref<2x80x128xi32, #tpu.memory_space<vmem>> -> memref<1x1x128xi32, #tpu.memory_space<vmem>>
      %dma_start3A_481 = tpu.memref_squeeze %dma_start3A_480 : memref<1x1x128xi32, #tpu.memory_space<vmem>> -> memref<128xi32, #tpu.memory_space<vmem>>
      %dma_start3A_482 = arith.constant 0 : i32
      %dma_start3A_483 = arith.constant 0 : i32
      %dma_start3A_484 = tpu.memref_slice %arg10[%dma_start3A_482, %dma_start3A_483] : memref<10240x128xbf16, #tpu.memory_space<vmem_shared>> -> memref<10240x128xbf16, #tpu.memory_space<vmem_shared>>
      tpu.enqueue_indirect_dma source(%dma_start3A_478 : memref<128x128xbf16, #tpu.memory_space<vmem>>) target(%dma_start3A_484 : memref<10240x128xbf16, #tpu.memory_space<vmem_shared>>) offsets(%dma_start3A_481 : memref<128xi32, #tpu.memory_space<vmem>>) semaphore(%arg13 : memref<!tpu.dma_semaphore, #tpu.memory_space<semaphore_mem>>) {add = true}
      %mul3A_485 = arith.constant 8 : i32
      %mul3A_486 = arith.muli %scan3A_241, %mul3A_485 : i32
      %add3A_487 = arith.constant 7 : i32
      %add3A_488 = arith.addi %mul3A_486, %add3A_487 : i32
      %add3A_489 = arith.constant 4 : i32
      %add3A_490 = arith.addi %add3A_488, %add3A_489 : i32
      %lt3A_491 = arith.constant 80 : i32
      %lt3A_492 = arith.cmpi slt, %add3A_490, %lt3A_491 : i32
      %convert_element_type3A_493 = arith.extui %lt3A_492 : i1 to i32
      %cond3A_494 = arith.constant 0 : i32
      %cond3A_495 = arith.cmpi ne, %convert_element_type3A_493, %cond3A_494 : i32
      scf.if %cond3A_495 {
        %ge3A = arith.constant 4 : i32
        %ge3A_521 = arith.cmpi sge, %add3A_488, %ge3A : i32
        %convert_element_type3A_522 = arith.extui %ge3A_521 : i1 to i32
        %cond3A_523 = arith.constant 0 : i32
        %cond3A_524 = arith.cmpi ne, %convert_element_type3A_522, %cond3A_523 : i32
        scf.if %cond3A_524 {
          %dma_wait3A_537 = arith.constant 0 : i32
          %dma_wait3A_538 = arith.constant 1 : i32
          %dma_wait3A_539 = arith.constant 0 : i32
          %dma_wait3A_540 = arith.constant 0 : i32
          %dma_wait3A_541 = arith.constant 0 : i32
          %dma_wait3A_542 = tpu.memref_slice %arg8[%dma_wait3A_537, %dma_wait3A_540, %dma_wait3A_541] : memref<8x128x128xbf16, #tpu.memory_space<vmem>> -> memref<1x128x128xbf16, #tpu.memory_space<vmem>>
          %dma_wait3A_543 = tpu.memref_squeeze %dma_wait3A_542 : memref<1x128x128xbf16, #tpu.memory_space<vmem>> -> memref<128x128xbf16, #tpu.memory_space<vmem>>
          %dma_wait3A_544 = arith.constant 0 : i32
          %dma_wait3A_545 = tpu.memref_slice %arg7[%dma_wait3A_538, %dma_wait3A_539, %dma_wait3A_544] : memref<2x80x128xi32, #tpu.memory_space<vmem>> -> memref<1x1x128xi32, #tpu.memory_space<vmem>>
          %dma_wait3A_546 = tpu.memref_squeeze %dma_wait3A_545 : memref<1x1x128xi32, #tpu.memory_space<vmem>> -> memref<128xi32, #tpu.memory_space<vmem>>
          %dma_wait3A_547 = arith.constant 0 : i32
          %dma_wait3A_548 = arith.constant 0 : i32
          %dma_wait3A_549 = tpu.memref_slice %arg10[%dma_wait3A_547, %dma_wait3A_548] : memref<10240x128xbf16, #tpu.memory_space<vmem_shared>> -> memref<10240x128xbf16, #tpu.memory_space<vmem_shared>>
          tpu.wait_indirect_dma semaphore(%arg13 : memref<!tpu.dma_semaphore, #tpu.memory_space<semaphore_mem>>) src(%dma_wait3A_543 : memref<128x128xbf16, #tpu.memory_space<vmem>>) dst(%dma_wait3A_549 : memref<10240x128xbf16, #tpu.memory_space<vmem_shared>>)
        } else {
        }
        %dma_start3A_525 = arith.constant 0 : i32
        %dma_start3A_526 = arith.constant 3 : i32
        %dma_start3A_527 = arith.constant 0 : i32
        %dma_start3A_528 = arith.constant 0 : i32
        %dma_start3A_529 = tpu.memref_slice %arg8[%dma_start3A_526, %dma_start3A_527, %dma_start3A_528] : memref<8x128x128xbf16, #tpu.memory_space<vmem>> -> memref<1x128x128xbf16, #tpu.memory_space<vmem>>
        %dma_start3A_530 = tpu.memref_squeeze %dma_start3A_529 : memref<1x128x128xbf16, #tpu.memory_space<vmem>> -> memref<128x128xbf16, #tpu.memory_space<vmem>>
        %dma_start3A_531 = arith.constant 0 : i32
        %dma_start3A_532 = tpu.memref_slice %arg7[%dma_start3A_525, %add3A_490, %dma_start3A_531] : memref<2x80x128xi32, #tpu.memory_space<vmem>> -> memref<1x1x128xi32, #tpu.memory_space<vmem>>
        %dma_start3A_533 = tpu.memref_squeeze %dma_start3A_532 : memref<1x1x128xi32, #tpu.memory_space<vmem>> -> memref<128xi32, #tpu.memory_space<vmem>>
        %dma_start3A_534 = arith.constant 0 : i32
        %dma_start3A_535 = arith.constant 0 : i32
        %dma_start3A_536 = tpu.memref_slice %arg2[%dma_start3A_534, %dma_start3A_535] : memref<20000x128xbf16, #tpu.memory_space<hbm>> -> memref<20000x128xbf16, #tpu.memory_space<hbm>>
        tpu.enqueue_indirect_dma source(%dma_start3A_536 : memref<20000x128xbf16, #tpu.memory_space<hbm>>) target(%dma_start3A_530 : memref<128x128xbf16, #tpu.memory_space<vmem>>) offsets(%dma_start3A_533 : memref<128xi32, #tpu.memory_space<vmem>>) semaphore(%arg12 : memref<!tpu.dma_semaphore, #tpu.memory_space<semaphore_mem>>)
      } else {
      }
      %dma_wait3A_496 = arith.constant 0 : i32
      %dma_wait3A_497 = arith.constant 7 : i32
      %dma_wait3A_498 = arith.constant 0 : i32
      %dma_wait3A_499 = arith.constant 0 : i32
      %dma_wait3A_500 = tpu.memref_slice %arg8[%dma_wait3A_497, %dma_wait3A_498, %dma_wait3A_499] : memref<8x128x128xbf16, #tpu.memory_space<vmem>> -> memref<1x128x128xbf16, #tpu.memory_space<vmem>>
      %dma_wait3A_501 = tpu.memref_squeeze %dma_wait3A_500 : memref<1x128x128xbf16, #tpu.memory_space<vmem>> -> memref<128x128xbf16, #tpu.memory_space<vmem>>
      %dma_wait3A_502 = arith.constant 0 : i32
      %dma_wait3A_503 = tpu.memref_slice %arg7[%dma_wait3A_496, %add3A_488, %dma_wait3A_502] : memref<2x80x128xi32, #tpu.memory_space<vmem>> -> memref<1x1x128xi32, #tpu.memory_space<vmem>>
      %dma_wait3A_504 = tpu.memref_squeeze %dma_wait3A_503 : memref<1x1x128xi32, #tpu.memory_space<vmem>> -> memref<128xi32, #tpu.memory_space<vmem>>
      %dma_wait3A_505 = arith.constant 0 : i32
      %dma_wait3A_506 = arith.constant 0 : i32
      %dma_wait3A_507 = tpu.memref_slice %arg2[%dma_wait3A_505, %dma_wait3A_506] : memref<20000x128xbf16, #tpu.memory_space<hbm>> -> memref<20000x128xbf16, #tpu.memory_space<hbm>>
      tpu.wait_indirect_dma semaphore(%arg12 : memref<!tpu.dma_semaphore, #tpu.memory_space<semaphore_mem>>) src(%dma_wait3A_507 : memref<20000x128xbf16, #tpu.memory_space<hbm>>) dst(%dma_wait3A_501 : memref<128x128xbf16, #tpu.memory_space<vmem>>)
      %dma_start3A_508 = arith.constant 7 : i32
      %dma_start3A_509 = arith.constant 1 : i32
      %dma_start3A_510 = arith.constant 0 : i32
      %dma_start3A_511 = arith.constant 0 : i32
      %dma_start3A_512 = tpu.memref_slice %arg8[%dma_start3A_508, %dma_start3A_510, %dma_start3A_511] : memref<8x128x128xbf16, #tpu.memory_space<vmem>> -> memref<1x128x128xbf16, #tpu.memory_space<vmem>>
      %dma_start3A_513 = tpu.memref_squeeze %dma_start3A_512 : memref<1x128x128xbf16, #tpu.memory_space<vmem>> -> memref<128x128xbf16, #tpu.memory_space<vmem>>
      %dma_start3A_514 = arith.constant 0 : i32
      %dma_start3A_515 = tpu.memref_slice %arg7[%dma_start3A_509, %add3A_488, %dma_start3A_514] : memref<2x80x128xi32, #tpu.memory_space<vmem>> -> memref<1x1x128xi32, #tpu.memory_space<vmem>>
      %dma_start3A_516 = tpu.memref_squeeze %dma_start3A_515 : memref<1x1x128xi32, #tpu.memory_space<vmem>> -> memref<128xi32, #tpu.memory_space<vmem>>
      %dma_start3A_517 = arith.constant 0 : i32
      %dma_start3A_518 = arith.constant 0 : i32
      %dma_start3A_519 = tpu.memref_slice %arg10[%dma_start3A_517, %dma_start3A_518] : memref<10240x128xbf16, #tpu.memory_space<vmem_shared>> -> memref<10240x128xbf16, #tpu.memory_space<vmem_shared>>
      tpu.enqueue_indirect_dma source(%dma_start3A_513 : memref<128x128xbf16, #tpu.memory_space<vmem>>) target(%dma_start3A_519 : memref<10240x128xbf16, #tpu.memory_space<vmem_shared>>) offsets(%dma_start3A_516 : memref<128xi32, #tpu.memory_space<vmem>>) semaphore(%arg13 : memref<!tpu.dma_semaphore, #tpu.memory_space<semaphore_mem>>) {add = true}
      %scan3A_520 = arith.constant 0 : i32
      scf.yield %scan3A_520 : i32
    }
    %scan3A_112 = arith.constant 10 : i32
    %dma_wait3A = arith.constant 0 : i32
    %dma_wait3A_113 = arith.constant 1 : i32
    %dma_wait3A_114 = arith.constant 0 : i32
    %dma_wait3A_115 = arith.constant 0 : i32
    %dma_wait3A_116 = arith.constant 0 : i32
    %dma_wait3A_117 = tpu.memref_slice %arg8[%dma_wait3A, %dma_wait3A_115, %dma_wait3A_116] : memref<8x128x128xbf16, #tpu.memory_space<vmem>> -> memref<1x128x128xbf16, #tpu.memory_space<vmem>>
    %dma_wait3A_118 = tpu.memref_squeeze %dma_wait3A_117 : memref<1x128x128xbf16, #tpu.memory_space<vmem>> -> memref<128x128xbf16, #tpu.memory_space<vmem>>
    %dma_wait3A_119 = arith.constant 0 : i32
    %dma_wait3A_120 = tpu.memref_slice %arg7[%dma_wait3A_113, %dma_wait3A_114, %dma_wait3A_119] : memref<2x80x128xi32, #tpu.memory_space<vmem>> -> memref<1x1x128xi32, #tpu.memory_space<vmem>>
    %dma_wait3A_121 = tpu.memref_squeeze %dma_wait3A_120 : memref<1x1x128xi32, #tpu.memory_space<vmem>> -> memref<128xi32, #tpu.memory_space<vmem>>
    %dma_wait3A_122 = arith.constant 0 : i32
    %dma_wait3A_123 = arith.constant 0 : i32
    %dma_wait3A_124 = tpu.memref_slice %arg10[%dma_wait3A_122, %dma_wait3A_123] : memref<10240x128xbf16, #tpu.memory_space<vmem_shared>> -> memref<10240x128xbf16, #tpu.memory_space<vmem_shared>>
    tpu.wait_indirect_dma semaphore(%arg13 : memref<!tpu.dma_semaphore, #tpu.memory_space<semaphore_mem>>) src(%dma_wait3A_118 : memref<128x128xbf16, #tpu.memory_space<vmem>>) dst(%dma_wait3A_124 : memref<10240x128xbf16, #tpu.memory_space<vmem_shared>>)
    %dma_wait3A_125 = arith.constant 0 : i32
    %dma_wait3A_126 = arith.constant 1 : i32
    %dma_wait3A_127 = arith.constant 0 : i32
    %dma_wait3A_128 = arith.constant 0 : i32
    %dma_wait3A_129 = arith.constant 0 : i32
    %dma_wait3A_130 = tpu.memref_slice %arg8[%dma_wait3A_125, %dma_wait3A_128, %dma_wait3A_129] : memref<8x128x128xbf16, #tpu.memory_space<vmem>> -> memref<1x128x128xbf16, #tpu.memory_space<vmem>>
    %dma_wait3A_131 = tpu.memref_squeeze %dma_wait3A_130 : memref<1x128x128xbf16, #tpu.memory_space<vmem>> -> memref<128x128xbf16, #tpu.memory_space<vmem>>
    %dma_wait3A_132 = arith.constant 0 : i32
    %dma_wait3A_133 = tpu.memref_slice %arg7[%dma_wait3A_126, %dma_wait3A_127, %dma_wait3A_132] : memref<2x80x128xi32, #tpu.memory_space<vmem>> -> memref<1x1x128xi32, #tpu.memory_space<vmem>>
    %dma_wait3A_134 = tpu.memref_squeeze %dma_wait3A_133 : memref<1x1x128xi32, #tpu.memory_space<vmem>> -> memref<128xi32, #tpu.memory_space<vmem>>
    %dma_wait3A_135 = arith.constant 0 : i32
    %dma_wait3A_136 = arith.constant 0 : i32
    %dma_wait3A_137 = tpu.memref_slice %arg10[%dma_wait3A_135, %dma_wait3A_136] : memref<10240x128xbf16, #tpu.memory_space<vmem_shared>> -> memref<10240x128xbf16, #tpu.memory_space<vmem_shared>>
    tpu.wait_indirect_dma semaphore(%arg13 : memref<!tpu.dma_semaphore, #tpu.memory_space<semaphore_mem>>) src(%dma_wait3A_131 : memref<128x128xbf16, #tpu.memory_space<vmem>>) dst(%dma_wait3A_137 : memref<10240x128xbf16, #tpu.memory_space<vmem_shared>>)
    %dma_wait3A_138 = arith.constant 0 : i32
    %dma_wait3A_139 = arith.constant 1 : i32
    %dma_wait3A_140 = arith.constant 0 : i32
    %dma_wait3A_141 = arith.constant 0 : i32
    %dma_wait3A_142 = arith.constant 0 : i32
    %dma_wait3A_143 = tpu.memref_slice %arg8[%dma_wait3A_138, %dma_wait3A_141, %dma_wait3A_142] : memref<8x128x128xbf16, #tpu.memory_space<vmem>> -> memref<1x128x128xbf16, #tpu.memory_space<vmem>>
    %dma_wait3A_144 = tpu.memref_squeeze %dma_wait3A_143 : memref<1x128x128xbf16, #tpu.memory_space<vmem>> -> memref<128x128xbf16, #tpu.memory_space<vmem>>
    %dma_wait3A_145 = arith.constant 0 : i32
    %dma_wait3A_146 = tpu.memref_slice %arg7[%dma_wait3A_139, %dma_wait3A_140, %dma_wait3A_145] : memref<2x80x128xi32, #tpu.memory_space<vmem>> -> memref<1x1x128xi32, #tpu.memory_space<vmem>>
    %dma_wait3A_147 = tpu.memref_squeeze %dma_wait3A_146 : memref<1x1x128xi32, #tpu.memory_space<vmem>> -> memref<128xi32, #tpu.memory_space<vmem>>
    %dma_wait3A_148 = arith.constant 0 : i32
    %dma_wait3A_149 = arith.constant 0 : i32
    %dma_wait3A_150 = tpu.memref_slice %arg10[%dma_wait3A_148, %dma_wait3A_149] : memref<10240x128xbf16, #tpu.memory_space<vmem_shared>> -> memref<10240x128xbf16, #tpu.memory_space<vmem_shared>>
    tpu.wait_indirect_dma semaphore(%arg13 : memref<!tpu.dma_semaphore, #tpu.memory_space<semaphore_mem>>) src(%dma_wait3A_144 : memref<128x128xbf16, #tpu.memory_space<vmem>>) dst(%dma_wait3A_150 : memref<10240x128xbf16, #tpu.memory_space<vmem_shared>>)
    %dma_wait3A_151 = arith.constant 0 : i32
    %dma_wait3A_152 = arith.constant 1 : i32
    %dma_wait3A_153 = arith.constant 0 : i32
    %dma_wait3A_154 = arith.constant 0 : i32
    %dma_wait3A_155 = arith.constant 0 : i32
    %dma_wait3A_156 = tpu.memref_slice %arg8[%dma_wait3A_151, %dma_wait3A_154, %dma_wait3A_155] : memref<8x128x128xbf16, #tpu.memory_space<vmem>> -> memref<1x128x128xbf16, #tpu.memory_space<vmem>>
    %dma_wait3A_157 = tpu.memref_squeeze %dma_wait3A_156 : memref<1x128x128xbf16, #tpu.memory_space<vmem>> -> memref<128x128xbf16, #tpu.memory_space<vmem>>
    %dma_wait3A_158 = arith.constant 0 : i32
    %dma_wait3A_159 = tpu.memref_slice %arg7[%dma_wait3A_152, %dma_wait3A_153, %dma_wait3A_158] : memref<2x80x128xi32, #tpu.memory_space<vmem>> -> memref<1x1x128xi32, #tpu.memory_space<vmem>>
    %dma_wait3A_160 = tpu.memref_squeeze %dma_wait3A_159 : memref<1x1x128xi32, #tpu.memory_space<vmem>> -> memref<128xi32, #tpu.memory_space<vmem>>
    %dma_wait3A_161 = arith.constant 0 : i32
    %dma_wait3A_162 = arith.constant 0 : i32
    %dma_wait3A_163 = tpu.memref_slice %arg10[%dma_wait3A_161, %dma_wait3A_162] : memref<10240x128xbf16, #tpu.memory_space<vmem_shared>> -> memref<10240x128xbf16, #tpu.memory_space<vmem_shared>>
    tpu.wait_indirect_dma semaphore(%arg13 : memref<!tpu.dma_semaphore, #tpu.memory_space<semaphore_mem>>) src(%dma_wait3A_157 : memref<128x128xbf16, #tpu.memory_space<vmem>>) dst(%dma_wait3A_163 : memref<10240x128xbf16, #tpu.memory_space<vmem_shared>>)
    %dma_wait3A_164 = arith.constant 0 : i32
    %dma_wait3A_165 = arith.constant 1 : i32
    %dma_wait3A_166 = arith.constant 0 : i32
    %dma_wait3A_167 = arith.constant 0 : i32
    %dma_wait3A_168 = arith.constant 0 : i32
    %dma_wait3A_169 = tpu.memref_slice %arg8[%dma_wait3A_164, %dma_wait3A_167, %dma_wait3A_168] : memref<8x128x128xbf16, #tpu.memory_space<vmem>> -> memref<1x128x128xbf16, #tpu.memory_space<vmem>>
    %dma_wait3A_170 = tpu.memref_squeeze %dma_wait3A_169 : memref<1x128x128xbf16, #tpu.memory_space<vmem>> -> memref<128x128xbf16, #tpu.memory_space<vmem>>
    %dma_wait3A_171 = arith.constant 0 : i32
    %dma_wait3A_172 = tpu.memref_slice %arg7[%dma_wait3A_165, %dma_wait3A_166, %dma_wait3A_171] : memref<2x80x128xi32, #tpu.memory_space<vmem>> -> memref<1x1x128xi32, #tpu.memory_space<vmem>>
    %dma_wait3A_173 = tpu.memref_squeeze %dma_wait3A_172 : memref<1x1x128xi32, #tpu.memory_space<vmem>> -> memref<128xi32, #tpu.memory_space<vmem>>
    %dma_wait3A_174 = arith.constant 0 : i32
    %dma_wait3A_175 = arith.constant 0 : i32
    %dma_wait3A_176 = tpu.memref_slice %arg10[%dma_wait3A_174, %dma_wait3A_175] : memref<10240x128xbf16, #tpu.memory_space<vmem_shared>> -> memref<10240x128xbf16, #tpu.memory_space<vmem_shared>>
    tpu.wait_indirect_dma semaphore(%arg13 : memref<!tpu.dma_semaphore, #tpu.memory_space<semaphore_mem>>) src(%dma_wait3A_170 : memref<128x128xbf16, #tpu.memory_space<vmem>>) dst(%dma_wait3A_176 : memref<10240x128xbf16, #tpu.memory_space<vmem_shared>>)
    %dma_wait3A_177 = arith.constant 0 : i32
    %dma_wait3A_178 = arith.constant 1 : i32
    %dma_wait3A_179 = arith.constant 0 : i32
    %dma_wait3A_180 = arith.constant 0 : i32
    %dma_wait3A_181 = arith.constant 0 : i32
    %dma_wait3A_182 = tpu.memref_slice %arg8[%dma_wait3A_177, %dma_wait3A_180, %dma_wait3A_181] : memref<8x128x128xbf16, #tpu.memory_space<vmem>> -> memref<1x128x128xbf16, #tpu.memory_space<vmem>>
    %dma_wait3A_183 = tpu.memref_squeeze %dma_wait3A_182 : memref<1x128x128xbf16, #tpu.memory_space<vmem>> -> memref<128x128xbf16, #tpu.memory_space<vmem>>
    %dma_wait3A_184 = arith.constant 0 : i32
    %dma_wait3A_185 = tpu.memref_slice %arg7[%dma_wait3A_178, %dma_wait3A_179, %dma_wait3A_184] : memref<2x80x128xi32, #tpu.memory_space<vmem>> -> memref<1x1x128xi32, #tpu.memory_space<vmem>>
    %dma_wait3A_186 = tpu.memref_squeeze %dma_wait3A_185 : memref<1x1x128xi32, #tpu.memory_space<vmem>> -> memref<128xi32, #tpu.memory_space<vmem>>
    %dma_wait3A_187 = arith.constant 0 : i32
    %dma_wait3A_188 = arith.constant 0 : i32
    %dma_wait3A_189 = tpu.memref_slice %arg10[%dma_wait3A_187, %dma_wait3A_188] : memref<10240x128xbf16, #tpu.memory_space<vmem_shared>> -> memref<10240x128xbf16, #tpu.memory_space<vmem_shared>>
    tpu.wait_indirect_dma semaphore(%arg13 : memref<!tpu.dma_semaphore, #tpu.memory_space<semaphore_mem>>) src(%dma_wait3A_183 : memref<128x128xbf16, #tpu.memory_space<vmem>>) dst(%dma_wait3A_189 : memref<10240x128xbf16, #tpu.memory_space<vmem_shared>>)
    %dma_wait3A_190 = arith.constant 0 : i32
    %dma_wait3A_191 = arith.constant 1 : i32
    %dma_wait3A_192 = arith.constant 0 : i32
    %dma_wait3A_193 = arith.constant 0 : i32
    %dma_wait3A_194 = arith.constant 0 : i32
    %dma_wait3A_195 = tpu.memref_slice %arg8[%dma_wait3A_190, %dma_wait3A_193, %dma_wait3A_194] : memref<8x128x128xbf16, #tpu.memory_space<vmem>> -> memref<1x128x128xbf16, #tpu.memory_space<vmem>>
    %dma_wait3A_196 = tpu.memref_squeeze %dma_wait3A_195 : memref<1x128x128xbf16, #tpu.memory_space<vmem>> -> memref<128x128xbf16, #tpu.memory_space<vmem>>
    %dma_wait3A_197 = arith.constant 0 : i32
    %dma_wait3A_198 = tpu.memref_slice %arg7[%dma_wait3A_191, %dma_wait3A_192, %dma_wait3A_197] : memref<2x80x128xi32, #tpu.memory_space<vmem>> -> memref<1x1x128xi32, #tpu.memory_space<vmem>>
    %dma_wait3A_199 = tpu.memref_squeeze %dma_wait3A_198 : memref<1x1x128xi32, #tpu.memory_space<vmem>> -> memref<128xi32, #tpu.memory_space<vmem>>
    %dma_wait3A_200 = arith.constant 0 : i32
    %dma_wait3A_201 = arith.constant 0 : i32
    %dma_wait3A_202 = tpu.memref_slice %arg10[%dma_wait3A_200, %dma_wait3A_201] : memref<10240x128xbf16, #tpu.memory_space<vmem_shared>> -> memref<10240x128xbf16, #tpu.memory_space<vmem_shared>>
    tpu.wait_indirect_dma semaphore(%arg13 : memref<!tpu.dma_semaphore, #tpu.memory_space<semaphore_mem>>) src(%dma_wait3A_196 : memref<128x128xbf16, #tpu.memory_space<vmem>>) dst(%dma_wait3A_202 : memref<10240x128xbf16, #tpu.memory_space<vmem_shared>>)
    %dma_wait3A_203 = arith.constant 0 : i32
    %dma_wait3A_204 = arith.constant 1 : i32
    %dma_wait3A_205 = arith.constant 0 : i32
    %dma_wait3A_206 = arith.constant 0 : i32
    %dma_wait3A_207 = arith.constant 0 : i32
    %dma_wait3A_208 = tpu.memref_slice %arg8[%dma_wait3A_203, %dma_wait3A_206, %dma_wait3A_207] : memref<8x128x128xbf16, #tpu.memory_space<vmem>> -> memref<1x128x128xbf16, #tpu.memory_space<vmem>>
    %dma_wait3A_209 = tpu.memref_squeeze %dma_wait3A_208 : memref<1x128x128xbf16, #tpu.memory_space<vmem>> -> memref<128x128xbf16, #tpu.memory_space<vmem>>
    %dma_wait3A_210 = arith.constant 0 : i32
    %dma_wait3A_211 = tpu.memref_slice %arg7[%dma_wait3A_204, %dma_wait3A_205, %dma_wait3A_210] : memref<2x80x128xi32, #tpu.memory_space<vmem>> -> memref<1x1x128xi32, #tpu.memory_space<vmem>>
    %dma_wait3A_212 = tpu.memref_squeeze %dma_wait3A_211 : memref<1x1x128xi32, #tpu.memory_space<vmem>> -> memref<128xi32, #tpu.memory_space<vmem>>
    %dma_wait3A_213 = arith.constant 0 : i32
    %dma_wait3A_214 = arith.constant 0 : i32
    %dma_wait3A_215 = tpu.memref_slice %arg10[%dma_wait3A_213, %dma_wait3A_214] : memref<10240x128xbf16, #tpu.memory_space<vmem_shared>> -> memref<10240x128xbf16, #tpu.memory_space<vmem_shared>>
    tpu.wait_indirect_dma semaphore(%arg13 : memref<!tpu.dma_semaphore, #tpu.memory_space<semaphore_mem>>) src(%dma_wait3A_209 : memref<128x128xbf16, #tpu.memory_space<vmem>>) dst(%dma_wait3A_215 : memref<10240x128xbf16, #tpu.memory_space<vmem_shared>>)
    %mul3A_216 = arith.constant 40 : i32
    %mul3A_217 = arith.muli %arg0, %mul3A_216 : i32
    %add3A_218 = arith.constant 1 : i32
    %add3A_219 = arith.addi %arg0, %add3A_218 : i32
    %mul3A_220 = arith.constant 40 : i32
    %mul3A_221 = arith.muli %add3A_219, %mul3A_220 : i32
    %while3A = arith.constant 0 : i32
    %while3A_222 = arith.subi %mul3A_221, %mul3A_217 : i32
    %while3A_223 = arith.addi %mul3A_217, %while3A_222 : i32
    %while3A_224 = arith.constant 1 : i32
    %while3A_225 = arith.divsi %while3A_222, %while3A_224 : i32
    %while3A_226 = arith.muli %while3A_225, %while3A_224 : i32
    %while3A_227 = arith.addi %mul3A_217, %while3A_226 : i32
    %while3A_228 = arith.constant 1 : i32
    %while3A_229 = scf.for %while3A_241 = %mul3A_217 to %while3A_227 step %while3A_228 iter_args(%while3A_242 = %while3A) -> (i32)  : i32 {
      %run_scoped3A_243 = arith.constant 1 : i32
      "tpu.region"() ({
        %run_scoped3A_245 = tpu.sem_alloc : memref<!tpu.dma_semaphore, #tpu.memory_space<semaphore_mem>>
        %dma_start3A_246 = arith.constant 640 : i32
        %dma_start3A_247 = tpu.memref_slice %arg9[%dma_start3A_246] : memref<768xf32, #tpu.memory_space<vmem>> -> memref<128xf32, #tpu.memory_space<vmem>>
        %dma_start3A_248 = arith.constant 0 : i32
        %dma_start3A_249 = tpu.memref_slice %arg7[%run_scoped3A_243, %while3A_241, %dma_start3A_248] : memref<2x80x128xi32, #tpu.memory_space<vmem>> -> memref<1x1x128xi32, #tpu.memory_space<vmem>>
        %dma_start3A_250 = tpu.memref_squeeze %dma_start3A_249 : memref<1x1x128xi32, #tpu.memory_space<vmem>> -> memref<128xi32, #tpu.memory_space<vmem>>
        %dma_start3A_251 = arith.constant 0 : i32
        %dma_start3A_252 = tpu.memref_slice %arg11[%dma_start3A_251] : memref<10240xf32, #tpu.memory_space<vmem_shared>> -> memref<10240xf32, #tpu.memory_space<vmem_shared>>
        tpu.enqueue_indirect_dma source(%dma_start3A_247 : memref<128xf32, #tpu.memory_space<vmem>>) target(%dma_start3A_252 : memref<10240xf32, #tpu.memory_space<vmem_shared>>) offsets(%dma_start3A_250 : memref<128xi32, #tpu.memory_space<vmem>>) semaphore(%run_scoped3A_245 : memref<!tpu.dma_semaphore, #tpu.memory_space<semaphore_mem>>) {add = true}
        %dma_wait3A_253 = arith.constant 640 : i32
        %dma_wait3A_254 = tpu.memref_slice %arg9[%dma_wait3A_253] : memref<768xf32, #tpu.memory_space<vmem>> -> memref<128xf32, #tpu.memory_space<vmem>>
        %dma_wait3A_255 = arith.constant 0 : i32
        %dma_wait3A_256 = tpu.memref_slice %arg7[%run_scoped3A_243, %while3A_241, %dma_wait3A_255] : memref<2x80x128xi32, #tpu.memory_space<vmem>> -> memref<1x1x128xi32, #tpu.memory_space<vmem>>
        %dma_wait3A_257 = tpu.memref_squeeze %dma_wait3A_256 : memref<1x1x128xi32, #tpu.memory_space<vmem>> -> memref<128xi32, #tpu.memory_space<vmem>>
        %dma_wait3A_258 = arith.constant 0 : i32
        %dma_wait3A_259 = tpu.memref_slice %arg11[%dma_wait3A_258] : memref<10240xf32, #tpu.memory_space<vmem_shared>> -> memref<10240xf32, #tpu.memory_space<vmem_shared>>
        tpu.wait_indirect_dma semaphore(%run_scoped3A_245 : memref<!tpu.dma_semaphore, #tpu.memory_space<semaphore_mem>>) src(%dma_wait3A_254 : memref<128xf32, #tpu.memory_space<vmem>>) dst(%dma_wait3A_259 : memref<10240xf32, #tpu.memory_space<vmem_shared>>)
        tpu.yield
      }) : () -> ()
      %while3A_244 = arith.constant 0 : i32
      scf.yield %while3A_244 : i32
    }
    %while3A_230 = arith.constant 1 : i32
    %while3A_231 = scf.for %while3A_241 = %while3A_227 to %while3A_223 step %while3A_230 iter_args(%while3A_242 = %while3A_229) -> (i32)  : i32 {
      %run_scoped3A_243 = arith.constant 1 : i32
      "tpu.region"() ({
        %run_scoped3A_245 = tpu.sem_alloc : memref<!tpu.dma_semaphore, #tpu.memory_space<semaphore_mem>>
        %dma_start3A_246 = arith.constant 640 : i32
        %dma_start3A_247 = tpu.memref_slice %arg9[%dma_start3A_246] : memref<768xf32, #tpu.memory_space<vmem>> -> memref<128xf32, #tpu.memory_space<vmem>>
        %dma_start3A_248 = arith.constant 0 : i32
        %dma_start3A_249 = tpu.memref_slice %arg7[%run_scoped3A_243, %while3A_241, %dma_start3A_248] : memref<2x80x128xi32, #tpu.memory_space<vmem>> -> memref<1x1x128xi32, #tpu.memory_space<vmem>>
        %dma_start3A_250 = tpu.memref_squeeze %dma_start3A_249 : memref<1x1x128xi32, #tpu.memory_space<vmem>> -> memref<128xi32, #tpu.memory_space<vmem>>
        %dma_start3A_251 = arith.constant 0 : i32
        %dma_start3A_252 = tpu.memref_slice %arg11[%dma_start3A_251] : memref<10240xf32, #tpu.memory_space<vmem_shared>> -> memref<10240xf32, #tpu.memory_space<vmem_shared>>
        tpu.enqueue_indirect_dma source(%dma_start3A_247 : memref<128xf32, #tpu.memory_space<vmem>>) target(%dma_start3A_252 : memref<10240xf32, #tpu.memory_space<vmem_shared>>) offsets(%dma_start3A_250 : memref<128xi32, #tpu.memory_space<vmem>>) semaphore(%run_scoped3A_245 : memref<!tpu.dma_semaphore, #tpu.memory_space<semaphore_mem>>) {add = true}
        %dma_wait3A_253 = arith.constant 640 : i32
        %dma_wait3A_254 = tpu.memref_slice %arg9[%dma_wait3A_253] : memref<768xf32, #tpu.memory_space<vmem>> -> memref<128xf32, #tpu.memory_space<vmem>>
        %dma_wait3A_255 = arith.constant 0 : i32
        %dma_wait3A_256 = tpu.memref_slice %arg7[%run_scoped3A_243, %while3A_241, %dma_wait3A_255] : memref<2x80x128xi32, #tpu.memory_space<vmem>> -> memref<1x1x128xi32, #tpu.memory_space<vmem>>
        %dma_wait3A_257 = tpu.memref_squeeze %dma_wait3A_256 : memref<1x1x128xi32, #tpu.memory_space<vmem>> -> memref<128xi32, #tpu.memory_space<vmem>>
        %dma_wait3A_258 = arith.constant 0 : i32
        %dma_wait3A_259 = tpu.memref_slice %arg11[%dma_wait3A_258] : memref<10240xf32, #tpu.memory_space<vmem_shared>> -> memref<10240xf32, #tpu.memory_space<vmem_shared>>
        tpu.wait_indirect_dma semaphore(%run_scoped3A_245 : memref<!tpu.dma_semaphore, #tpu.memory_space<semaphore_mem>>) src(%dma_wait3A_254 : memref<128xf32, #tpu.memory_space<vmem>>) dst(%dma_wait3A_259 : memref<10240xf32, #tpu.memory_space<vmem_shared>>)
        tpu.yield
      }) : () -> ()
      %while3A_244 = arith.constant 0 : i32
      scf.yield %while3A_244 : i32
    }
    %barrier3A_232 = arith.constant 0 : index
    tpu.barrier barrier_id(%barrier3A_232)
    %mul3A_233 = arith.constant 640 : i32
    %mul3A_234 = arith.muli %arg1, %mul3A_233 : i32
    %mul3A_235 = arith.constant 640 : i32
    %mul3A_236 = arith.muli %arg1, %mul3A_235 : i32
    "tpu.region"() ({
      %run_scoped3A_241 = tpu.sem_alloc : memref<!tpu.dma_semaphore, #tpu.memory_space<semaphore_mem>>
      %dma_start3A_242 = arith.constant 0 : i32
      %dma_start3A_243 = tpu.memref_slice %arg5[%arg0, %mul3A_236, %dma_start3A_242] : memref<2x10240x128xbf16, #tpu.memory_space<hbm>> -> memref<1x640x128xbf16, #tpu.memory_space<hbm>>
      %dma_start3A_244 = tpu.memref_squeeze %dma_start3A_243 : memref<1x640x128xbf16, #tpu.memory_space<hbm>> -> memref<640x128xbf16, #tpu.memory_space<hbm>>
      %dma_start3A_245 = arith.constant 0 : i32
      %dma_start3A_246 = tpu.memref_slice %arg10[%mul3A_234, %dma_start3A_245] : memref<10240x128xbf16, #tpu.memory_space<vmem_shared>> -> memref<640x128xbf16, #tpu.memory_space<vmem_shared>>
      tpu.enqueue_dma source(%dma_start3A_246 : memref<640x128xbf16, #tpu.memory_space<vmem_shared>>) target(%dma_start3A_244 : memref<640x128xbf16, #tpu.memory_space<hbm>>) target_semaphore(%run_scoped3A_241 : memref<!tpu.dma_semaphore, #tpu.memory_space<semaphore_mem>>)
      %dma_wait3A_247 = arith.constant 0 : i32
      %dma_wait3A_248 = tpu.memref_slice %arg5[%arg0, %mul3A_236, %dma_wait3A_247] : memref<2x10240x128xbf16, #tpu.memory_space<hbm>> -> memref<1x640x128xbf16, #tpu.memory_space<hbm>>
      %dma_wait3A_249 = tpu.memref_squeeze %dma_wait3A_248 : memref<1x640x128xbf16, #tpu.memory_space<hbm>> -> memref<640x128xbf16, #tpu.memory_space<hbm>>
      %dma_wait3A_250 = arith.constant 0 : i32
      %dma_wait3A_251 = tpu.memref_slice %arg10[%mul3A_234, %dma_wait3A_250] : memref<10240x128xbf16, #tpu.memory_space<vmem_shared>> -> memref<640x128xbf16, #tpu.memory_space<vmem_shared>>
      tpu.wait_dma2 semaphore(%run_scoped3A_241 : memref<!tpu.dma_semaphore, #tpu.memory_space<semaphore_mem>>) src(%dma_wait3A_251 : memref<640x128xbf16, #tpu.memory_space<vmem_shared>>) dst(%dma_wait3A_249 : memref<640x128xbf16, #tpu.memory_space<hbm>>)
      tpu.yield
    }) : () -> ()
    %mul3A_237 = arith.constant 640 : i32
    %mul3A_238 = arith.muli %arg1, %mul3A_237 : i32
    %mul3A_239 = arith.constant 640 : i32
    %mul3A_240 = arith.muli %arg1, %mul3A_239 : i32
    "tpu.region"() ({
      %run_scoped3A_241 = tpu.sem_alloc : memref<!tpu.dma_semaphore, #tpu.memory_space<semaphore_mem>>
      %dma_start3A_242 = tpu.memref_slice %arg6[%arg0, %mul3A_240] : memref<2x10240xf32, #tpu.memory_space<hbm>> -> memref<1x640xf32, #tpu.memory_space<hbm>>
      %dma_start3A_243 = tpu.memref_squeeze %dma_start3A_242 : memref<1x640xf32, #tpu.memory_space<hbm>> -> memref<640xf32, #tpu.memory_space<hbm>>
      %dma_start3A_244 = tpu.memref_slice %arg11[%mul3A_238] : memref<10240xf32, #tpu.memory_space<vmem_shared>> -> memref<640xf32, #tpu.memory_space<vmem_shared>>
      tpu.enqueue_dma source(%dma_start3A_244 : memref<640xf32, #tpu.memory_space<vmem_shared>>) target(%dma_start3A_243 : memref<640xf32, #tpu.memory_space<hbm>>) target_semaphore(%run_scoped3A_241 : memref<!tpu.dma_semaphore, #tpu.memory_space<semaphore_mem>>)
      %dma_wait3A_245 = tpu.memref_slice %arg6[%arg0, %mul3A_240] : memref<2x10240xf32, #tpu.memory_space<hbm>> -> memref<1x640xf32, #tpu.memory_space<hbm>>
      %dma_wait3A_246 = tpu.memref_squeeze %dma_wait3A_245 : memref<1x640xf32, #tpu.memory_space<hbm>> -> memref<640xf32, #tpu.memory_space<hbm>>
      %dma_wait3A_247 = tpu.memref_slice %arg11[%mul3A_238] : memref<10240xf32, #tpu.memory_space<vmem_shared>> -> memref<640xf32, #tpu.memory_space<vmem_shared>>
      tpu.wait_dma2 semaphore(%run_scoped3A_241 : memref<!tpu.dma_semaphore, #tpu.memory_space<semaphore_mem>>) src(%dma_wait3A_247 : memref<640xf32, #tpu.memory_space<vmem_shared>>) dst(%dma_wait3A_246 : memref<640xf32, #tpu.memory_space<hbm>>)
      tpu.yield
    }) : () -> ()
    return
  }
}

#map = affine_map<(d0, d1) -> (0)>
#map1 = affine_map<(d0, d1) -> (0, 0)>
module attributes {stable_mosaic.version = 14 : i64} {
  func.func @_sc_out_body(%arg0: i32, %arg1: i32, %arg2: memref<10240xf32, #tpu.memory_space<hbm>>, %arg3: memref<10240xf32, #tpu.memory_space<hbm>>, %arg4: memref<10240xf32, #tpu.memory_space<hbm>>, %arg5: memref<16x10240xi32, #tpu.memory_space<hbm>>, %arg6: memref<16x10240xi32, #tpu.memory_space<hbm>>, %arg7: memref<10240xf32, #tpu.memory_space<hbm>>, %arg8: memref<10240xf32, #tpu.memory_space<vmem>>, %arg9: memref<10240xi32, #tpu.memory_space<vmem>>, %arg10: memref<10240xi32, #tpu.memory_space<vmem>>, %arg11: memref<10240xf32, #tpu.memory_space<vmem>>, %arg12: memref<16x640xf32, #tpu.memory_space<vmem>>, %arg13: memref<2x640xf32, #tpu.memory_space<vmem>>, %arg14: memref<16x10240xf32, #tpu.memory_space<vmem_shared>>) attributes {dimension_semantics = [#tpu.dimension_semantics<core_parallel>, #tpu.dimension_semantics<subcore_parallel>], iteration_bounds = array<i64: 2, 16>, scalar_prefetch = 0 : i64, scratch_operands = 7 : i64, tpu.core_type = #tpu.core_type<sc_vector_subcore>, window_params = [{transform_indices = #map}, {transform_indices = #map}, {transform_indices = #map}, {transform_indices = #map1}, {transform_indices = #map1}, {transform_indices = #map}]} {
    "tpu.region"() ({
      %run_scoped3A_90 = tpu.sem_alloc : memref<!tpu.dma_semaphore, #tpu.memory_space<semaphore_mem>>
      tpu.enqueue_dma source(%arg2 : memref<10240xf32, #tpu.memory_space<hbm>>) target(%arg8 : memref<10240xf32, #tpu.memory_space<vmem>>) target_semaphore(%run_scoped3A_90 : memref<!tpu.dma_semaphore, #tpu.memory_space<semaphore_mem>>)
      tpu.wait_dma2 semaphore(%run_scoped3A_90 : memref<!tpu.dma_semaphore, #tpu.memory_space<semaphore_mem>>) src(%arg2 : memref<10240xf32, #tpu.memory_space<hbm>>) dst(%arg8 : memref<10240xf32, #tpu.memory_space<vmem>>)
      tpu.yield
    }) : () -> ()
    "tpu.region"() ({
      %run_scoped3A_90 = tpu.sem_alloc : memref<!tpu.dma_semaphore, #tpu.memory_space<semaphore_mem>>
      %dma_start3A = arith.constant 0 : i32
      %dma_start3A_91 = tpu.memref_slice %arg5[%arg1, %dma_start3A] : memref<16x10240xi32, #tpu.memory_space<hbm>> -> memref<1x10240xi32, #tpu.memory_space<hbm>>
      %dma_start3A_92 = tpu.memref_squeeze %dma_start3A_91 : memref<1x10240xi32, #tpu.memory_space<hbm>> -> memref<10240xi32, #tpu.memory_space<hbm>>
      %dma_start3A_93 = arith.constant 0 : i32
      %dma_start3A_94 = tpu.memref_slice %arg5[%arg1, %dma_start3A_93] : memref<16x10240xi32, #tpu.memory_space<hbm>> -> memref<1x10240xi32, #tpu.memory_space<hbm>>
      %dma_start3A_95 = tpu.memref_squeeze %dma_start3A_94 : memref<1x10240xi32, #tpu.memory_space<hbm>> -> memref<10240xi32, #tpu.memory_space<hbm>>
      tpu.enqueue_dma source(%dma_start3A_95 : memref<10240xi32, #tpu.memory_space<hbm>>) target(%arg9 : memref<10240xi32, #tpu.memory_space<vmem>>) target_semaphore(%run_scoped3A_90 : memref<!tpu.dma_semaphore, #tpu.memory_space<semaphore_mem>>)
      %dma_wait3A = arith.constant 0 : i32
      %dma_wait3A_96 = tpu.memref_slice %arg5[%arg1, %dma_wait3A] : memref<16x10240xi32, #tpu.memory_space<hbm>> -> memref<1x10240xi32, #tpu.memory_space<hbm>>
      %dma_wait3A_97 = tpu.memref_squeeze %dma_wait3A_96 : memref<1x10240xi32, #tpu.memory_space<hbm>> -> memref<10240xi32, #tpu.memory_space<hbm>>
      %dma_wait3A_98 = arith.constant 0 : i32
      %dma_wait3A_99 = tpu.memref_slice %arg5[%arg1, %dma_wait3A_98] : memref<16x10240xi32, #tpu.memory_space<hbm>> -> memref<1x10240xi32, #tpu.memory_space<hbm>>
      %dma_wait3A_100 = tpu.memref_squeeze %dma_wait3A_99 : memref<1x10240xi32, #tpu.memory_space<hbm>> -> memref<10240xi32, #tpu.memory_space<hbm>>
      tpu.wait_dma2 semaphore(%run_scoped3A_90 : memref<!tpu.dma_semaphore, #tpu.memory_space<semaphore_mem>>) src(%dma_wait3A_100 : memref<10240xi32, #tpu.memory_space<hbm>>) dst(%arg9 : memref<10240xi32, #tpu.memory_space<vmem>>)
      tpu.yield
    }) : () -> ()
    "tpu.region"() ({
      %run_scoped3A_90 = tpu.sem_alloc : memref<!tpu.dma_semaphore, #tpu.memory_space<semaphore_mem>>
      %dma_start3A = arith.constant 0 : i32
      %dma_start3A_91 = tpu.memref_slice %arg6[%arg1, %dma_start3A] : memref<16x10240xi32, #tpu.memory_space<hbm>> -> memref<1x10240xi32, #tpu.memory_space<hbm>>
      %dma_start3A_92 = tpu.memref_squeeze %dma_start3A_91 : memref<1x10240xi32, #tpu.memory_space<hbm>> -> memref<10240xi32, #tpu.memory_space<hbm>>
      %dma_start3A_93 = arith.constant 0 : i32
      %dma_start3A_94 = tpu.memref_slice %arg6[%arg1, %dma_start3A_93] : memref<16x10240xi32, #tpu.memory_space<hbm>> -> memref<1x10240xi32, #tpu.memory_space<hbm>>
      %dma_start3A_95 = tpu.memref_squeeze %dma_start3A_94 : memref<1x10240xi32, #tpu.memory_space<hbm>> -> memref<10240xi32, #tpu.memory_space<hbm>>
      tpu.enqueue_dma source(%dma_start3A_95 : memref<10240xi32, #tpu.memory_space<hbm>>) target(%arg10 : memref<10240xi32, #tpu.memory_space<vmem>>) target_semaphore(%run_scoped3A_90 : memref<!tpu.dma_semaphore, #tpu.memory_space<semaphore_mem>>)
      %dma_wait3A = arith.constant 0 : i32
      %dma_wait3A_96 = tpu.memref_slice %arg6[%arg1, %dma_wait3A] : memref<16x10240xi32, #tpu.memory_space<hbm>> -> memref<1x10240xi32, #tpu.memory_space<hbm>>
      %dma_wait3A_97 = tpu.memref_squeeze %dma_wait3A_96 : memref<1x10240xi32, #tpu.memory_space<hbm>> -> memref<10240xi32, #tpu.memory_space<hbm>>
      %dma_wait3A_98 = arith.constant 0 : i32
      %dma_wait3A_99 = tpu.memref_slice %arg6[%arg1, %dma_wait3A_98] : memref<16x10240xi32, #tpu.memory_space<hbm>> -> memref<1x10240xi32, #tpu.memory_space<hbm>>
      %dma_wait3A_100 = tpu.memref_squeeze %dma_wait3A_99 : memref<1x10240xi32, #tpu.memory_space<hbm>> -> memref<10240xi32, #tpu.memory_space<hbm>>
      tpu.wait_dma2 semaphore(%run_scoped3A_90 : memref<!tpu.dma_semaphore, #tpu.memory_space<semaphore_mem>>) src(%dma_wait3A_100 : memref<10240xi32, #tpu.memory_space<hbm>>) dst(%arg10 : memref<10240xi32, #tpu.memory_space<vmem>>)
      tpu.yield
    }) : () -> ()
    %scan3A = arith.constant 0 : i32
    %scan3A_0 = arith.constant 0 : i32
    %scan3A_1 = arith.constant 640 : i32
    %scan3A_2 = arith.addi %scan3A_0, %scan3A_1 : i32
    %scan3A_3 = arith.constant 1 : i32
    %scan3A_4 = scf.for %scan3A_90 = %scan3A_0 to %scan3A_2 step %scan3A_3 iter_args(%scan3A_91 = %scan3A) -> (i32)  : i32 {
      %broadcast_in_dim3A = arith.constant 0.000000e+00 : f32
      %broadcast_in_dim3A_92 = vector.broadcast %broadcast_in_dim3A : f32 to vector<16xf32>
      %mul3A_93 = arith.constant 16 : i32
      %mul3A_94 = arith.muli %scan3A_90, %mul3A_93 : i32
      %swap3A = arith.index_cast %mul3A_94 : i32 to index
      %swap3A_95 = tpu.vector_load %arg11[%swap3A] {strides = array<i32>} : memref<10240xf32, #tpu.memory_space<vmem>>, vector<16xf32>,
      tpu.vector_store %arg11[%swap3A], %broadcast_in_dim3A_92 {strides = array<i32>} : memref<10240xf32, #tpu.memory_space<vmem>>, vector<16xf32>,
      %scan3A_96 = arith.constant 0 : i32
      scf.yield %scan3A_96 : i32
    }
    %scan3A_5 = arith.constant 640 : i32
    %scan3A_6 = arith.constant 0 : i32
    %scan3A_7 = arith.constant 0 : i32
    %scan3A_8 = arith.constant 640 : i32
    %scan3A_9 = arith.addi %scan3A_7, %scan3A_8 : i32
    %scan3A_10 = arith.constant 1 : i32
    %scan3A_11 = scf.for %scan3A_90 = %scan3A_7 to %scan3A_9 step %scan3A_10 iter_args(%scan3A_91 = %scan3A_6) -> (i32)  : i32 {
      %mul3A_92 = arith.constant 16 : i32
      %mul3A_93 = arith.muli %scan3A_90, %mul3A_92 : i32
      %get3A = arith.index_cast %mul3A_93 : i32 to index
      %get3A_94 = tpu.vector_load %arg9[%get3A] {strides = array<i32>} : memref<10240xi32, #tpu.memory_space<vmem>>, vector<16xi32>,
      %mul3A_95 = arith.constant 16 : i32
      %mul3A_96 = arith.muli %scan3A_90, %mul3A_95 : i32
      %get3A_97 = arith.index_cast %mul3A_96 : i32 to index
      %get3A_98 = tpu.vector_load %arg10[%get3A_97] {strides = array<i32>} : memref<10240xi32, #tpu.memory_space<vmem>>, vector<16xi32>,
      %gather3A = tpu.vector_load_idx %arg8[%get3A_94] : memref<10240xf32, #tpu.memory_space<vmem>>[vector<16xi32>], vector<16xf32>,
      tpu.vector_store_idx %arg11[%get3A_98], %gather3A {add = true} : memref<10240xf32, #tpu.memory_space<vmem>>[vector<16xi32>], vector<16xf32>,
      %scan3A_99 = arith.constant 0 : i32
      scf.yield %scan3A_99 : i32
    }
    %scan3A_12 = arith.constant 640 : i32
    "tpu.region"() ({
      %run_scoped3A_90 = tpu.sem_alloc : memref<!tpu.dma_semaphore, #tpu.memory_space<semaphore_mem>>
      %dma_start3A = arith.constant 0 : i32
      %dma_start3A_91 = tpu.memref_slice %arg14[%arg1, %dma_start3A] : memref<16x10240xf32, #tpu.memory_space<vmem_shared>> -> memref<1x10240xf32, #tpu.memory_space<vmem_shared>>
      %dma_start3A_92 = tpu.memref_squeeze %dma_start3A_91 : memref<1x10240xf32, #tpu.memory_space<vmem_shared>> -> memref<10240xf32, #tpu.memory_space<vmem_shared>>
      %dma_start3A_93 = arith.constant 0 : i32
      %dma_start3A_94 = tpu.memref_slice %arg14[%arg1, %dma_start3A_93] : memref<16x10240xf32, #tpu.memory_space<vmem_shared>> -> memref<1x10240xf32, #tpu.memory_space<vmem_shared>>
      %dma_start3A_95 = tpu.memref_squeeze %dma_start3A_94 : memref<1x10240xf32, #tpu.memory_space<vmem_shared>> -> memref<10240xf32, #tpu.memory_space<vmem_shared>>
      tpu.enqueue_dma source(%arg11 : memref<10240xf32, #tpu.memory_space<vmem>>) target(%dma_start3A_95 : memref<10240xf32, #tpu.memory_space<vmem_shared>>) target_semaphore(%run_scoped3A_90 : memref<!tpu.dma_semaphore, #tpu.memory_space<semaphore_mem>>)
      %dma_wait3A = arith.constant 0 : i32
      %dma_wait3A_96 = tpu.memref_slice %arg14[%arg1, %dma_wait3A] : memref<16x10240xf32, #tpu.memory_space<vmem_shared>> -> memref<1x10240xf32, #tpu.memory_space<vmem_shared>>
      %dma_wait3A_97 = tpu.memref_squeeze %dma_wait3A_96 : memref<1x10240xf32, #tpu.memory_space<vmem_shared>> -> memref<10240xf32, #tpu.memory_space<vmem_shared>>
      %dma_wait3A_98 = arith.constant 0 : i32
      %dma_wait3A_99 = tpu.memref_slice %arg14[%arg1, %dma_wait3A_98] : memref<16x10240xf32, #tpu.memory_space<vmem_shared>> -> memref<1x10240xf32, #tpu.memory_space<vmem_shared>>
      %dma_wait3A_100 = tpu.memref_squeeze %dma_wait3A_99 : memref<1x10240xf32, #tpu.memory_space<vmem_shared>> -> memref<10240xf32, #tpu.memory_space<vmem_shared>>
      tpu.wait_dma2 semaphore(%run_scoped3A_90 : memref<!tpu.dma_semaphore, #tpu.memory_space<semaphore_mem>>) src(%arg11 : memref<10240xf32, #tpu.memory_space<vmem>>) dst(%dma_wait3A_100 : memref<10240xf32, #tpu.memory_space<vmem_shared>>)
      tpu.yield
    }) : () -> ()
    %barrier3A = arith.constant 0 : index
    tpu.barrier barrier_id(%barrier3A)
    %mul3A = arith.constant 640 : i32
    %mul3A_13 = arith.muli %arg1, %mul3A : i32
    %run_scoped3A = arith.constant 0 : i32
    %run_scoped3A_14 = arith.constant 0 : i32
    "tpu.region"() ({
      %run_scoped3A_90 = tpu.sem_alloc : memref<!tpu.dma_semaphore, #tpu.memory_space<semaphore_mem>>
      %dma_start3A = arith.constant 0 : i32
      %dma_start3A_91 = tpu.memref_slice %arg12[%run_scoped3A_14, %dma_start3A] : memref<16x640xf32, #tpu.memory_space<vmem>> -> memref<1x640xf32, #tpu.memory_space<vmem>>
      %dma_start3A_92 = tpu.memref_squeeze %dma_start3A_91 : memref<1x640xf32, #tpu.memory_space<vmem>> -> memref<640xf32, #tpu.memory_space<vmem>>
      %dma_start3A_93 = tpu.memref_slice %arg14[%run_scoped3A, %mul3A_13] : memref<16x10240xf32, #tpu.memory_space<vmem_shared>> -> memref<1x640xf32, #tpu.memory_space<vmem_shared>>
      %dma_start3A_94 = tpu.memref_squeeze %dma_start3A_93 : memref<1x640xf32, #tpu.memory_space<vmem_shared>> -> memref<640xf32, #tpu.memory_space<vmem_shared>>
      %dma_start3A_95 = arith.constant 0 : i32
      %dma_start3A_96 = tpu.memref_slice %arg12[%run_scoped3A_14, %dma_start3A_95] : memref<16x640xf32, #tpu.memory_space<vmem>> -> memref<1x640xf32, #tpu.memory_space<vmem>>
      %dma_start3A_97 = tpu.memref_squeeze %dma_start3A_96 : memref<1x640xf32, #tpu.memory_space<vmem>> -> memref<640xf32, #tpu.memory_space<vmem>>
      %dma_start3A_98 = tpu.memref_slice %arg14[%run_scoped3A, %mul3A_13] : memref<16x10240xf32, #tpu.memory_space<vmem_shared>> -> memref<1x640xf32, #tpu.memory_space<vmem_shared>>
      %dma_start3A_99 = tpu.memref_squeeze %dma_start3A_98 : memref<1x640xf32, #tpu.memory_space<vmem_shared>> -> memref<640xf32, #tpu.memory_space<vmem_shared>>
      tpu.enqueue_dma source(%dma_start3A_99 : memref<640xf32, #tpu.memory_space<vmem_shared>>) target(%dma_start3A_97 : memref<640xf32, #tpu.memory_space<vmem>>) target_semaphore(%run_scoped3A_90 : memref<!tpu.dma_semaphore, #tpu.memory_space<semaphore_mem>>)
      %dma_wait3A = arith.constant 0 : i32
      %dma_wait3A_100 = tpu.memref_slice %arg12[%run_scoped3A_14, %dma_wait3A] : memref<16x640xf32, #tpu.memory_space<vmem>> -> memref<1x640xf32, #tpu.memory_space<vmem>>
      %dma_wait3A_101 = tpu.memref_squeeze %dma_wait3A_100 : memref<1x640xf32, #tpu.memory_space<vmem>> -> memref<640xf32, #tpu.memory_space<vmem>>
      %dma_wait3A_102 = tpu.memref_slice %arg14[%run_scoped3A, %mul3A_13] : memref<16x10240xf32, #tpu.memory_space<vmem_shared>> -> memref<1x640xf32, #tpu.memory_space<vmem_shared>>
      %dma_wait3A_103 = tpu.memref_squeeze %dma_wait3A_102 : memref<1x640xf32, #tpu.memory_space<vmem_shared>> -> memref<640xf32, #tpu.memory_space<vmem_shared>>
      %dma_wait3A_104 = arith.constant 0 : i32
      %dma_wait3A_105 = tpu.memref_slice %arg12[%run_scoped3A_14, %dma_wait3A_104] : memref<16x640xf32, #tpu.memory_space<vmem>> -> memref<1x640xf32, #tpu.memory_space<vmem>>
      %dma_wait3A_106 = tpu.memref_squeeze %dma_wait3A_105 : memref<1x640xf32, #tpu.memory_space<vmem>> -> memref<640xf32, #tpu.memory_space<vmem>>
      %dma_wait3A_107 = tpu.memref_slice %arg14[%run_scoped3A, %mul3A_13] : memref<16x10240xf32, #tpu.memory_space<vmem_shared>> -> memref<1x640xf32, #tpu.memory_space<vmem_shared>>
      %dma_wait3A_108 = tpu.memref_squeeze %dma_wait3A_107 : memref<1x640xf32, #tpu.memory_space<vmem_shared>> -> memref<640xf32, #tpu.memory_space<vmem_shared>>
      tpu.wait_dma2 semaphore(%run_scoped3A_90 : memref<!tpu.dma_semaphore, #tpu.memory_space<semaphore_mem>>) src(%dma_wait3A_108 : memref<640xf32, #tpu.memory_space<vmem_shared>>) dst(%dma_wait3A_106 : memref<640xf32, #tpu.memory_space<vmem>>)
      tpu.yield
    }) : () -> ()
    %mul3A_15 = arith.constant 640 : i32
    %mul3A_16 = arith.muli %arg1, %mul3A_15 : i32
    %run_scoped3A_17 = arith.constant 1 : i32
    %run_scoped3A_18 = arith.constant 1 : i32
    "tpu.region"() ({
      %run_scoped3A_90 = tpu.sem_alloc : memref<!tpu.dma_semaphore, #tpu.memory_space<semaphore_mem>>
      %dma_start3A = arith.constant 0 : i32
      %dma_start3A_91 = tpu.memref_slice %arg12[%run_scoped3A_18, %dma_start3A] : memref<16x640xf32, #tpu.memory_space<vmem>> -> memref<1x640xf32, #tpu.memory_space<vmem>>
      %dma_start3A_92 = tpu.memref_squeeze %dma_start3A_91 : memref<1x640xf32, #tpu.memory_space<vmem>> -> memref<640xf32, #tpu.memory_space<vmem>>
      %dma_start3A_93 = tpu.memref_slice %arg14[%run_scoped3A_17, %mul3A_16] : memref<16x10240xf32, #tpu.memory_space<vmem_shared>> -> memref<1x640xf32, #tpu.memory_space<vmem_shared>>
      %dma_start3A_94 = tpu.memref_squeeze %dma_start3A_93 : memref<1x640xf32, #tpu.memory_space<vmem_shared>> -> memref<640xf32, #tpu.memory_space<vmem_shared>>
      %dma_start3A_95 = arith.constant 0 : i32
      %dma_start3A_96 = tpu.memref_slice %arg12[%run_scoped3A_18, %dma_start3A_95] : memref<16x640xf32, #tpu.memory_space<vmem>> -> memref<1x640xf32, #tpu.memory_space<vmem>>
      %dma_start3A_97 = tpu.memref_squeeze %dma_start3A_96 : memref<1x640xf32, #tpu.memory_space<vmem>> -> memref<640xf32, #tpu.memory_space<vmem>>
      %dma_start3A_98 = tpu.memref_slice %arg14[%run_scoped3A_17, %mul3A_16] : memref<16x10240xf32, #tpu.memory_space<vmem_shared>> -> memref<1x640xf32, #tpu.memory_space<vmem_shared>>
      %dma_start3A_99 = tpu.memref_squeeze %dma_start3A_98 : memref<1x640xf32, #tpu.memory_space<vmem_shared>> -> memref<640xf32, #tpu.memory_space<vmem_shared>>
      tpu.enqueue_dma source(%dma_start3A_99 : memref<640xf32, #tpu.memory_space<vmem_shared>>) target(%dma_start3A_97 : memref<640xf32, #tpu.memory_space<vmem>>) target_semaphore(%run_scoped3A_90 : memref<!tpu.dma_semaphore, #tpu.memory_space<semaphore_mem>>)
      %dma_wait3A = arith.constant 0 : i32
      %dma_wait3A_100 = tpu.memref_slice %arg12[%run_scoped3A_18, %dma_wait3A] : memref<16x640xf32, #tpu.memory_space<vmem>> -> memref<1x640xf32, #tpu.memory_space<vmem>>
      %dma_wait3A_101 = tpu.memref_squeeze %dma_wait3A_100 : memref<1x640xf32, #tpu.memory_space<vmem>> -> memref<640xf32, #tpu.memory_space<vmem>>
      %dma_wait3A_102 = tpu.memref_slice %arg14[%run_scoped3A_17, %mul3A_16] : memref<16x10240xf32, #tpu.memory_space<vmem_shared>> -> memref<1x640xf32, #tpu.memory_space<vmem_shared>>
      %dma_wait3A_103 = tpu.memref_squeeze %dma_wait3A_102 : memref<1x640xf32, #tpu.memory_space<vmem_shared>> -> memref<640xf32, #tpu.memory_space<vmem_shared>>
      %dma_wait3A_104 = arith.constant 0 : i32
      %dma_wait3A_105 = tpu.memref_slice %arg12[%run_scoped3A_18, %dma_wait3A_104] : memref<16x640xf32, #tpu.memory_space<vmem>> -> memref<1x640xf32, #tpu.memory_space<vmem>>
      %dma_wait3A_106 = tpu.memref_squeeze %dma_wait3A_105 : memref<1x640xf32, #tpu.memory_space<vmem>> -> memref<640xf32, #tpu.memory_space<vmem>>
      %dma_wait3A_107 = tpu.memref_slice %arg14[%run_scoped3A_17, %mul3A_16] : memref<16x10240xf32, #tpu.memory_space<vmem_shared>> -> memref<1x640xf32, #tpu.memory_space<vmem_shared>>
      %dma_wait3A_108 = tpu.memref_squeeze %dma_wait3A_107 : memref<1x640xf32, #tpu.memory_space<vmem_shared>> -> memref<640xf32, #tpu.memory_space<vmem_shared>>
      tpu.wait_dma2 semaphore(%run_scoped3A_90 : memref<!tpu.dma_semaphore, #tpu.memory_space<semaphore_mem>>) src(%dma_wait3A_108 : memref<640xf32, #tpu.memory_space<vmem_shared>>) dst(%dma_wait3A_106 : memref<640xf32, #tpu.memory_space<vmem>>)
      tpu.yield
    }) : () -> ()
    %mul3A_19 = arith.constant 640 : i32
    %mul3A_20 = arith.muli %arg1, %mul3A_19 : i32
    %run_scoped3A_21 = arith.constant 2 : i32
    %run_scoped3A_22 = arith.constant 2 : i32
    "tpu.region"() ({
      %run_scoped3A_90 = tpu.sem_alloc : memref<!tpu.dma_semaphore, #tpu.memory_space<semaphore_mem>>
      %dma_start3A = arith.constant 0 : i32
      %dma_start3A_91 = tpu.memref_slice %arg12[%run_scoped3A_22, %dma_start3A] : memref<16x640xf32, #tpu.memory_space<vmem>> -> memref<1x640xf32, #tpu.memory_space<vmem>>
      %dma_start3A_92 = tpu.memref_squeeze %dma_start3A_91 : memref<1x640xf32, #tpu.memory_space<vmem>> -> memref<640xf32, #tpu.memory_space<vmem>>
      %dma_start3A_93 = tpu.memref_slice %arg14[%run_scoped3A_21, %mul3A_20] : memref<16x10240xf32, #tpu.memory_space<vmem_shared>> -> memref<1x640xf32, #tpu.memory_space<vmem_shared>>
      %dma_start3A_94 = tpu.memref_squeeze %dma_start3A_93 : memref<1x640xf32, #tpu.memory_space<vmem_shared>> -> memref<640xf32, #tpu.memory_space<vmem_shared>>
      %dma_start3A_95 = arith.constant 0 : i32
      %dma_start3A_96 = tpu.memref_slice %arg12[%run_scoped3A_22, %dma_start3A_95] : memref<16x640xf32, #tpu.memory_space<vmem>> -> memref<1x640xf32, #tpu.memory_space<vmem>>
      %dma_start3A_97 = tpu.memref_squeeze %dma_start3A_96 : memref<1x640xf32, #tpu.memory_space<vmem>> -> memref<640xf32, #tpu.memory_space<vmem>>
      %dma_start3A_98 = tpu.memref_slice %arg14[%run_scoped3A_21, %mul3A_20] : memref<16x10240xf32, #tpu.memory_space<vmem_shared>> -> memref<1x640xf32, #tpu.memory_space<vmem_shared>>
      %dma_start3A_99 = tpu.memref_squeeze %dma_start3A_98 : memref<1x640xf32, #tpu.memory_space<vmem_shared>> -> memref<640xf32, #tpu.memory_space<vmem_shared>>
      tpu.enqueue_dma source(%dma_start3A_99 : memref<640xf32, #tpu.memory_space<vmem_shared>>) target(%dma_start3A_97 : memref<640xf32, #tpu.memory_space<vmem>>) target_semaphore(%run_scoped3A_90 : memref<!tpu.dma_semaphore, #tpu.memory_space<semaphore_mem>>)
      %dma_wait3A = arith.constant 0 : i32
      %dma_wait3A_100 = tpu.memref_slice %arg12[%run_scoped3A_22, %dma_wait3A] : memref<16x640xf32, #tpu.memory_space<vmem>> -> memref<1x640xf32, #tpu.memory_space<vmem>>
      %dma_wait3A_101 = tpu.memref_squeeze %dma_wait3A_100 : memref<1x640xf32, #tpu.memory_space<vmem>> -> memref<640xf32, #tpu.memory_space<vmem>>
      %dma_wait3A_102 = tpu.memref_slice %arg14[%run_scoped3A_21, %mul3A_20] : memref<16x10240xf32, #tpu.memory_space<vmem_shared>> -> memref<1x640xf32, #tpu.memory_space<vmem_shared>>
      %dma_wait3A_103 = tpu.memref_squeeze %dma_wait3A_102 : memref<1x640xf32, #tpu.memory_space<vmem_shared>> -> memref<640xf32, #tpu.memory_space<vmem_shared>>
      %dma_wait3A_104 = arith.constant 0 : i32
      %dma_wait3A_105 = tpu.memref_slice %arg12[%run_scoped3A_22, %dma_wait3A_104] : memref<16x640xf32, #tpu.memory_space<vmem>> -> memref<1x640xf32, #tpu.memory_space<vmem>>
      %dma_wait3A_106 = tpu.memref_squeeze %dma_wait3A_105 : memref<1x640xf32, #tpu.memory_space<vmem>> -> memref<640xf32, #tpu.memory_space<vmem>>
      %dma_wait3A_107 = tpu.memref_slice %arg14[%run_scoped3A_21, %mul3A_20] : memref<16x10240xf32, #tpu.memory_space<vmem_shared>> -> memref<1x640xf32, #tpu.memory_space<vmem_shared>>
      %dma_wait3A_108 = tpu.memref_squeeze %dma_wait3A_107 : memref<1x640xf32, #tpu.memory_space<vmem_shared>> -> memref<640xf32, #tpu.memory_space<vmem_shared>>
      tpu.wait_dma2 semaphore(%run_scoped3A_90 : memref<!tpu.dma_semaphore, #tpu.memory_space<semaphore_mem>>) src(%dma_wait3A_108 : memref<640xf32, #tpu.memory_space<vmem_shared>>) dst(%dma_wait3A_106 : memref<640xf32, #tpu.memory_space<vmem>>)
      tpu.yield
    }) : () -> ()
    %mul3A_23 = arith.constant 640 : i32
    %mul3A_24 = arith.muli %arg1, %mul3A_23 : i32
    %run_scoped3A_25 = arith.constant 3 : i32
    %run_scoped3A_26 = arith.constant 3 : i32
    "tpu.region"() ({
      %run_scoped3A_90 = tpu.sem_alloc : memref<!tpu.dma_semaphore, #tpu.memory_space<semaphore_mem>>
      %dma_start3A = arith.constant 0 : i32
      %dma_start3A_91 = tpu.memref_slice %arg12[%run_scoped3A_26, %dma_start3A] : memref<16x640xf32, #tpu.memory_space<vmem>> -> memref<1x640xf32, #tpu.memory_space<vmem>>
      %dma_start3A_92 = tpu.memref_squeeze %dma_start3A_91 : memref<1x640xf32, #tpu.memory_space<vmem>> -> memref<640xf32, #tpu.memory_space<vmem>>
      %dma_start3A_93 = tpu.memref_slice %arg14[%run_scoped3A_25, %mul3A_24] : memref<16x10240xf32, #tpu.memory_space<vmem_shared>> -> memref<1x640xf32, #tpu.memory_space<vmem_shared>>
      %dma_start3A_94 = tpu.memref_squeeze %dma_start3A_93 : memref<1x640xf32, #tpu.memory_space<vmem_shared>> -> memref<640xf32, #tpu.memory_space<vmem_shared>>
      %dma_start3A_95 = arith.constant 0 : i32
      %dma_start3A_96 = tpu.memref_slice %arg12[%run_scoped3A_26, %dma_start3A_95] : memref<16x640xf32, #tpu.memory_space<vmem>> -> memref<1x640xf32, #tpu.memory_space<vmem>>
      %dma_start3A_97 = tpu.memref_squeeze %dma_start3A_96 : memref<1x640xf32, #tpu.memory_space<vmem>> -> memref<640xf32, #tpu.memory_space<vmem>>
      %dma_start3A_98 = tpu.memref_slice %arg14[%run_scoped3A_25, %mul3A_24] : memref<16x10240xf32, #tpu.memory_space<vmem_shared>> -> memref<1x640xf32, #tpu.memory_space<vmem_shared>>
      %dma_start3A_99 = tpu.memref_squeeze %dma_start3A_98 : memref<1x640xf32, #tpu.memory_space<vmem_shared>> -> memref<640xf32, #tpu.memory_space<vmem_shared>>
      tpu.enqueue_dma source(%dma_start3A_99 : memref<640xf32, #tpu.memory_space<vmem_shared>>) target(%dma_start3A_97 : memref<640xf32, #tpu.memory_space<vmem>>) target_semaphore(%run_scoped3A_90 : memref<!tpu.dma_semaphore, #tpu.memory_space<semaphore_mem>>)
      %dma_wait3A = arith.constant 0 : i32
      %dma_wait3A_100 = tpu.memref_slice %arg12[%run_scoped3A_26, %dma_wait3A] : memref<16x640xf32, #tpu.memory_space<vmem>> -> memref<1x640xf32, #tpu.memory_space<vmem>>
      %dma_wait3A_101 = tpu.memref_squeeze %dma_wait3A_100 : memref<1x640xf32, #tpu.memory_space<vmem>> -> memref<640xf32, #tpu.memory_space<vmem>>
      %dma_wait3A_102 = tpu.memref_slice %arg14[%run_scoped3A_25, %mul3A_24] : memref<16x10240xf32, #tpu.memory_space<vmem_shared>> -> memref<1x640xf32, #tpu.memory_space<vmem_shared>>
      %dma_wait3A_103 = tpu.memref_squeeze %dma_wait3A_102 : memref<1x640xf32, #tpu.memory_space<vmem_shared>> -> memref<640xf32, #tpu.memory_space<vmem_shared>>
      %dma_wait3A_104 = arith.constant 0 : i32
      %dma_wait3A_105 = tpu.memref_slice %arg12[%run_scoped3A_26, %dma_wait3A_104] : memref<16x640xf32, #tpu.memory_space<vmem>> -> memref<1x640xf32, #tpu.memory_space<vmem>>
      %dma_wait3A_106 = tpu.memref_squeeze %dma_wait3A_105 : memref<1x640xf32, #tpu.memory_space<vmem>> -> memref<640xf32, #tpu.memory_space<vmem>>
      %dma_wait3A_107 = tpu.memref_slice %arg14[%run_scoped3A_25, %mul3A_24] : memref<16x10240xf32, #tpu.memory_space<vmem_shared>> -> memref<1x640xf32, #tpu.memory_space<vmem_shared>>
      %dma_wait3A_108 = tpu.memref_squeeze %dma_wait3A_107 : memref<1x640xf32, #tpu.memory_space<vmem_shared>> -> memref<640xf32, #tpu.memory_space<vmem_shared>>
      tpu.wait_dma2 semaphore(%run_scoped3A_90 : memref<!tpu.dma_semaphore, #tpu.memory_space<semaphore_mem>>) src(%dma_wait3A_108 : memref<640xf32, #tpu.memory_space<vmem_shared>>) dst(%dma_wait3A_106 : memref<640xf32, #tpu.memory_space<vmem>>)
      tpu.yield
    }) : () -> ()
    %mul3A_27 = arith.constant 640 : i32
    %mul3A_28 = arith.muli %arg1, %mul3A_27 : i32
    %run_scoped3A_29 = arith.constant 4 : i32
    %run_scoped3A_30 = arith.constant 4 : i32
    "tpu.region"() ({
      %run_scoped3A_90 = tpu.sem_alloc : memref<!tpu.dma_semaphore, #tpu.memory_space<semaphore_mem>>
      %dma_start3A = arith.constant 0 : i32
      %dma_start3A_91 = tpu.memref_slice %arg12[%run_scoped3A_30, %dma_start3A] : memref<16x640xf32, #tpu.memory_space<vmem>> -> memref<1x640xf32, #tpu.memory_space<vmem>>
      %dma_start3A_92 = tpu.memref_squeeze %dma_start3A_91 : memref<1x640xf32, #tpu.memory_space<vmem>> -> memref<640xf32, #tpu.memory_space<vmem>>
      %dma_start3A_93 = tpu.memref_slice %arg14[%run_scoped3A_29, %mul3A_28] : memref<16x10240xf32, #tpu.memory_space<vmem_shared>> -> memref<1x640xf32, #tpu.memory_space<vmem_shared>>
      %dma_start3A_94 = tpu.memref_squeeze %dma_start3A_93 : memref<1x640xf32, #tpu.memory_space<vmem_shared>> -> memref<640xf32, #tpu.memory_space<vmem_shared>>
      %dma_start3A_95 = arith.constant 0 : i32
      %dma_start3A_96 = tpu.memref_slice %arg12[%run_scoped3A_30, %dma_start3A_95] : memref<16x640xf32, #tpu.memory_space<vmem>> -> memref<1x640xf32, #tpu.memory_space<vmem>>
      %dma_start3A_97 = tpu.memref_squeeze %dma_start3A_96 : memref<1x640xf32, #tpu.memory_space<vmem>> -> memref<640xf32, #tpu.memory_space<vmem>>
      %dma_start3A_98 = tpu.memref_slice %arg14[%run_scoped3A_29, %mul3A_28] : memref<16x10240xf32, #tpu.memory_space<vmem_shared>> -> memref<1x640xf32, #tpu.memory_space<vmem_shared>>
      %dma_start3A_99 = tpu.memref_squeeze %dma_start3A_98 : memref<1x640xf32, #tpu.memory_space<vmem_shared>> -> memref<640xf32, #tpu.memory_space<vmem_shared>>
      tpu.enqueue_dma source(%dma_start3A_99 : memref<640xf32, #tpu.memory_space<vmem_shared>>) target(%dma_start3A_97 : memref<640xf32, #tpu.memory_space<vmem>>) target_semaphore(%run_scoped3A_90 : memref<!tpu.dma_semaphore, #tpu.memory_space<semaphore_mem>>)
      %dma_wait3A = arith.constant 0 : i32
      %dma_wait3A_100 = tpu.memref_slice %arg12[%run_scoped3A_30, %dma_wait3A] : memref<16x640xf32, #tpu.memory_space<vmem>> -> memref<1x640xf32, #tpu.memory_space<vmem>>
      %dma_wait3A_101 = tpu.memref_squeeze %dma_wait3A_100 : memref<1x640xf32, #tpu.memory_space<vmem>> -> memref<640xf32, #tpu.memory_space<vmem>>
      %dma_wait3A_102 = tpu.memref_slice %arg14[%run_scoped3A_29, %mul3A_28] : memref<16x10240xf32, #tpu.memory_space<vmem_shared>> -> memref<1x640xf32, #tpu.memory_space<vmem_shared>>
      %dma_wait3A_103 = tpu.memref_squeeze %dma_wait3A_102 : memref<1x640xf32, #tpu.memory_space<vmem_shared>> -> memref<640xf32, #tpu.memory_space<vmem_shared>>
      %dma_wait3A_104 = arith.constant 0 : i32
      %dma_wait3A_105 = tpu.memref_slice %arg12[%run_scoped3A_30, %dma_wait3A_104] : memref<16x640xf32, #tpu.memory_space<vmem>> -> memref<1x640xf32, #tpu.memory_space<vmem>>
      %dma_wait3A_106 = tpu.memref_squeeze %dma_wait3A_105 : memref<1x640xf32, #tpu.memory_space<vmem>> -> memref<640xf32, #tpu.memory_space<vmem>>
      %dma_wait3A_107 = tpu.memref_slice %arg14[%run_scoped3A_29, %mul3A_28] : memref<16x10240xf32, #tpu.memory_space<vmem_shared>> -> memref<1x640xf32, #tpu.memory_space<vmem_shared>>
      %dma_wait3A_108 = tpu.memref_squeeze %dma_wait3A_107 : memref<1x640xf32, #tpu.memory_space<vmem_shared>> -> memref<640xf32, #tpu.memory_space<vmem_shared>>
      tpu.wait_dma2 semaphore(%run_scoped3A_90 : memref<!tpu.dma_semaphore, #tpu.memory_space<semaphore_mem>>) src(%dma_wait3A_108 : memref<640xf32, #tpu.memory_space<vmem_shared>>) dst(%dma_wait3A_106 : memref<640xf32, #tpu.memory_space<vmem>>)
      tpu.yield
    }) : () -> ()
    %mul3A_31 = arith.constant 640 : i32
    %mul3A_32 = arith.muli %arg1, %mul3A_31 : i32
    %run_scoped3A_33 = arith.constant 5 : i32
    %run_scoped3A_34 = arith.constant 5 : i32
    "tpu.region"() ({
      %run_scoped3A_90 = tpu.sem_alloc : memref<!tpu.dma_semaphore, #tpu.memory_space<semaphore_mem>>
      %dma_start3A = arith.constant 0 : i32
      %dma_start3A_91 = tpu.memref_slice %arg12[%run_scoped3A_34, %dma_start3A] : memref<16x640xf32, #tpu.memory_space<vmem>> -> memref<1x640xf32, #tpu.memory_space<vmem>>
      %dma_start3A_92 = tpu.memref_squeeze %dma_start3A_91 : memref<1x640xf32, #tpu.memory_space<vmem>> -> memref<640xf32, #tpu.memory_space<vmem>>
      %dma_start3A_93 = tpu.memref_slice %arg14[%run_scoped3A_33, %mul3A_32] : memref<16x10240xf32, #tpu.memory_space<vmem_shared>> -> memref<1x640xf32, #tpu.memory_space<vmem_shared>>
      %dma_start3A_94 = tpu.memref_squeeze %dma_start3A_93 : memref<1x640xf32, #tpu.memory_space<vmem_shared>> -> memref<640xf32, #tpu.memory_space<vmem_shared>>
      %dma_start3A_95 = arith.constant 0 : i32
      %dma_start3A_96 = tpu.memref_slice %arg12[%run_scoped3A_34, %dma_start3A_95] : memref<16x640xf32, #tpu.memory_space<vmem>> -> memref<1x640xf32, #tpu.memory_space<vmem>>
      %dma_start3A_97 = tpu.memref_squeeze %dma_start3A_96 : memref<1x640xf32, #tpu.memory_space<vmem>> -> memref<640xf32, #tpu.memory_space<vmem>>
      %dma_start3A_98 = tpu.memref_slice %arg14[%run_scoped3A_33, %mul3A_32] : memref<16x10240xf32, #tpu.memory_space<vmem_shared>> -> memref<1x640xf32, #tpu.memory_space<vmem_shared>>
      %dma_start3A_99 = tpu.memref_squeeze %dma_start3A_98 : memref<1x640xf32, #tpu.memory_space<vmem_shared>> -> memref<640xf32, #tpu.memory_space<vmem_shared>>
      tpu.enqueue_dma source(%dma_start3A_99 : memref<640xf32, #tpu.memory_space<vmem_shared>>) target(%dma_start3A_97 : memref<640xf32, #tpu.memory_space<vmem>>) target_semaphore(%run_scoped3A_90 : memref<!tpu.dma_semaphore, #tpu.memory_space<semaphore_mem>>)
      %dma_wait3A = arith.constant 0 : i32
      %dma_wait3A_100 = tpu.memref_slice %arg12[%run_scoped3A_34, %dma_wait3A] : memref<16x640xf32, #tpu.memory_space<vmem>> -> memref<1x640xf32, #tpu.memory_space<vmem>>
      %dma_wait3A_101 = tpu.memref_squeeze %dma_wait3A_100 : memref<1x640xf32, #tpu.memory_space<vmem>> -> memref<640xf32, #tpu.memory_space<vmem>>
      %dma_wait3A_102 = tpu.memref_slice %arg14[%run_scoped3A_33, %mul3A_32] : memref<16x10240xf32, #tpu.memory_space<vmem_shared>> -> memref<1x640xf32, #tpu.memory_space<vmem_shared>>
      %dma_wait3A_103 = tpu.memref_squeeze %dma_wait3A_102 : memref<1x640xf32, #tpu.memory_space<vmem_shared>> -> memref<640xf32, #tpu.memory_space<vmem_shared>>
      %dma_wait3A_104 = arith.constant 0 : i32
      %dma_wait3A_105 = tpu.memref_slice %arg12[%run_scoped3A_34, %dma_wait3A_104] : memref<16x640xf32, #tpu.memory_space<vmem>> -> memref<1x640xf32, #tpu.memory_space<vmem>>
      %dma_wait3A_106 = tpu.memref_squeeze %dma_wait3A_105 : memref<1x640xf32, #tpu.memory_space<vmem>> -> memref<640xf32, #tpu.memory_space<vmem>>
      %dma_wait3A_107 = tpu.memref_slice %arg14[%run_scoped3A_33, %mul3A_32] : memref<16x10240xf32, #tpu.memory_space<vmem_shared>> -> memref<1x640xf32, #tpu.memory_space<vmem_shared>>
      %dma_wait3A_108 = tpu.memref_squeeze %dma_wait3A_107 : memref<1x640xf32, #tpu.memory_space<vmem_shared>> -> memref<640xf32, #tpu.memory_space<vmem_shared>>
      tpu.wait_dma2 semaphore(%run_scoped3A_90 : memref<!tpu.dma_semaphore, #tpu.memory_space<semaphore_mem>>) src(%dma_wait3A_108 : memref<640xf32, #tpu.memory_space<vmem_shared>>) dst(%dma_wait3A_106 : memref<640xf32, #tpu.memory_space<vmem>>)
      tpu.yield
    }) : () -> ()
    %mul3A_35 = arith.constant 640 : i32
    %mul3A_36 = arith.muli %arg1, %mul3A_35 : i32
    %run_scoped3A_37 = arith.constant 6 : i32
    %run_scoped3A_38 = arith.constant 6 : i32
    "tpu.region"() ({
      %run_scoped3A_90 = tpu.sem_alloc : memref<!tpu.dma_semaphore, #tpu.memory_space<semaphore_mem>>
      %dma_start3A = arith.constant 0 : i32
      %dma_start3A_91 = tpu.memref_slice %arg12[%run_scoped3A_38, %dma_start3A] : memref<16x640xf32, #tpu.memory_space<vmem>> -> memref<1x640xf32, #tpu.memory_space<vmem>>
      %dma_start3A_92 = tpu.memref_squeeze %dma_start3A_91 : memref<1x640xf32, #tpu.memory_space<vmem>> -> memref<640xf32, #tpu.memory_space<vmem>>
      %dma_start3A_93 = tpu.memref_slice %arg14[%run_scoped3A_37, %mul3A_36] : memref<16x10240xf32, #tpu.memory_space<vmem_shared>> -> memref<1x640xf32, #tpu.memory_space<vmem_shared>>
      %dma_start3A_94 = tpu.memref_squeeze %dma_start3A_93 : memref<1x640xf32, #tpu.memory_space<vmem_shared>> -> memref<640xf32, #tpu.memory_space<vmem_shared>>
      %dma_start3A_95 = arith.constant 0 : i32
      %dma_start3A_96 = tpu.memref_slice %arg12[%run_scoped3A_38, %dma_start3A_95] : memref<16x640xf32, #tpu.memory_space<vmem>> -> memref<1x640xf32, #tpu.memory_space<vmem>>
      %dma_start3A_97 = tpu.memref_squeeze %dma_start3A_96 : memref<1x640xf32, #tpu.memory_space<vmem>> -> memref<640xf32, #tpu.memory_space<vmem>>
      %dma_start3A_98 = tpu.memref_slice %arg14[%run_scoped3A_37, %mul3A_36] : memref<16x10240xf32, #tpu.memory_space<vmem_shared>> -> memref<1x640xf32, #tpu.memory_space<vmem_shared>>
      %dma_start3A_99 = tpu.memref_squeeze %dma_start3A_98 : memref<1x640xf32, #tpu.memory_space<vmem_shared>> -> memref<640xf32, #tpu.memory_space<vmem_shared>>
      tpu.enqueue_dma source(%dma_start3A_99 : memref<640xf32, #tpu.memory_space<vmem_shared>>) target(%dma_start3A_97 : memref<640xf32, #tpu.memory_space<vmem>>) target_semaphore(%run_scoped3A_90 : memref<!tpu.dma_semaphore, #tpu.memory_space<semaphore_mem>>)
      %dma_wait3A = arith.constant 0 : i32
      %dma_wait3A_100 = tpu.memref_slice %arg12[%run_scoped3A_38, %dma_wait3A] : memref<16x640xf32, #tpu.memory_space<vmem>> -> memref<1x640xf32, #tpu.memory_space<vmem>>
      %dma_wait3A_101 = tpu.memref_squeeze %dma_wait3A_100 : memref<1x640xf32, #tpu.memory_space<vmem>> -> memref<640xf32, #tpu.memory_space<vmem>>
      %dma_wait3A_102 = tpu.memref_slice %arg14[%run_scoped3A_37, %mul3A_36] : memref<16x10240xf32, #tpu.memory_space<vmem_shared>> -> memref<1x640xf32, #tpu.memory_space<vmem_shared>>
      %dma_wait3A_103 = tpu.memref_squeeze %dma_wait3A_102 : memref<1x640xf32, #tpu.memory_space<vmem_shared>> -> memref<640xf32, #tpu.memory_space<vmem_shared>>
      %dma_wait3A_104 = arith.constant 0 : i32
      %dma_wait3A_105 = tpu.memref_slice %arg12[%run_scoped3A_38, %dma_wait3A_104] : memref<16x640xf32, #tpu.memory_space<vmem>> -> memref<1x640xf32, #tpu.memory_space<vmem>>
      %dma_wait3A_106 = tpu.memref_squeeze %dma_wait3A_105 : memref<1x640xf32, #tpu.memory_space<vmem>> -> memref<640xf32, #tpu.memory_space<vmem>>
      %dma_wait3A_107 = tpu.memref_slice %arg14[%run_scoped3A_37, %mul3A_36] : memref<16x10240xf32, #tpu.memory_space<vmem_shared>> -> memref<1x640xf32, #tpu.memory_space<vmem_shared>>
      %dma_wait3A_108 = tpu.memref_squeeze %dma_wait3A_107 : memref<1x640xf32, #tpu.memory_space<vmem_shared>> -> memref<640xf32, #tpu.memory_space<vmem_shared>>
      tpu.wait_dma2 semaphore(%run_scoped3A_90 : memref<!tpu.dma_semaphore, #tpu.memory_space<semaphore_mem>>) src(%dma_wait3A_108 : memref<640xf32, #tpu.memory_space<vmem_shared>>) dst(%dma_wait3A_106 : memref<640xf32, #tpu.memory_space<vmem>>)
      tpu.yield
    }) : () -> ()
    %mul3A_39 = arith.constant 640 : i32
    %mul3A_40 = arith.muli %arg1, %mul3A_39 : i32
    %run_scoped3A_41 = arith.constant 7 : i32
    %run_scoped3A_42 = arith.constant 7 : i32
    "tpu.region"() ({
      %run_scoped3A_90 = tpu.sem_alloc : memref<!tpu.dma_semaphore, #tpu.memory_space<semaphore_mem>>
      %dma_start3A = arith.constant 0 : i32
      %dma_start3A_91 = tpu.memref_slice %arg12[%run_scoped3A_42, %dma_start3A] : memref<16x640xf32, #tpu.memory_space<vmem>> -> memref<1x640xf32, #tpu.memory_space<vmem>>
      %dma_start3A_92 = tpu.memref_squeeze %dma_start3A_91 : memref<1x640xf32, #tpu.memory_space<vmem>> -> memref<640xf32, #tpu.memory_space<vmem>>
      %dma_start3A_93 = tpu.memref_slice %arg14[%run_scoped3A_41, %mul3A_40] : memref<16x10240xf32, #tpu.memory_space<vmem_shared>> -> memref<1x640xf32, #tpu.memory_space<vmem_shared>>
      %dma_start3A_94 = tpu.memref_squeeze %dma_start3A_93 : memref<1x640xf32, #tpu.memory_space<vmem_shared>> -> memref<640xf32, #tpu.memory_space<vmem_shared>>
      %dma_start3A_95 = arith.constant 0 : i32
      %dma_start3A_96 = tpu.memref_slice %arg12[%run_scoped3A_42, %dma_start3A_95] : memref<16x640xf32, #tpu.memory_space<vmem>> -> memref<1x640xf32, #tpu.memory_space<vmem>>
      %dma_start3A_97 = tpu.memref_squeeze %dma_start3A_96 : memref<1x640xf32, #tpu.memory_space<vmem>> -> memref<640xf32, #tpu.memory_space<vmem>>
      %dma_start3A_98 = tpu.memref_slice %arg14[%run_scoped3A_41, %mul3A_40] : memref<16x10240xf32, #tpu.memory_space<vmem_shared>> -> memref<1x640xf32, #tpu.memory_space<vmem_shared>>
      %dma_start3A_99 = tpu.memref_squeeze %dma_start3A_98 : memref<1x640xf32, #tpu.memory_space<vmem_shared>> -> memref<640xf32, #tpu.memory_space<vmem_shared>>
      tpu.enqueue_dma source(%dma_start3A_99 : memref<640xf32, #tpu.memory_space<vmem_shared>>) target(%dma_start3A_97 : memref<640xf32, #tpu.memory_space<vmem>>) target_semaphore(%run_scoped3A_90 : memref<!tpu.dma_semaphore, #tpu.memory_space<semaphore_mem>>)
      %dma_wait3A = arith.constant 0 : i32
      %dma_wait3A_100 = tpu.memref_slice %arg12[%run_scoped3A_42, %dma_wait3A] : memref<16x640xf32, #tpu.memory_space<vmem>> -> memref<1x640xf32, #tpu.memory_space<vmem>>
      %dma_wait3A_101 = tpu.memref_squeeze %dma_wait3A_100 : memref<1x640xf32, #tpu.memory_space<vmem>> -> memref<640xf32, #tpu.memory_space<vmem>>
      %dma_wait3A_102 = tpu.memref_slice %arg14[%run_scoped3A_41, %mul3A_40] : memref<16x10240xf32, #tpu.memory_space<vmem_shared>> -> memref<1x640xf32, #tpu.memory_space<vmem_shared>>
      %dma_wait3A_103 = tpu.memref_squeeze %dma_wait3A_102 : memref<1x640xf32, #tpu.memory_space<vmem_shared>> -> memref<640xf32, #tpu.memory_space<vmem_shared>>
      %dma_wait3A_104 = arith.constant 0 : i32
      %dma_wait3A_105 = tpu.memref_slice %arg12[%run_scoped3A_42, %dma_wait3A_104] : memref<16x640xf32, #tpu.memory_space<vmem>> -> memref<1x640xf32, #tpu.memory_space<vmem>>
      %dma_wait3A_106 = tpu.memref_squeeze %dma_wait3A_105 : memref<1x640xf32, #tpu.memory_space<vmem>> -> memref<640xf32, #tpu.memory_space<vmem>>
      %dma_wait3A_107 = tpu.memref_slice %arg14[%run_scoped3A_41, %mul3A_40] : memref<16x10240xf32, #tpu.memory_space<vmem_shared>> -> memref<1x640xf32, #tpu.memory_space<vmem_shared>>
      %dma_wait3A_108 = tpu.memref_squeeze %dma_wait3A_107 : memref<1x640xf32, #tpu.memory_space<vmem_shared>> -> memref<640xf32, #tpu.memory_space<vmem_shared>>
      tpu.wait_dma2 semaphore(%run_scoped3A_90 : memref<!tpu.dma_semaphore, #tpu.memory_space<semaphore_mem>>) src(%dma_wait3A_108 : memref<640xf32, #tpu.memory_space<vmem_shared>>) dst(%dma_wait3A_106 : memref<640xf32, #tpu.memory_space<vmem>>)
      tpu.yield
    }) : () -> ()
    %mul3A_43 = arith.constant 640 : i32
    %mul3A_44 = arith.muli %arg1, %mul3A_43 : i32
    %run_scoped3A_45 = arith.constant 8 : i32
    %run_scoped3A_46 = arith.constant 8 : i32
    "tpu.region"() ({
      %run_scoped3A_90 = tpu.sem_alloc : memref<!tpu.dma_semaphore, #tpu.memory_space<semaphore_mem>>
      %dma_start3A = arith.constant 0 : i32
      %dma_start3A_91 = tpu.memref_slice %arg12[%run_scoped3A_46, %dma_start3A] : memref<16x640xf32, #tpu.memory_space<vmem>> -> memref<1x640xf32, #tpu.memory_space<vmem>>
      %dma_start3A_92 = tpu.memref_squeeze %dma_start3A_91 : memref<1x640xf32, #tpu.memory_space<vmem>> -> memref<640xf32, #tpu.memory_space<vmem>>
      %dma_start3A_93 = tpu.memref_slice %arg14[%run_scoped3A_45, %mul3A_44] : memref<16x10240xf32, #tpu.memory_space<vmem_shared>> -> memref<1x640xf32, #tpu.memory_space<vmem_shared>>
      %dma_start3A_94 = tpu.memref_squeeze %dma_start3A_93 : memref<1x640xf32, #tpu.memory_space<vmem_shared>> -> memref<640xf32, #tpu.memory_space<vmem_shared>>
      %dma_start3A_95 = arith.constant 0 : i32
      %dma_start3A_96 = tpu.memref_slice %arg12[%run_scoped3A_46, %dma_start3A_95] : memref<16x640xf32, #tpu.memory_space<vmem>> -> memref<1x640xf32, #tpu.memory_space<vmem>>
      %dma_start3A_97 = tpu.memref_squeeze %dma_start3A_96 : memref<1x640xf32, #tpu.memory_space<vmem>> -> memref<640xf32, #tpu.memory_space<vmem>>
      %dma_start3A_98 = tpu.memref_slice %arg14[%run_scoped3A_45, %mul3A_44] : memref<16x10240xf32, #tpu.memory_space<vmem_shared>> -> memref<1x640xf32, #tpu.memory_space<vmem_shared>>
      %dma_start3A_99 = tpu.memref_squeeze %dma_start3A_98 : memref<1x640xf32, #tpu.memory_space<vmem_shared>> -> memref<640xf32, #tpu.memory_space<vmem_shared>>
      tpu.enqueue_dma source(%dma_start3A_99 : memref<640xf32, #tpu.memory_space<vmem_shared>>) target(%dma_start3A_97 : memref<640xf32, #tpu.memory_space<vmem>>) target_semaphore(%run_scoped3A_90 : memref<!tpu.dma_semaphore, #tpu.memory_space<semaphore_mem>>)
      %dma_wait3A = arith.constant 0 : i32
      %dma_wait3A_100 = tpu.memref_slice %arg12[%run_scoped3A_46, %dma_wait3A] : memref<16x640xf32, #tpu.memory_space<vmem>> -> memref<1x640xf32, #tpu.memory_space<vmem>>
      %dma_wait3A_101 = tpu.memref_squeeze %dma_wait3A_100 : memref<1x640xf32, #tpu.memory_space<vmem>> -> memref<640xf32, #tpu.memory_space<vmem>>
      %dma_wait3A_102 = tpu.memref_slice %arg14[%run_scoped3A_45, %mul3A_44] : memref<16x10240xf32, #tpu.memory_space<vmem_shared>> -> memref<1x640xf32, #tpu.memory_space<vmem_shared>>
      %dma_wait3A_103 = tpu.memref_squeeze %dma_wait3A_102 : memref<1x640xf32, #tpu.memory_space<vmem_shared>> -> memref<640xf32, #tpu.memory_space<vmem_shared>>
      %dma_wait3A_104 = arith.constant 0 : i32
      %dma_wait3A_105 = tpu.memref_slice %arg12[%run_scoped3A_46, %dma_wait3A_104] : memref<16x640xf32, #tpu.memory_space<vmem>> -> memref<1x640xf32, #tpu.memory_space<vmem>>
      %dma_wait3A_106 = tpu.memref_squeeze %dma_wait3A_105 : memref<1x640xf32, #tpu.memory_space<vmem>> -> memref<640xf32, #tpu.memory_space<vmem>>
      %dma_wait3A_107 = tpu.memref_slice %arg14[%run_scoped3A_45, %mul3A_44] : memref<16x10240xf32, #tpu.memory_space<vmem_shared>> -> memref<1x640xf32, #tpu.memory_space<vmem_shared>>
      %dma_wait3A_108 = tpu.memref_squeeze %dma_wait3A_107 : memref<1x640xf32, #tpu.memory_space<vmem_shared>> -> memref<640xf32, #tpu.memory_space<vmem_shared>>
      tpu.wait_dma2 semaphore(%run_scoped3A_90 : memref<!tpu.dma_semaphore, #tpu.memory_space<semaphore_mem>>) src(%dma_wait3A_108 : memref<640xf32, #tpu.memory_space<vmem_shared>>) dst(%dma_wait3A_106 : memref<640xf32, #tpu.memory_space<vmem>>)
      tpu.yield
    }) : () -> ()
    %mul3A_47 = arith.constant 640 : i32
    %mul3A_48 = arith.muli %arg1, %mul3A_47 : i32
    %run_scoped3A_49 = arith.constant 9 : i32
    %run_scoped3A_50 = arith.constant 9 : i32
    "tpu.region"() ({
      %run_scoped3A_90 = tpu.sem_alloc : memref<!tpu.dma_semaphore, #tpu.memory_space<semaphore_mem>>
      %dma_start3A = arith.constant 0 : i32
      %dma_start3A_91 = tpu.memref_slice %arg12[%run_scoped3A_50, %dma_start3A] : memref<16x640xf32, #tpu.memory_space<vmem>> -> memref<1x640xf32, #tpu.memory_space<vmem>>
      %dma_start3A_92 = tpu.memref_squeeze %dma_start3A_91 : memref<1x640xf32, #tpu.memory_space<vmem>> -> memref<640xf32, #tpu.memory_space<vmem>>
      %dma_start3A_93 = tpu.memref_slice %arg14[%run_scoped3A_49, %mul3A_48] : memref<16x10240xf32, #tpu.memory_space<vmem_shared>> -> memref<1x640xf32, #tpu.memory_space<vmem_shared>>
      %dma_start3A_94 = tpu.memref_squeeze %dma_start3A_93 : memref<1x640xf32, #tpu.memory_space<vmem_shared>> -> memref<640xf32, #tpu.memory_space<vmem_shared>>
      %dma_start3A_95 = arith.constant 0 : i32
      %dma_start3A_96 = tpu.memref_slice %arg12[%run_scoped3A_50, %dma_start3A_95] : memref<16x640xf32, #tpu.memory_space<vmem>> -> memref<1x640xf32, #tpu.memory_space<vmem>>
      %dma_start3A_97 = tpu.memref_squeeze %dma_start3A_96 : memref<1x640xf32, #tpu.memory_space<vmem>> -> memref<640xf32, #tpu.memory_space<vmem>>
      %dma_start3A_98 = tpu.memref_slice %arg14[%run_scoped3A_49, %mul3A_48] : memref<16x10240xf32, #tpu.memory_space<vmem_shared>> -> memref<1x640xf32, #tpu.memory_space<vmem_shared>>
      %dma_start3A_99 = tpu.memref_squeeze %dma_start3A_98 : memref<1x640xf32, #tpu.memory_space<vmem_shared>> -> memref<640xf32, #tpu.memory_space<vmem_shared>>
      tpu.enqueue_dma source(%dma_start3A_99 : memref<640xf32, #tpu.memory_space<vmem_shared>>) target(%dma_start3A_97 : memref<640xf32, #tpu.memory_space<vmem>>) target_semaphore(%run_scoped3A_90 : memref<!tpu.dma_semaphore, #tpu.memory_space<semaphore_mem>>)
      %dma_wait3A = arith.constant 0 : i32
      %dma_wait3A_100 = tpu.memref_slice %arg12[%run_scoped3A_50, %dma_wait3A] : memref<16x640xf32, #tpu.memory_space<vmem>> -> memref<1x640xf32, #tpu.memory_space<vmem>>
      %dma_wait3A_101 = tpu.memref_squeeze %dma_wait3A_100 : memref<1x640xf32, #tpu.memory_space<vmem>> -> memref<640xf32, #tpu.memory_space<vmem>>
      %dma_wait3A_102 = tpu.memref_slice %arg14[%run_scoped3A_49, %mul3A_48] : memref<16x10240xf32, #tpu.memory_space<vmem_shared>> -> memref<1x640xf32, #tpu.memory_space<vmem_shared>>
      %dma_wait3A_103 = tpu.memref_squeeze %dma_wait3A_102 : memref<1x640xf32, #tpu.memory_space<vmem_shared>> -> memref<640xf32, #tpu.memory_space<vmem_shared>>
      %dma_wait3A_104 = arith.constant 0 : i32
      %dma_wait3A_105 = tpu.memref_slice %arg12[%run_scoped3A_50, %dma_wait3A_104] : memref<16x640xf32, #tpu.memory_space<vmem>> -> memref<1x640xf32, #tpu.memory_space<vmem>>
      %dma_wait3A_106 = tpu.memref_squeeze %dma_wait3A_105 : memref<1x640xf32, #tpu.memory_space<vmem>> -> memref<640xf32, #tpu.memory_space<vmem>>
      %dma_wait3A_107 = tpu.memref_slice %arg14[%run_scoped3A_49, %mul3A_48] : memref<16x10240xf32, #tpu.memory_space<vmem_shared>> -> memref<1x640xf32, #tpu.memory_space<vmem_shared>>
      %dma_wait3A_108 = tpu.memref_squeeze %dma_wait3A_107 : memref<1x640xf32, #tpu.memory_space<vmem_shared>> -> memref<640xf32, #tpu.memory_space<vmem_shared>>
      tpu.wait_dma2 semaphore(%run_scoped3A_90 : memref<!tpu.dma_semaphore, #tpu.memory_space<semaphore_mem>>) src(%dma_wait3A_108 : memref<640xf32, #tpu.memory_space<vmem_shared>>) dst(%dma_wait3A_106 : memref<640xf32, #tpu.memory_space<vmem>>)
      tpu.yield
    }) : () -> ()
    %mul3A_51 = arith.constant 640 : i32
    %mul3A_52 = arith.muli %arg1, %mul3A_51 : i32
    %run_scoped3A_53 = arith.constant 10 : i32
    %run_scoped3A_54 = arith.constant 10 : i32
    "tpu.region"() ({
      %run_scoped3A_90 = tpu.sem_alloc : memref<!tpu.dma_semaphore, #tpu.memory_space<semaphore_mem>>
      %dma_start3A = arith.constant 0 : i32
      %dma_start3A_91 = tpu.memref_slice %arg12[%run_scoped3A_54, %dma_start3A] : memref<16x640xf32, #tpu.memory_space<vmem>> -> memref<1x640xf32, #tpu.memory_space<vmem>>
      %dma_start3A_92 = tpu.memref_squeeze %dma_start3A_91 : memref<1x640xf32, #tpu.memory_space<vmem>> -> memref<640xf32, #tpu.memory_space<vmem>>
      %dma_start3A_93 = tpu.memref_slice %arg14[%run_scoped3A_53, %mul3A_52] : memref<16x10240xf32, #tpu.memory_space<vmem_shared>> -> memref<1x640xf32, #tpu.memory_space<vmem_shared>>
      %dma_start3A_94 = tpu.memref_squeeze %dma_start3A_93 : memref<1x640xf32, #tpu.memory_space<vmem_shared>> -> memref<640xf32, #tpu.memory_space<vmem_shared>>
      %dma_start3A_95 = arith.constant 0 : i32
      %dma_start3A_96 = tpu.memref_slice %arg12[%run_scoped3A_54, %dma_start3A_95] : memref<16x640xf32, #tpu.memory_space<vmem>> -> memref<1x640xf32, #tpu.memory_space<vmem>>
      %dma_start3A_97 = tpu.memref_squeeze %dma_start3A_96 : memref<1x640xf32, #tpu.memory_space<vmem>> -> memref<640xf32, #tpu.memory_space<vmem>>
      %dma_start3A_98 = tpu.memref_slice %arg14[%run_scoped3A_53, %mul3A_52] : memref<16x10240xf32, #tpu.memory_space<vmem_shared>> -> memref<1x640xf32, #tpu.memory_space<vmem_shared>>
      %dma_start3A_99 = tpu.memref_squeeze %dma_start3A_98 : memref<1x640xf32, #tpu.memory_space<vmem_shared>> -> memref<640xf32, #tpu.memory_space<vmem_shared>>
      tpu.enqueue_dma source(%dma_start3A_99 : memref<640xf32, #tpu.memory_space<vmem_shared>>) target(%dma_start3A_97 : memref<640xf32, #tpu.memory_space<vmem>>) target_semaphore(%run_scoped3A_90 : memref<!tpu.dma_semaphore, #tpu.memory_space<semaphore_mem>>)
      %dma_wait3A = arith.constant 0 : i32
      %dma_wait3A_100 = tpu.memref_slice %arg12[%run_scoped3A_54, %dma_wait3A] : memref<16x640xf32, #tpu.memory_space<vmem>> -> memref<1x640xf32, #tpu.memory_space<vmem>>
      %dma_wait3A_101 = tpu.memref_squeeze %dma_wait3A_100 : memref<1x640xf32, #tpu.memory_space<vmem>> -> memref<640xf32, #tpu.memory_space<vmem>>
      %dma_wait3A_102 = tpu.memref_slice %arg14[%run_scoped3A_53, %mul3A_52] : memref<16x10240xf32, #tpu.memory_space<vmem_shared>> -> memref<1x640xf32, #tpu.memory_space<vmem_shared>>
      %dma_wait3A_103 = tpu.memref_squeeze %dma_wait3A_102 : memref<1x640xf32, #tpu.memory_space<vmem_shared>> -> memref<640xf32, #tpu.memory_space<vmem_shared>>
      %dma_wait3A_104 = arith.constant 0 : i32
      %dma_wait3A_105 = tpu.memref_slice %arg12[%run_scoped3A_54, %dma_wait3A_104] : memref<16x640xf32, #tpu.memory_space<vmem>> -> memref<1x640xf32, #tpu.memory_space<vmem>>
      %dma_wait3A_106 = tpu.memref_squeeze %dma_wait3A_105 : memref<1x640xf32, #tpu.memory_space<vmem>> -> memref<640xf32, #tpu.memory_space<vmem>>
      %dma_wait3A_107 = tpu.memref_slice %arg14[%run_scoped3A_53, %mul3A_52] : memref<16x10240xf32, #tpu.memory_space<vmem_shared>> -> memref<1x640xf32, #tpu.memory_space<vmem_shared>>
      %dma_wait3A_108 = tpu.memref_squeeze %dma_wait3A_107 : memref<1x640xf32, #tpu.memory_space<vmem_shared>> -> memref<640xf32, #tpu.memory_space<vmem_shared>>
      tpu.wait_dma2 semaphore(%run_scoped3A_90 : memref<!tpu.dma_semaphore, #tpu.memory_space<semaphore_mem>>) src(%dma_wait3A_108 : memref<640xf32, #tpu.memory_space<vmem_shared>>) dst(%dma_wait3A_106 : memref<640xf32, #tpu.memory_space<vmem>>)
      tpu.yield
    }) : () -> ()
    %mul3A_55 = arith.constant 640 : i32
    %mul3A_56 = arith.muli %arg1, %mul3A_55 : i32
    %run_scoped3A_57 = arith.constant 11 : i32
    %run_scoped3A_58 = arith.constant 11 : i32
    "tpu.region"() ({
      %run_scoped3A_90 = tpu.sem_alloc : memref<!tpu.dma_semaphore, #tpu.memory_space<semaphore_mem>>
      %dma_start3A = arith.constant 0 : i32
      %dma_start3A_91 = tpu.memref_slice %arg12[%run_scoped3A_58, %dma_start3A] : memref<16x640xf32, #tpu.memory_space<vmem>> -> memref<1x640xf32, #tpu.memory_space<vmem>>
      %dma_start3A_92 = tpu.memref_squeeze %dma_start3A_91 : memref<1x640xf32, #tpu.memory_space<vmem>> -> memref<640xf32, #tpu.memory_space<vmem>>
      %dma_start3A_93 = tpu.memref_slice %arg14[%run_scoped3A_57, %mul3A_56] : memref<16x10240xf32, #tpu.memory_space<vmem_shared>> -> memref<1x640xf32, #tpu.memory_space<vmem_shared>>
      %dma_start3A_94 = tpu.memref_squeeze %dma_start3A_93 : memref<1x640xf32, #tpu.memory_space<vmem_shared>> -> memref<640xf32, #tpu.memory_space<vmem_shared>>
      %dma_start3A_95 = arith.constant 0 : i32
      %dma_start3A_96 = tpu.memref_slice %arg12[%run_scoped3A_58, %dma_start3A_95] : memref<16x640xf32, #tpu.memory_space<vmem>> -> memref<1x640xf32, #tpu.memory_space<vmem>>
      %dma_start3A_97 = tpu.memref_squeeze %dma_start3A_96 : memref<1x640xf32, #tpu.memory_space<vmem>> -> memref<640xf32, #tpu.memory_space<vmem>>
      %dma_start3A_98 = tpu.memref_slice %arg14[%run_scoped3A_57, %mul3A_56] : memref<16x10240xf32, #tpu.memory_space<vmem_shared>> -> memref<1x640xf32, #tpu.memory_space<vmem_shared>>
      %dma_start3A_99 = tpu.memref_squeeze %dma_start3A_98 : memref<1x640xf32, #tpu.memory_space<vmem_shared>> -> memref<640xf32, #tpu.memory_space<vmem_shared>>
      tpu.enqueue_dma source(%dma_start3A_99 : memref<640xf32, #tpu.memory_space<vmem_shared>>) target(%dma_start3A_97 : memref<640xf32, #tpu.memory_space<vmem>>) target_semaphore(%run_scoped3A_90 : memref<!tpu.dma_semaphore, #tpu.memory_space<semaphore_mem>>)
      %dma_wait3A = arith.constant 0 : i32
      %dma_wait3A_100 = tpu.memref_slice %arg12[%run_scoped3A_58, %dma_wait3A] : memref<16x640xf32, #tpu.memory_space<vmem>> -> memref<1x640xf32, #tpu.memory_space<vmem>>
      %dma_wait3A_101 = tpu.memref_squeeze %dma_wait3A_100 : memref<1x640xf32, #tpu.memory_space<vmem>> -> memref<640xf32, #tpu.memory_space<vmem>>
      %dma_wait3A_102 = tpu.memref_slice %arg14[%run_scoped3A_57, %mul3A_56] : memref<16x10240xf32, #tpu.memory_space<vmem_shared>> -> memref<1x640xf32, #tpu.memory_space<vmem_shared>>
      %dma_wait3A_103 = tpu.memref_squeeze %dma_wait3A_102 : memref<1x640xf32, #tpu.memory_space<vmem_shared>> -> memref<640xf32, #tpu.memory_space<vmem_shared>>
      %dma_wait3A_104 = arith.constant 0 : i32
      %dma_wait3A_105 = tpu.memref_slice %arg12[%run_scoped3A_58, %dma_wait3A_104] : memref<16x640xf32, #tpu.memory_space<vmem>> -> memref<1x640xf32, #tpu.memory_space<vmem>>
      %dma_wait3A_106 = tpu.memref_squeeze %dma_wait3A_105 : memref<1x640xf32, #tpu.memory_space<vmem>> -> memref<640xf32, #tpu.memory_space<vmem>>
      %dma_wait3A_107 = tpu.memref_slice %arg14[%run_scoped3A_57, %mul3A_56] : memref<16x10240xf32, #tpu.memory_space<vmem_shared>> -> memref<1x640xf32, #tpu.memory_space<vmem_shared>>
      %dma_wait3A_108 = tpu.memref_squeeze %dma_wait3A_107 : memref<1x640xf32, #tpu.memory_space<vmem_shared>> -> memref<640xf32, #tpu.memory_space<vmem_shared>>
      tpu.wait_dma2 semaphore(%run_scoped3A_90 : memref<!tpu.dma_semaphore, #tpu.memory_space<semaphore_mem>>) src(%dma_wait3A_108 : memref<640xf32, #tpu.memory_space<vmem_shared>>) dst(%dma_wait3A_106 : memref<640xf32, #tpu.memory_space<vmem>>)
      tpu.yield
    }) : () -> ()
    %mul3A_59 = arith.constant 640 : i32
    %mul3A_60 = arith.muli %arg1, %mul3A_59 : i32
    %run_scoped3A_61 = arith.constant 12 : i32
    %run_scoped3A_62 = arith.constant 12 : i32
    "tpu.region"() ({
      %run_scoped3A_90 = tpu.sem_alloc : memref<!tpu.dma_semaphore, #tpu.memory_space<semaphore_mem>>
      %dma_start3A = arith.constant 0 : i32
      %dma_start3A_91 = tpu.memref_slice %arg12[%run_scoped3A_62, %dma_start3A] : memref<16x640xf32, #tpu.memory_space<vmem>> -> memref<1x640xf32, #tpu.memory_space<vmem>>
      %dma_start3A_92 = tpu.memref_squeeze %dma_start3A_91 : memref<1x640xf32, #tpu.memory_space<vmem>> -> memref<640xf32, #tpu.memory_space<vmem>>
      %dma_start3A_93 = tpu.memref_slice %arg14[%run_scoped3A_61, %mul3A_60] : memref<16x10240xf32, #tpu.memory_space<vmem_shared>> -> memref<1x640xf32, #tpu.memory_space<vmem_shared>>
      %dma_start3A_94 = tpu.memref_squeeze %dma_start3A_93 : memref<1x640xf32, #tpu.memory_space<vmem_shared>> -> memref<640xf32, #tpu.memory_space<vmem_shared>>
      %dma_start3A_95 = arith.constant 0 : i32
      %dma_start3A_96 = tpu.memref_slice %arg12[%run_scoped3A_62, %dma_start3A_95] : memref<16x640xf32, #tpu.memory_space<vmem>> -> memref<1x640xf32, #tpu.memory_space<vmem>>
      %dma_start3A_97 = tpu.memref_squeeze %dma_start3A_96 : memref<1x640xf32, #tpu.memory_space<vmem>> -> memref<640xf32, #tpu.memory_space<vmem>>
      %dma_start3A_98 = tpu.memref_slice %arg14[%run_scoped3A_61, %mul3A_60] : memref<16x10240xf32, #tpu.memory_space<vmem_shared>> -> memref<1x640xf32, #tpu.memory_space<vmem_shared>>
      %dma_start3A_99 = tpu.memref_squeeze %dma_start3A_98 : memref<1x640xf32, #tpu.memory_space<vmem_shared>> -> memref<640xf32, #tpu.memory_space<vmem_shared>>
      tpu.enqueue_dma source(%dma_start3A_99 : memref<640xf32, #tpu.memory_space<vmem_shared>>) target(%dma_start3A_97 : memref<640xf32, #tpu.memory_space<vmem>>) target_semaphore(%run_scoped3A_90 : memref<!tpu.dma_semaphore, #tpu.memory_space<semaphore_mem>>)
      %dma_wait3A = arith.constant 0 : i32
      %dma_wait3A_100 = tpu.memref_slice %arg12[%run_scoped3A_62, %dma_wait3A] : memref<16x640xf32, #tpu.memory_space<vmem>> -> memref<1x640xf32, #tpu.memory_space<vmem>>
      %dma_wait3A_101 = tpu.memref_squeeze %dma_wait3A_100 : memref<1x640xf32, #tpu.memory_space<vmem>> -> memref<640xf32, #tpu.memory_space<vmem>>
      %dma_wait3A_102 = tpu.memref_slice %arg14[%run_scoped3A_61, %mul3A_60] : memref<16x10240xf32, #tpu.memory_space<vmem_shared>> -> memref<1x640xf32, #tpu.memory_space<vmem_shared>>
      %dma_wait3A_103 = tpu.memref_squeeze %dma_wait3A_102 : memref<1x640xf32, #tpu.memory_space<vmem_shared>> -> memref<640xf32, #tpu.memory_space<vmem_shared>>
      %dma_wait3A_104 = arith.constant 0 : i32
      %dma_wait3A_105 = tpu.memref_slice %arg12[%run_scoped3A_62, %dma_wait3A_104] : memref<16x640xf32, #tpu.memory_space<vmem>> -> memref<1x640xf32, #tpu.memory_space<vmem>>
      %dma_wait3A_106 = tpu.memref_squeeze %dma_wait3A_105 : memref<1x640xf32, #tpu.memory_space<vmem>> -> memref<640xf32, #tpu.memory_space<vmem>>
      %dma_wait3A_107 = tpu.memref_slice %arg14[%run_scoped3A_61, %mul3A_60] : memref<16x10240xf32, #tpu.memory_space<vmem_shared>> -> memref<1x640xf32, #tpu.memory_space<vmem_shared>>
      %dma_wait3A_108 = tpu.memref_squeeze %dma_wait3A_107 : memref<1x640xf32, #tpu.memory_space<vmem_shared>> -> memref<640xf32, #tpu.memory_space<vmem_shared>>
      tpu.wait_dma2 semaphore(%run_scoped3A_90 : memref<!tpu.dma_semaphore, #tpu.memory_space<semaphore_mem>>) src(%dma_wait3A_108 : memref<640xf32, #tpu.memory_space<vmem_shared>>) dst(%dma_wait3A_106 : memref<640xf32, #tpu.memory_space<vmem>>)
      tpu.yield
    }) : () -> ()
    %mul3A_63 = arith.constant 640 : i32
    %mul3A_64 = arith.muli %arg1, %mul3A_63 : i32
    %run_scoped3A_65 = arith.constant 13 : i32
    %run_scoped3A_66 = arith.constant 13 : i32
    "tpu.region"() ({
      %run_scoped3A_90 = tpu.sem_alloc : memref<!tpu.dma_semaphore, #tpu.memory_space<semaphore_mem>>
      %dma_start3A = arith.constant 0 : i32
      %dma_start3A_91 = tpu.memref_slice %arg12[%run_scoped3A_66, %dma_start3A] : memref<16x640xf32, #tpu.memory_space<vmem>> -> memref<1x640xf32, #tpu.memory_space<vmem>>
      %dma_start3A_92 = tpu.memref_squeeze %dma_start3A_91 : memref<1x640xf32, #tpu.memory_space<vmem>> -> memref<640xf32, #tpu.memory_space<vmem>>
      %dma_start3A_93 = tpu.memref_slice %arg14[%run_scoped3A_65, %mul3A_64] : memref<16x10240xf32, #tpu.memory_space<vmem_shared>> -> memref<1x640xf32, #tpu.memory_space<vmem_shared>>
      %dma_start3A_94 = tpu.memref_squeeze %dma_start3A_93 : memref<1x640xf32, #tpu.memory_space<vmem_shared>> -> memref<640xf32, #tpu.memory_space<vmem_shared>>
      %dma_start3A_95 = arith.constant 0 : i32
      %dma_start3A_96 = tpu.memref_slice %arg12[%run_scoped3A_66, %dma_start3A_95] : memref<16x640xf32, #tpu.memory_space<vmem>> -> memref<1x640xf32, #tpu.memory_space<vmem>>
      %dma_start3A_97 = tpu.memref_squeeze %dma_start3A_96 : memref<1x640xf32, #tpu.memory_space<vmem>> -> memref<640xf32, #tpu.memory_space<vmem>>
      %dma_start3A_98 = tpu.memref_slice %arg14[%run_scoped3A_65, %mul3A_64] : memref<16x10240xf32, #tpu.memory_space<vmem_shared>> -> memref<1x640xf32, #tpu.memory_space<vmem_shared>>
      %dma_start3A_99 = tpu.memref_squeeze %dma_start3A_98 : memref<1x640xf32, #tpu.memory_space<vmem_shared>> -> memref<640xf32, #tpu.memory_space<vmem_shared>>
      tpu.enqueue_dma source(%dma_start3A_99 : memref<640xf32, #tpu.memory_space<vmem_shared>>) target(%dma_start3A_97 : memref<640xf32, #tpu.memory_space<vmem>>) target_semaphore(%run_scoped3A_90 : memref<!tpu.dma_semaphore, #tpu.memory_space<semaphore_mem>>)
      %dma_wait3A = arith.constant 0 : i32
      %dma_wait3A_100 = tpu.memref_slice %arg12[%run_scoped3A_66, %dma_wait3A] : memref<16x640xf32, #tpu.memory_space<vmem>> -> memref<1x640xf32, #tpu.memory_space<vmem>>
      %dma_wait3A_101 = tpu.memref_squeeze %dma_wait3A_100 : memref<1x640xf32, #tpu.memory_space<vmem>> -> memref<640xf32, #tpu.memory_space<vmem>>
      %dma_wait3A_102 = tpu.memref_slice %arg14[%run_scoped3A_65, %mul3A_64] : memref<16x10240xf32, #tpu.memory_space<vmem_shared>> -> memref<1x640xf32, #tpu.memory_space<vmem_shared>>
      %dma_wait3A_103 = tpu.memref_squeeze %dma_wait3A_102 : memref<1x640xf32, #tpu.memory_space<vmem_shared>> -> memref<640xf32, #tpu.memory_space<vmem_shared>>
      %dma_wait3A_104 = arith.constant 0 : i32
      %dma_wait3A_105 = tpu.memref_slice %arg12[%run_scoped3A_66, %dma_wait3A_104] : memref<16x640xf32, #tpu.memory_space<vmem>> -> memref<1x640xf32, #tpu.memory_space<vmem>>
      %dma_wait3A_106 = tpu.memref_squeeze %dma_wait3A_105 : memref<1x640xf32, #tpu.memory_space<vmem>> -> memref<640xf32, #tpu.memory_space<vmem>>
      %dma_wait3A_107 = tpu.memref_slice %arg14[%run_scoped3A_65, %mul3A_64] : memref<16x10240xf32, #tpu.memory_space<vmem_shared>> -> memref<1x640xf32, #tpu.memory_space<vmem_shared>>
      %dma_wait3A_108 = tpu.memref_squeeze %dma_wait3A_107 : memref<1x640xf32, #tpu.memory_space<vmem_shared>> -> memref<640xf32, #tpu.memory_space<vmem_shared>>
      tpu.wait_dma2 semaphore(%run_scoped3A_90 : memref<!tpu.dma_semaphore, #tpu.memory_space<semaphore_mem>>) src(%dma_wait3A_108 : memref<640xf32, #tpu.memory_space<vmem_shared>>) dst(%dma_wait3A_106 : memref<640xf32, #tpu.memory_space<vmem>>)
      tpu.yield
    }) : () -> ()
    %mul3A_67 = arith.constant 640 : i32
    %mul3A_68 = arith.muli %arg1, %mul3A_67 : i32
    %run_scoped3A_69 = arith.constant 14 : i32
    %run_scoped3A_70 = arith.constant 14 : i32
    "tpu.region"() ({
      %run_scoped3A_90 = tpu.sem_alloc : memref<!tpu.dma_semaphore, #tpu.memory_space<semaphore_mem>>
      %dma_start3A = arith.constant 0 : i32
      %dma_start3A_91 = tpu.memref_slice %arg12[%run_scoped3A_70, %dma_start3A] : memref<16x640xf32, #tpu.memory_space<vmem>> -> memref<1x640xf32, #tpu.memory_space<vmem>>
      %dma_start3A_92 = tpu.memref_squeeze %dma_start3A_91 : memref<1x640xf32, #tpu.memory_space<vmem>> -> memref<640xf32, #tpu.memory_space<vmem>>
      %dma_start3A_93 = tpu.memref_slice %arg14[%run_scoped3A_69, %mul3A_68] : memref<16x10240xf32, #tpu.memory_space<vmem_shared>> -> memref<1x640xf32, #tpu.memory_space<vmem_shared>>
      %dma_start3A_94 = tpu.memref_squeeze %dma_start3A_93 : memref<1x640xf32, #tpu.memory_space<vmem_shared>> -> memref<640xf32, #tpu.memory_space<vmem_shared>>
      %dma_start3A_95 = arith.constant 0 : i32
      %dma_start3A_96 = tpu.memref_slice %arg12[%run_scoped3A_70, %dma_start3A_95] : memref<16x640xf32, #tpu.memory_space<vmem>> -> memref<1x640xf32, #tpu.memory_space<vmem>>
      %dma_start3A_97 = tpu.memref_squeeze %dma_start3A_96 : memref<1x640xf32, #tpu.memory_space<vmem>> -> memref<640xf32, #tpu.memory_space<vmem>>
      %dma_start3A_98 = tpu.memref_slice %arg14[%run_scoped3A_69, %mul3A_68] : memref<16x10240xf32, #tpu.memory_space<vmem_shared>> -> memref<1x640xf32, #tpu.memory_space<vmem_shared>>
      %dma_start3A_99 = tpu.memref_squeeze %dma_start3A_98 : memref<1x640xf32, #tpu.memory_space<vmem_shared>> -> memref<640xf32, #tpu.memory_space<vmem_shared>>
      tpu.enqueue_dma source(%dma_start3A_99 : memref<640xf32, #tpu.memory_space<vmem_shared>>) target(%dma_start3A_97 : memref<640xf32, #tpu.memory_space<vmem>>) target_semaphore(%run_scoped3A_90 : memref<!tpu.dma_semaphore, #tpu.memory_space<semaphore_mem>>)
      %dma_wait3A = arith.constant 0 : i32
      %dma_wait3A_100 = tpu.memref_slice %arg12[%run_scoped3A_70, %dma_wait3A] : memref<16x640xf32, #tpu.memory_space<vmem>> -> memref<1x640xf32, #tpu.memory_space<vmem>>
      %dma_wait3A_101 = tpu.memref_squeeze %dma_wait3A_100 : memref<1x640xf32, #tpu.memory_space<vmem>> -> memref<640xf32, #tpu.memory_space<vmem>>
      %dma_wait3A_102 = tpu.memref_slice %arg14[%run_scoped3A_69, %mul3A_68] : memref<16x10240xf32, #tpu.memory_space<vmem_shared>> -> memref<1x640xf32, #tpu.memory_space<vmem_shared>>
      %dma_wait3A_103 = tpu.memref_squeeze %dma_wait3A_102 : memref<1x640xf32, #tpu.memory_space<vmem_shared>> -> memref<640xf32, #tpu.memory_space<vmem_shared>>
      %dma_wait3A_104 = arith.constant 0 : i32
      %dma_wait3A_105 = tpu.memref_slice %arg12[%run_scoped3A_70, %dma_wait3A_104] : memref<16x640xf32, #tpu.memory_space<vmem>> -> memref<1x640xf32, #tpu.memory_space<vmem>>
      %dma_wait3A_106 = tpu.memref_squeeze %dma_wait3A_105 : memref<1x640xf32, #tpu.memory_space<vmem>> -> memref<640xf32, #tpu.memory_space<vmem>>
      %dma_wait3A_107 = tpu.memref_slice %arg14[%run_scoped3A_69, %mul3A_68] : memref<16x10240xf32, #tpu.memory_space<vmem_shared>> -> memref<1x640xf32, #tpu.memory_space<vmem_shared>>
      %dma_wait3A_108 = tpu.memref_squeeze %dma_wait3A_107 : memref<1x640xf32, #tpu.memory_space<vmem_shared>> -> memref<640xf32, #tpu.memory_space<vmem_shared>>
      tpu.wait_dma2 semaphore(%run_scoped3A_90 : memref<!tpu.dma_semaphore, #tpu.memory_space<semaphore_mem>>) src(%dma_wait3A_108 : memref<640xf32, #tpu.memory_space<vmem_shared>>) dst(%dma_wait3A_106 : memref<640xf32, #tpu.memory_space<vmem>>)
      tpu.yield
    }) : () -> ()
    %mul3A_71 = arith.constant 640 : i32
    %mul3A_72 = arith.muli %arg1, %mul3A_71 : i32
    %run_scoped3A_73 = arith.constant 15 : i32
    %run_scoped3A_74 = arith.constant 15 : i32
    "tpu.region"() ({
      %run_scoped3A_90 = tpu.sem_alloc : memref<!tpu.dma_semaphore, #tpu.memory_space<semaphore_mem>>
      %dma_start3A = arith.constant 0 : i32
      %dma_start3A_91 = tpu.memref_slice %arg12[%run_scoped3A_74, %dma_start3A] : memref<16x640xf32, #tpu.memory_space<vmem>> -> memref<1x640xf32, #tpu.memory_space<vmem>>
      %dma_start3A_92 = tpu.memref_squeeze %dma_start3A_91 : memref<1x640xf32, #tpu.memory_space<vmem>> -> memref<640xf32, #tpu.memory_space<vmem>>
      %dma_start3A_93 = tpu.memref_slice %arg14[%run_scoped3A_73, %mul3A_72] : memref<16x10240xf32, #tpu.memory_space<vmem_shared>> -> memref<1x640xf32, #tpu.memory_space<vmem_shared>>
      %dma_start3A_94 = tpu.memref_squeeze %dma_start3A_93 : memref<1x640xf32, #tpu.memory_space<vmem_shared>> -> memref<640xf32, #tpu.memory_space<vmem_shared>>
      %dma_start3A_95 = arith.constant 0 : i32
      %dma_start3A_96 = tpu.memref_slice %arg12[%run_scoped3A_74, %dma_start3A_95] : memref<16x640xf32, #tpu.memory_space<vmem>> -> memref<1x640xf32, #tpu.memory_space<vmem>>
      %dma_start3A_97 = tpu.memref_squeeze %dma_start3A_96 : memref<1x640xf32, #tpu.memory_space<vmem>> -> memref<640xf32, #tpu.memory_space<vmem>>
      %dma_start3A_98 = tpu.memref_slice %arg14[%run_scoped3A_73, %mul3A_72] : memref<16x10240xf32, #tpu.memory_space<vmem_shared>> -> memref<1x640xf32, #tpu.memory_space<vmem_shared>>
      %dma_start3A_99 = tpu.memref_squeeze %dma_start3A_98 : memref<1x640xf32, #tpu.memory_space<vmem_shared>> -> memref<640xf32, #tpu.memory_space<vmem_shared>>
      tpu.enqueue_dma source(%dma_start3A_99 : memref<640xf32, #tpu.memory_space<vmem_shared>>) target(%dma_start3A_97 : memref<640xf32, #tpu.memory_space<vmem>>) target_semaphore(%run_scoped3A_90 : memref<!tpu.dma_semaphore, #tpu.memory_space<semaphore_mem>>)
      %dma_wait3A = arith.constant 0 : i32
      %dma_wait3A_100 = tpu.memref_slice %arg12[%run_scoped3A_74, %dma_wait3A] : memref<16x640xf32, #tpu.memory_space<vmem>> -> memref<1x640xf32, #tpu.memory_space<vmem>>
      %dma_wait3A_101 = tpu.memref_squeeze %dma_wait3A_100 : memref<1x640xf32, #tpu.memory_space<vmem>> -> memref<640xf32, #tpu.memory_space<vmem>>
      %dma_wait3A_102 = tpu.memref_slice %arg14[%run_scoped3A_73, %mul3A_72] : memref<16x10240xf32, #tpu.memory_space<vmem_shared>> -> memref<1x640xf32, #tpu.memory_space<vmem_shared>>
      %dma_wait3A_103 = tpu.memref_squeeze %dma_wait3A_102 : memref<1x640xf32, #tpu.memory_space<vmem_shared>> -> memref<640xf32, #tpu.memory_space<vmem_shared>>
      %dma_wait3A_104 = arith.constant 0 : i32
      %dma_wait3A_105 = tpu.memref_slice %arg12[%run_scoped3A_74, %dma_wait3A_104] : memref<16x640xf32, #tpu.memory_space<vmem>> -> memref<1x640xf32, #tpu.memory_space<vmem>>
      %dma_wait3A_106 = tpu.memref_squeeze %dma_wait3A_105 : memref<1x640xf32, #tpu.memory_space<vmem>> -> memref<640xf32, #tpu.memory_space<vmem>>
      %dma_wait3A_107 = tpu.memref_slice %arg14[%run_scoped3A_73, %mul3A_72] : memref<16x10240xf32, #tpu.memory_space<vmem_shared>> -> memref<1x640xf32, #tpu.memory_space<vmem_shared>>
      %dma_wait3A_108 = tpu.memref_squeeze %dma_wait3A_107 : memref<1x640xf32, #tpu.memory_space<vmem_shared>> -> memref<640xf32, #tpu.memory_space<vmem_shared>>
      tpu.wait_dma2 semaphore(%run_scoped3A_90 : memref<!tpu.dma_semaphore, #tpu.memory_space<semaphore_mem>>) src(%dma_wait3A_108 : memref<640xf32, #tpu.memory_space<vmem_shared>>) dst(%dma_wait3A_106 : memref<640xf32, #tpu.memory_space<vmem>>)
      tpu.yield
    }) : () -> ()
    %mul3A_75 = arith.constant 640 : i32
    %mul3A_76 = arith.muli %arg1, %mul3A_75 : i32
    %run_scoped3A_77 = arith.constant 0 : i32
    "tpu.region"() ({
      %run_scoped3A_90 = tpu.sem_alloc : memref<!tpu.dma_semaphore, #tpu.memory_space<semaphore_mem>>
      %dma_start3A = arith.constant 0 : i32
      %dma_start3A_91 = tpu.memref_slice %arg13[%run_scoped3A_77, %dma_start3A] : memref<2x640xf32, #tpu.memory_space<vmem>> -> memref<1x640xf32, #tpu.memory_space<vmem>>
      %dma_start3A_92 = tpu.memref_squeeze %dma_start3A_91 : memref<1x640xf32, #tpu.memory_space<vmem>> -> memref<640xf32, #tpu.memory_space<vmem>>
      %dma_start3A_93 = tpu.memref_slice %arg4[%mul3A_76] : memref<10240xf32, #tpu.memory_space<hbm>> -> memref<640xf32, #tpu.memory_space<hbm>>
      %dma_start3A_94 = arith.constant 0 : i32
      %dma_start3A_95 = tpu.memref_slice %arg13[%run_scoped3A_77, %dma_start3A_94] : memref<2x640xf32, #tpu.memory_space<vmem>> -> memref<1x640xf32, #tpu.memory_space<vmem>>
      %dma_start3A_96 = tpu.memref_squeeze %dma_start3A_95 : memref<1x640xf32, #tpu.memory_space<vmem>> -> memref<640xf32, #tpu.memory_space<vmem>>
      %dma_start3A_97 = tpu.memref_slice %arg4[%mul3A_76] : memref<10240xf32, #tpu.memory_space<hbm>> -> memref<640xf32, #tpu.memory_space<hbm>>
      tpu.enqueue_dma source(%dma_start3A_97 : memref<640xf32, #tpu.memory_space<hbm>>) target(%dma_start3A_96 : memref<640xf32, #tpu.memory_space<vmem>>) target_semaphore(%run_scoped3A_90 : memref<!tpu.dma_semaphore, #tpu.memory_space<semaphore_mem>>)
      %dma_wait3A = arith.constant 0 : i32
      %dma_wait3A_98 = tpu.memref_slice %arg13[%run_scoped3A_77, %dma_wait3A] : memref<2x640xf32, #tpu.memory_space<vmem>> -> memref<1x640xf32, #tpu.memory_space<vmem>>
      %dma_wait3A_99 = tpu.memref_squeeze %dma_wait3A_98 : memref<1x640xf32, #tpu.memory_space<vmem>> -> memref<640xf32, #tpu.memory_space<vmem>>
      %dma_wait3A_100 = tpu.memref_slice %arg4[%mul3A_76] : memref<10240xf32, #tpu.memory_space<hbm>> -> memref<640xf32, #tpu.memory_space<hbm>>
      %dma_wait3A_101 = arith.constant 0 : i32
      %dma_wait3A_102 = tpu.memref_slice %arg13[%run_scoped3A_77, %dma_wait3A_101] : memref<2x640xf32, #tpu.memory_space<vmem>> -> memref<1x640xf32, #tpu.memory_space<vmem>>
      %dma_wait3A_103 = tpu.memref_squeeze %dma_wait3A_102 : memref<1x640xf32, #tpu.memory_space<vmem>> -> memref<640xf32, #tpu.memory_space<vmem>>
      %dma_wait3A_104 = tpu.memref_slice %arg4[%mul3A_76] : memref<10240xf32, #tpu.memory_space<hbm>> -> memref<640xf32, #tpu.memory_space<hbm>>
      tpu.wait_dma2 semaphore(%run_scoped3A_90 : memref<!tpu.dma_semaphore, #tpu.memory_space<semaphore_mem>>) src(%dma_wait3A_104 : memref<640xf32, #tpu.memory_space<hbm>>) dst(%dma_wait3A_103 : memref<640xf32, #tpu.memory_space<vmem>>)
      tpu.yield
    }) : () -> ()
    %mul3A_78 = arith.constant 640 : i32
    %mul3A_79 = arith.muli %arg1, %mul3A_78 : i32
    %run_scoped3A_80 = arith.constant 1 : i32
    "tpu.region"() ({
      %run_scoped3A_90 = tpu.sem_alloc : memref<!tpu.dma_semaphore, #tpu.memory_space<semaphore_mem>>
      %dma_start3A = arith.constant 0 : i32
      %dma_start3A_91 = tpu.memref_slice %arg13[%run_scoped3A_80, %dma_start3A] : memref<2x640xf32, #tpu.memory_space<vmem>> -> memref<1x640xf32, #tpu.memory_space<vmem>>
      %dma_start3A_92 = tpu.memref_squeeze %dma_start3A_91 : memref<1x640xf32, #tpu.memory_space<vmem>> -> memref<640xf32, #tpu.memory_space<vmem>>
      %dma_start3A_93 = tpu.memref_slice %arg3[%mul3A_79] : memref<10240xf32, #tpu.memory_space<hbm>> -> memref<640xf32, #tpu.memory_space<hbm>>
      %dma_start3A_94 = arith.constant 0 : i32
      %dma_start3A_95 = tpu.memref_slice %arg13[%run_scoped3A_80, %dma_start3A_94] : memref<2x640xf32, #tpu.memory_space<vmem>> -> memref<1x640xf32, #tpu.memory_space<vmem>>
      %dma_start3A_96 = tpu.memref_squeeze %dma_start3A_95 : memref<1x640xf32, #tpu.memory_space<vmem>> -> memref<640xf32, #tpu.memory_space<vmem>>
      %dma_start3A_97 = tpu.memref_slice %arg3[%mul3A_79] : memref<10240xf32, #tpu.memory_space<hbm>> -> memref<640xf32, #tpu.memory_space<hbm>>
      tpu.enqueue_dma source(%dma_start3A_97 : memref<640xf32, #tpu.memory_space<hbm>>) target(%dma_start3A_96 : memref<640xf32, #tpu.memory_space<vmem>>) target_semaphore(%run_scoped3A_90 : memref<!tpu.dma_semaphore, #tpu.memory_space<semaphore_mem>>)
      %dma_wait3A = arith.constant 0 : i32
      %dma_wait3A_98 = tpu.memref_slice %arg13[%run_scoped3A_80, %dma_wait3A] : memref<2x640xf32, #tpu.memory_space<vmem>> -> memref<1x640xf32, #tpu.memory_space<vmem>>
      %dma_wait3A_99 = tpu.memref_squeeze %dma_wait3A_98 : memref<1x640xf32, #tpu.memory_space<vmem>> -> memref<640xf32, #tpu.memory_space<vmem>>
      %dma_wait3A_100 = tpu.memref_slice %arg3[%mul3A_79] : memref<10240xf32, #tpu.memory_space<hbm>> -> memref<640xf32, #tpu.memory_space<hbm>>
      %dma_wait3A_101 = arith.constant 0 : i32
      %dma_wait3A_102 = tpu.memref_slice %arg13[%run_scoped3A_80, %dma_wait3A_101] : memref<2x640xf32, #tpu.memory_space<vmem>> -> memref<1x640xf32, #tpu.memory_space<vmem>>
      %dma_wait3A_103 = tpu.memref_squeeze %dma_wait3A_102 : memref<1x640xf32, #tpu.memory_space<vmem>> -> memref<640xf32, #tpu.memory_space<vmem>>
      %dma_wait3A_104 = tpu.memref_slice %arg3[%mul3A_79] : memref<10240xf32, #tpu.memory_space<hbm>> -> memref<640xf32, #tpu.memory_space<hbm>>
      tpu.wait_dma2 semaphore(%run_scoped3A_90 : memref<!tpu.dma_semaphore, #tpu.memory_space<semaphore_mem>>) src(%dma_wait3A_104 : memref<640xf32, #tpu.memory_space<hbm>>) dst(%dma_wait3A_103 : memref<640xf32, #tpu.memory_space<vmem>>)
      tpu.yield
    }) : () -> ()
    %scan3A_81 = arith.constant 0 : i32
    %scan3A_82 = arith.constant 0 : i32
    %scan3A_83 = arith.constant 40 : i32
    %scan3A_84 = arith.addi %scan3A_82, %scan3A_83 : i32
    %scan3A_85 = arith.constant 1 : i32
    %scan3A_86 = scf.for %scan3A_90 = %scan3A_82 to %scan3A_84 step %scan3A_85 iter_args(%scan3A_91 = %scan3A_81) -> (i32)  : i32 {
      %mul3A_92 = arith.constant 16 : i32
      %mul3A_93 = arith.muli %scan3A_90, %mul3A_92 : i32
      %get3A = arith.constant 0 : i32
      %get3A_94 = arith.index_cast %get3A : i32 to index
      %get3A_95 = arith.index_cast %mul3A_93 : i32 to index
      %get3A_96 = tpu.vector_load %arg12[%get3A_94, %get3A_95] {strides = array<i32>} : memref<16x640xf32, #tpu.memory_space<vmem>>, vector<16xf32>,
      %get3A_97 = arith.constant 1 : i32
      %get3A_98 = arith.index_cast %get3A_97 : i32 to index
      %get3A_99 = arith.index_cast %mul3A_93 : i32 to index
      %get3A_100 = tpu.vector_load %arg12[%get3A_98, %get3A_99] {strides = array<i32>} : memref<16x640xf32, #tpu.memory_space<vmem>>, vector<16xf32>,
      %add3A = arith.addf %get3A_96, %get3A_100 : vector<16xf32>
      %get3A_101 = arith.constant 2 : i32
      %get3A_102 = arith.index_cast %get3A_101 : i32 to index
      %get3A_103 = arith.index_cast %mul3A_93 : i32 to index
      %get3A_104 = tpu.vector_load %arg12[%get3A_102, %get3A_103] {strides = array<i32>} : memref<16x640xf32, #tpu.memory_space<vmem>>, vector<16xf32>,
      %add3A_105 = arith.addf %add3A, %get3A_104 : vector<16xf32>
      %get3A_106 = arith.constant 3 : i32
      %get3A_107 = arith.index_cast %get3A_106 : i32 to index
      %get3A_108 = arith.index_cast %mul3A_93 : i32 to index
      %get3A_109 = tpu.vector_load %arg12[%get3A_107, %get3A_108] {strides = array<i32>} : memref<16x640xf32, #tpu.memory_space<vmem>>, vector<16xf32>,
      %add3A_110 = arith.addf %add3A_105, %get3A_109 : vector<16xf32>
      %get3A_111 = arith.constant 4 : i32
      %get3A_112 = arith.index_cast %get3A_111 : i32 to index
      %get3A_113 = arith.index_cast %mul3A_93 : i32 to index
      %get3A_114 = tpu.vector_load %arg12[%get3A_112, %get3A_113] {strides = array<i32>} : memref<16x640xf32, #tpu.memory_space<vmem>>, vector<16xf32>,
      %add3A_115 = arith.addf %add3A_110, %get3A_114 : vector<16xf32>
      %get3A_116 = arith.constant 5 : i32
      %get3A_117 = arith.index_cast %get3A_116 : i32 to index
      %get3A_118 = arith.index_cast %mul3A_93 : i32 to index
      %get3A_119 = tpu.vector_load %arg12[%get3A_117, %get3A_118] {strides = array<i32>} : memref<16x640xf32, #tpu.memory_space<vmem>>, vector<16xf32>,
      %add3A_120 = arith.addf %add3A_115, %get3A_119 : vector<16xf32>
      %get3A_121 = arith.constant 6 : i32
      %get3A_122 = arith.index_cast %get3A_121 : i32 to index
      %get3A_123 = arith.index_cast %mul3A_93 : i32 to index
      %get3A_124 = tpu.vector_load %arg12[%get3A_122, %get3A_123] {strides = array<i32>} : memref<16x640xf32, #tpu.memory_space<vmem>>, vector<16xf32>,
      %add3A_125 = arith.addf %add3A_120, %get3A_124 : vector<16xf32>
      %get3A_126 = arith.constant 7 : i32
      %get3A_127 = arith.index_cast %get3A_126 : i32 to index
      %get3A_128 = arith.index_cast %mul3A_93 : i32 to index
      %get3A_129 = tpu.vector_load %arg12[%get3A_127, %get3A_128] {strides = array<i32>} : memref<16x640xf32, #tpu.memory_space<vmem>>, vector<16xf32>,
      %add3A_130 = arith.addf %add3A_125, %get3A_129 : vector<16xf32>
      %get3A_131 = arith.constant 8 : i32
      %get3A_132 = arith.index_cast %get3A_131 : i32 to index
      %get3A_133 = arith.index_cast %mul3A_93 : i32 to index
      %get3A_134 = tpu.vector_load %arg12[%get3A_132, %get3A_133] {strides = array<i32>} : memref<16x640xf32, #tpu.memory_space<vmem>>, vector<16xf32>,
      %add3A_135 = arith.addf %add3A_130, %get3A_134 : vector<16xf32>
      %get3A_136 = arith.constant 9 : i32
      %get3A_137 = arith.index_cast %get3A_136 : i32 to index
      %get3A_138 = arith.index_cast %mul3A_93 : i32 to index
      %get3A_139 = tpu.vector_load %arg12[%get3A_137, %get3A_138] {strides = array<i32>} : memref<16x640xf32, #tpu.memory_space<vmem>>, vector<16xf32>,
      %add3A_140 = arith.addf %add3A_135, %get3A_139 : vector<16xf32>
      %get3A_141 = arith.constant 10 : i32
      %get3A_142 = arith.index_cast %get3A_141 : i32 to index
      %get3A_143 = arith.index_cast %mul3A_93 : i32 to index
      %get3A_144 = tpu.vector_load %arg12[%get3A_142, %get3A_143] {strides = array<i32>} : memref<16x640xf32, #tpu.memory_space<vmem>>, vector<16xf32>,
      %add3A_145 = arith.addf %add3A_140, %get3A_144 : vector<16xf32>
      %get3A_146 = arith.constant 11 : i32
      %get3A_147 = arith.index_cast %get3A_146 : i32 to index
      %get3A_148 = arith.index_cast %mul3A_93 : i32 to index
      %get3A_149 = tpu.vector_load %arg12[%get3A_147, %get3A_148] {strides = array<i32>} : memref<16x640xf32, #tpu.memory_space<vmem>>, vector<16xf32>,
      %add3A_150 = arith.addf %add3A_145, %get3A_149 : vector<16xf32>
      %get3A_151 = arith.constant 12 : i32
      %get3A_152 = arith.index_cast %get3A_151 : i32 to index
      %get3A_153 = arith.index_cast %mul3A_93 : i32 to index
      %get3A_154 = tpu.vector_load %arg12[%get3A_152, %get3A_153] {strides = array<i32>} : memref<16x640xf32, #tpu.memory_space<vmem>>, vector<16xf32>,
      %add3A_155 = arith.addf %add3A_150, %get3A_154 : vector<16xf32>
      %get3A_156 = arith.constant 13 : i32
      %get3A_157 = arith.index_cast %get3A_156 : i32 to index
      %get3A_158 = arith.index_cast %mul3A_93 : i32 to index
      %get3A_159 = tpu.vector_load %arg12[%get3A_157, %get3A_158] {strides = array<i32>} : memref<16x640xf32, #tpu.memory_space<vmem>>, vector<16xf32>,
      %add3A_160 = arith.addf %add3A_155, %get3A_159 : vector<16xf32>
      %get3A_161 = arith.constant 14 : i32
      %get3A_162 = arith.index_cast %get3A_161 : i32 to index
      %get3A_163 = arith.index_cast %mul3A_93 : i32 to index
      %get3A_164 = tpu.vector_load %arg12[%get3A_162, %get3A_163] {strides = array<i32>} : memref<16x640xf32, #tpu.memory_space<vmem>>, vector<16xf32>,
      %add3A_165 = arith.addf %add3A_160, %get3A_164 : vector<16xf32>
      %get3A_166 = arith.constant 15 : i32
      %get3A_167 = arith.index_cast %get3A_166 : i32 to index
      %get3A_168 = arith.index_cast %mul3A_93 : i32 to index
      %get3A_169 = tpu.vector_load %arg12[%get3A_167, %get3A_168] {strides = array<i32>} : memref<16x640xf32, #tpu.memory_space<vmem>>, vector<16xf32>,
      %add3A_170 = arith.addf %add3A_165, %get3A_169 : vector<16xf32>
      %get3A_171 = arith.constant 0 : i32
      %get3A_172 = arith.index_cast %get3A_171 : i32 to index
      %get3A_173 = arith.index_cast %mul3A_93 : i32 to index
      %get3A_174 = tpu.vector_load %arg13[%get3A_172, %get3A_173] {strides = array<i32>} : memref<2x640xf32, #tpu.memory_space<vmem>>, vector<16xf32>,
      %mul3A_175 = arith.mulf %add3A_170, %get3A_174 : vector<16xf32>
      %get3A_176 = arith.constant 1 : i32
      %get3A_177 = arith.index_cast %get3A_176 : i32 to index
      %get3A_178 = arith.index_cast %mul3A_93 : i32 to index
      %get3A_179 = tpu.vector_load %arg13[%get3A_177, %get3A_178] {strides = array<i32>} : memref<2x640xf32, #tpu.memory_space<vmem>>, vector<16xf32>,
      %add3A_180 = arith.addf %mul3A_175, %get3A_179 : vector<16xf32>
      %swap3A = arith.constant 0 : i32
      %swap3A_181 = arith.index_cast %swap3A : i32 to index
      %swap3A_182 = arith.index_cast %mul3A_93 : i32 to index
      %swap3A_183 = tpu.vector_load %arg13[%swap3A_181, %swap3A_182] {strides = array<i32>} : memref<2x640xf32, #tpu.memory_space<vmem>>, vector<16xf32>,
      tpu.vector_store %arg13[%swap3A_181, %swap3A_182], %add3A_180 {strides = array<i32>} : memref<2x640xf32, #tpu.memory_space<vmem>>, vector<16xf32>,
      %scan3A_184 = arith.constant 0 : i32
      scf.yield %scan3A_184 : i32
    }
    %scan3A_87 = arith.constant 40 : i32
    %eq3A = arith.constant 0 : i32
    %eq3A_88 = arith.cmpi eq, %arg0, %eq3A : i32
    %convert_element_type3A = arith.extui %eq3A_88 : i1 to i32
    %cond3A = arith.constant 0 : i32
    %cond3A_89 = arith.cmpi ne, %convert_element_type3A, %cond3A : i32
    scf.if %cond3A_89 {
      %mul3A_90 = arith.constant 640 : i32
      %mul3A_91 = arith.muli %arg1, %mul3A_90 : i32
      %run_scoped3A_92 = arith.constant 0 : i32
      "tpu.region"() ({
        %run_scoped3A_93 = tpu.sem_alloc : memref<!tpu.dma_semaphore, #tpu.memory_space<semaphore_mem>>
        %dma_start3A = arith.constant 0 : i32
        %dma_start3A_94 = tpu.memref_slice %arg13[%run_scoped3A_92, %dma_start3A] : memref<2x640xf32, #tpu.memory_space<vmem>> -> memref<1x640xf32, #tpu.memory_space<vmem>>
        %dma_start3A_95 = tpu.memref_squeeze %dma_start3A_94 : memref<1x640xf32, #tpu.memory_space<vmem>> -> memref<640xf32, #tpu.memory_space<vmem>>
        %dma_start3A_96 = tpu.memref_slice %arg7[%mul3A_91] : memref<10240xf32, #tpu.memory_space<hbm>> -> memref<640xf32, #tpu.memory_space<hbm>>
        %dma_start3A_97 = tpu.memref_slice %arg7[%mul3A_91] : memref<10240xf32, #tpu.memory_space<hbm>> -> memref<640xf32, #tpu.memory_space<hbm>>
        %dma_start3A_98 = arith.constant 0 : i32
        %dma_start3A_99 = tpu.memref_slice %arg13[%run_scoped3A_92, %dma_start3A_98] : memref<2x640xf32, #tpu.memory_space<vmem>> -> memref<1x640xf32, #tpu.memory_space<vmem>>
        %dma_start3A_100 = tpu.memref_squeeze %dma_start3A_99 : memref<1x640xf32, #tpu.memory_space<vmem>> -> memref<640xf32, #tpu.memory_space<vmem>>
        tpu.enqueue_dma source(%dma_start3A_100 : memref<640xf32, #tpu.memory_space<vmem>>) target(%dma_start3A_97 : memref<640xf32, #tpu.memory_space<hbm>>) target_semaphore(%run_scoped3A_93 : memref<!tpu.dma_semaphore, #tpu.memory_space<semaphore_mem>>)
        %dma_wait3A = arith.constant 0 : i32
        %dma_wait3A_101 = tpu.memref_slice %arg13[%run_scoped3A_92, %dma_wait3A] : memref<2x640xf32, #tpu.memory_space<vmem>> -> memref<1x640xf32, #tpu.memory_space<vmem>>
        %dma_wait3A_102 = tpu.memref_squeeze %dma_wait3A_101 : memref<1x640xf32, #tpu.memory_space<vmem>> -> memref<640xf32, #tpu.memory_space<vmem>>
        %dma_wait3A_103 = tpu.memref_slice %arg7[%mul3A_91] : memref<10240xf32, #tpu.memory_space<hbm>> -> memref<640xf32, #tpu.memory_space<hbm>>
        %dma_wait3A_104 = tpu.memref_slice %arg7[%mul3A_91] : memref<10240xf32, #tpu.memory_space<hbm>> -> memref<640xf32, #tpu.memory_space<hbm>>
        %dma_wait3A_105 = arith.constant 0 : i32
        %dma_wait3A_106 = tpu.memref_slice %arg13[%run_scoped3A_92, %dma_wait3A_105] : memref<2x640xf32, #tpu.memory_space<vmem>> -> memref<1x640xf32, #tpu.memory_space<vmem>>
        %dma_wait3A_107 = tpu.memref_squeeze %dma_wait3A_106 : memref<1x640xf32, #tpu.memory_space<vmem>> -> memref<640xf32, #tpu.memory_space<vmem>>
        tpu.wait_dma2 semaphore(%run_scoped3A_93 : memref<!tpu.dma_semaphore, #tpu.memory_space<semaphore_mem>>) src(%dma_wait3A_107 : memref<640xf32, #tpu.memory_space<vmem>>) dst(%dma_wait3A_104 : memref<640xf32, #tpu.memory_space<hbm>>)
        tpu.yield
      }) : () -> ()
    } else {
    }
    return
  }
}

module attributes {stable_mosaic.version = 14 : i64} {
  func.func @_tc_mid_body(%arg0: i32, %arg1: memref<2x2000x128xbf16, #tpu.memory_space<vmem>>, %arg2: memref<2x2000x1xf32, #tpu.memory_space<vmem>>, %arg3: memref<2000x256xf32, #tpu.memory_space<vmem>>, %arg4: memref<256x256xf32, #tpu.memory_space<vmem>>, %arg5: memref<256x256xf32, #tpu.memory_space<vmem>>, %arg6: memref<1x256xf32, #tpu.memory_space<vmem>>, %arg7: memref<256x1xf32, #tpu.memory_space<vmem>>, %arg8: memref<256x1xf32, #tpu.memory_space<vmem>>, %arg9: memref<1x1xf32, #tpu.memory_space<vmem>>, %arg10: memref<2000x1xf32, #tpu.memory_space<vmem>>, %arg11: memref<2000x1xf32, #tpu.memory_space<vmem>>, %arg12: memref<2000x1xf32, #tpu.memory_space<vmem>>) attributes {dimension_semantics = [#tpu.dimension_semantics<arbitrary>], iteration_bounds = array<i64: 5>, scalar_prefetch = 0 : i64, scratch_operands = 0 : i64, tpu.core_type = #tpu.core_type<tc>, window_params = [{transform_indices = @transform_0, window_bounds = array<i64: 2, 2000, 128>}, {transform_indices = @transform_1, window_bounds = array<i64: 2, 2000, 1>}, {transform_indices = @transform_2, window_bounds = array<i64: 2000, 256>}, {pipeline_mode = #tpu.pipeline_mode<synchronous>, transform_indices = @transform_3, window_bounds = array<i64: 256, 256>}, {pipeline_mode = #tpu.pipeline_mode<synchronous>, transform_indices = @transform_4, window_bounds = array<i64: 256, 256>}, {pipeline_mode = #tpu.pipeline_mode<synchronous>, transform_indices = @transform_5, window_bounds = array<i64: 1, 256>}, {pipeline_mode = #tpu.pipeline_mode<synchronous>, transform_indices = @transform_6, window_bounds = array<i64: 256, 1>}, {pipeline_mode = #tpu.pipeline_mode<synchronous>, transform_indices = @transform_7, window_bounds = array<i64: 256, 1>}, {pipeline_mode = #tpu.pipeline_mode<synchronous>, transform_indices = @transform_8, window_bounds = array<i64: 1, 1>}, {transform_indices = @transform_9, window_bounds = array<i64: 2000, 1>}, {transform_indices = @transform_10, window_bounds = array<i64: 2000, 1>}, {transform_indices = @transform_11, window_bounds = array<i64: 2000, 1>}]} {
    %get3A = arith.constant 0 : index
    %get3A_0 = arith.constant 0 : index
    %get3A_1 = arith.constant 0 : index
    %get3A_2 = vector.load %arg2[%get3A, %get3A_0, %get3A_1] : memref<2x2000x1xf32, #tpu.memory_space<vmem>>, vector<1x2000x1xf32>
    %get3A_3 = vector.shape_cast %get3A_2 : vector<1x2000x1xf32> to vector<2000x1xf32>
    %get3A_4 = arith.constant 1 : index
    %get3A_5 = arith.constant 0 : index
    %get3A_6 = arith.constant 0 : index
    %get3A_7 = vector.load %arg2[%get3A_4, %get3A_5, %get3A_6] : memref<2x2000x1xf32, #tpu.memory_space<vmem>>, vector<1x2000x1xf32>
    %get3A_8 = vector.shape_cast %get3A_7 : vector<1x2000x1xf32> to vector<2000x1xf32>
    %add3A = arith.addf %get3A_3, %get3A_8 : vector<2000x1xf32>
    %max3A = arith.constant 1.000000e+00 : f32
    %max3A_9 = vector.broadcast %max3A : f32 to vector<2000x1xf32>
    %max3A_10 = arith.maximumf %add3A, %max3A_9 : vector<2000x1xf32>
    %div3A = arith.constant 1.000000e+00 : f32
    %div3A_11 = vector.broadcast %div3A : f32 to vector<2000x1xf32>
    %div3A_12 = arith.divf %div3A_11, %max3A_10 : vector<2000x1xf32>
    %get3A_13 = arith.constant 0 : index
    %get3A_14 = arith.constant 0 : index
    %get3A_15 = arith.constant 0 : index
    %get3A_16 = vector.load %arg1[%get3A_13, %get3A_14, %get3A_15] : memref<2x2000x128xbf16, #tpu.memory_space<vmem>>, vector<1x2000x128xbf16>
    %get3A_17 = vector.shape_cast %get3A_16 : vector<1x2000x128xbf16> to vector<2000x128xbf16>
    %convert_element_type3A = arith.extf %get3A_17 : vector<2000x128xbf16> to vector<2000x128xf32>
    %mul3A = vector.broadcast %div3A_12 : vector<2000x1xf32> to vector<2000x128xf32>
    %mul3A_18 = arith.mulf %convert_element_type3A, %mul3A : vector<2000x128xf32>
    %get3A_19 = arith.constant 1 : index
    %get3A_20 = arith.constant 0 : index
    %get3A_21 = arith.constant 0 : index
    %get3A_22 = vector.load %arg1[%get3A_19, %get3A_20, %get3A_21] : memref<2x2000x128xbf16, #tpu.memory_space<vmem>>, vector<1x2000x128xbf16>
    %get3A_23 = vector.shape_cast %get3A_22 : vector<1x2000x128xbf16> to vector<2000x128xbf16>
    %convert_element_type3A_24 = arith.extf %get3A_23 : vector<2000x128xbf16> to vector<2000x128xf32>
    %mul3A_25 = vector.broadcast %div3A_12 : vector<2000x1xf32> to vector<2000x128xf32>
    %mul3A_26 = arith.mulf %convert_element_type3A_24, %mul3A_25 : vector<2000x128xf32>
    %get3A_27 = arith.constant 0 : index
    %get3A_28 = arith.constant 0 : index
    %get3A_29 = vector.load %arg3[%get3A_27, %get3A_28] : memref<2000x256xf32, #tpu.memory_space<vmem>>, vector<2000x256xf32>
    %get3A_30 = arith.constant 0 : index
    %get3A_31 = arith.constant 0 : index
    %get3A_32 = vector.load %arg5[%get3A_30, %get3A_31] : memref<256x256xf32, #tpu.memory_space<vmem>>, vector<256x256xf32>
    %dot_general3A = arith.constant dense<0.000000e+00> : vector<2000x256xf32>
    %dot_general3A_33 = tpu.matmul %get3A_29, %get3A_32, %dot_general3A {dimension_numbers = #tpu.dot_dimension_numbers<[1], [0], [0], [1], [0, 0, 1, 1], [], []>, transpose_lhs_hint = false} : vector<2000x256xf32>, vector<256x256xf32>, vector<2000x256xf32> -> vector<2000x256xf32>
    %get3A_34 = arith.constant 0 : index
    %get3A_35 = arith.constant 0 : index
    %get3A_36 = vector.load %arg4[%get3A_34, %get3A_35] : memref<256x256xf32, #tpu.memory_space<vmem>>, vector<128x256xf32>
    %dot_general3A_37 = arith.constant dense<0.000000e+00> : vector<2000x256xf32>
    %dot_general3A_38 = tpu.matmul %mul3A_18, %get3A_36, %dot_general3A_37 {dimension_numbers = #tpu.dot_dimension_numbers<[1], [0], [0], [1], [0, 0, 1, 1], [], []>, transpose_lhs_hint = false} : vector<2000x128xf32>, vector<128x256xf32>, vector<2000x256xf32> -> vector<2000x256xf32>
    %add3A_39 = arith.addf %dot_general3A_33, %dot_general3A_38 : vector<2000x256xf32>
    %get3A_40 = arith.constant 128 : index
    %get3A_41 = arith.constant 0 : index
    %get3A_42 = vector.load %arg4[%get3A_40, %get3A_41] : memref<256x256xf32, #tpu.memory_space<vmem>>, vector<128x256xf32>
    %dot_general3A_43 = arith.constant dense<0.000000e+00> : vector<2000x256xf32>
    %dot_general3A_44 = tpu.matmul %mul3A_26, %get3A_42, %dot_general3A_43 {dimension_numbers = #tpu.dot_dimension_numbers<[1], [0], [0], [1], [0, 0, 1, 1], [], []>, transpose_lhs_hint = false} : vector<2000x128xf32>, vector<128x256xf32>, vector<2000x256xf32> -> vector<2000x256xf32>
    %add3A_45 = arith.addf %add3A_39, %dot_general3A_44 : vector<2000x256xf32>
    %get3A_46 = arith.constant 0 : index
    %get3A_47 = arith.constant 0 : index
    %get3A_48 = vector.load %arg6[%get3A_46, %get3A_47] : memref<1x256xf32, #tpu.memory_space<vmem>>, vector<1x256xf32>
    %add3A_49 = vector.broadcast %get3A_48 : vector<1x256xf32> to vector<2000x256xf32>
    %add3A_50 = arith.addf %add3A_45, %add3A_49 : vector<2000x256xf32>
    %max3A_51 = arith.constant 0.000000e+00 : f32
    %max3A_52 = vector.broadcast %max3A_51 : f32 to vector<2000x256xf32>
    %max3A_53 = arith.maximumf %add3A_50, %max3A_52 : vector<2000x256xf32>
    %get3A_54 = arith.constant 0 : index
    %get3A_55 = arith.constant 0 : index
    %get3A_56 = vector.load %arg7[%get3A_54, %get3A_55] : memref<256x1xf32, #tpu.memory_space<vmem>>, vector<256x1xf32>
    %dot_general3A_57 = arith.constant dense<0.000000e+00> : vector<2000x1xf32>
    %dot_general3A_58 = tpu.matmul %max3A_53, %get3A_56, %dot_general3A_57 {dimension_numbers = #tpu.dot_dimension_numbers<[1], [0], [0], [1], [0, 0, 1, 1], [], []>, transpose_lhs_hint = false} : vector<2000x256xf32>, vector<256x1xf32>, vector<2000x1xf32> -> vector<2000x1xf32>
    %swap3A = arith.constant 0 : index
    %swap3A_59 = arith.constant 0 : index
    %swap3A_60 = vector.load %arg10[%swap3A, %swap3A_59] : memref<2000x1xf32, #tpu.memory_space<vmem>>, vector<2000x1xf32>
    tpu.vector_store %arg10[%swap3A, %swap3A_59], %dot_general3A_58 {strides = array<i32>} : memref<2000x1xf32, #tpu.memory_space<vmem>>, vector<2000x1xf32>,
    %get3A_61 = arith.constant 0 : index
    %get3A_62 = arith.constant 0 : index
    %get3A_63 = vector.load %arg8[%get3A_61, %get3A_62] : memref<256x1xf32, #tpu.memory_space<vmem>>, vector<256x1xf32>
    %dot_general3A_64 = arith.constant dense<0.000000e+00> : vector<2000x1xf32>
    %dot_general3A_65 = tpu.matmul %max3A_53, %get3A_63, %dot_general3A_64 {dimension_numbers = #tpu.dot_dimension_numbers<[1], [0], [0], [1], [0, 0, 1, 1], [], []>, transpose_lhs_hint = false} : vector<2000x256xf32>, vector<256x1xf32>, vector<2000x1xf32> -> vector<2000x1xf32>
    %get3A_66 = arith.constant 0 : index
    %get3A_67 = arith.constant 0 : index
    %get3A_68 = vector.load %arg9[%get3A_66, %get3A_67] : memref<1x1xf32, #tpu.memory_space<vmem>>, vector<1x1xf32>
    %add3A_69 = vector.broadcast %get3A_68 : vector<1x1xf32> to vector<2000x1xf32>
    %add3A_70 = arith.addf %dot_general3A_65, %add3A_69 : vector<2000x1xf32>
    %swap3A_71 = arith.constant 0 : index
    %swap3A_72 = arith.constant 0 : index
    %swap3A_73 = vector.load %arg11[%swap3A_71, %swap3A_72] : memref<2000x1xf32, #tpu.memory_space<vmem>>, vector<2000x1xf32>
    tpu.vector_store %arg11[%swap3A_71, %swap3A_72], %add3A_70 {strides = array<i32>} : memref<2000x1xf32, #tpu.memory_space<vmem>>, vector<2000x1xf32>,
    %swap3A_74 = arith.constant 0 : index
    %swap3A_75 = arith.constant 0 : index
    %swap3A_76 = vector.load %arg12[%swap3A_74, %swap3A_75] : memref<2000x1xf32, #tpu.memory_space<vmem>>, vector<2000x1xf32>
    tpu.vector_store %arg12[%swap3A_74, %swap3A_75], %div3A_12 {strides = array<i32>} : memref<2000x1xf32, #tpu.memory_space<vmem>>, vector<2000x1xf32>,
    return
  }
  func.func @transform_0(%arg0: i32) -> (i32, i32, i32) {
    %c0_i32 = arith.constant 0 : i32
    %c0_i32_0 = arith.constant 0 : i32
    %c0_i32_1 = arith.constant 0 : i32
    return %c0_i32, %arg0, %c0_i32_0 : i32, i32, i32
  }
  func.func @transform_1(%arg0: i32) -> (i32, i32, i32) {
    %c0_i32 = arith.constant 0 : i32
    %c0_i32_0 = arith.constant 0 : i32
    %c0_i32_1 = arith.constant 0 : i32
    return %c0_i32, %arg0, %c0_i32_0 : i32, i32, i32
  }
  func.func @transform_2(%arg0: i32) -> (i32, i32) {
    %c0_i32 = arith.constant 0 : i32
    %c0_i32_0 = arith.constant 0 : i32
    return %arg0, %c0_i32 : i32, i32
  }
  func.func @transform_3(%arg0: i32) -> (i32, i32) {
    %c0_i32 = arith.constant 0 : i32
    %c0_i32_0 = arith.constant 0 : i32
    %c0_i32_1 = arith.constant 0 : i32
    return %c0_i32, %c0_i32_0 : i32, i32
  }
  func.func @transform_4(%arg0: i32) -> (i32, i32) {
    %c0_i32 = arith.constant 0 : i32
    %c0_i32_0 = arith.constant 0 : i32
    %c0_i32_1 = arith.constant 0 : i32
    return %c0_i32, %c0_i32_0 : i32, i32
  }
  func.func @transform_5(%arg0: i32) -> (i32, i32) {
    %c0_i32 = arith.constant 0 : i32
    %c0_i32_0 = arith.constant 0 : i32
    %c0_i32_1 = arith.constant 0 : i32
    return %c0_i32, %c0_i32_0 : i32, i32
  }
  func.func @transform_6(%arg0: i32) -> (i32, i32) {
    %c0_i32 = arith.constant 0 : i32
    %c0_i32_0 = arith.constant 0 : i32
    %c0_i32_1 = arith.constant 0 : i32
    return %c0_i32, %c0_i32_0 : i32, i32
  }
  func.func @transform_7(%arg0: i32) -> (i32, i32) {
    %c0_i32 = arith.constant 0 : i32
    %c0_i32_0 = arith.constant 0 : i32
    %c0_i32_1 = arith.constant 0 : i32
    return %c0_i32, %c0_i32_0 : i32, i32
  }
  func.func @transform_8(%arg0: i32) -> (i32, i32) {
    %c0_i32 = arith.constant 0 : i32
    %c0_i32_0 = arith.constant 0 : i32
    %c0_i32_1 = arith.constant 0 : i32
    return %c0_i32, %c0_i32_0 : i32, i32
  }
  func.func @transform_9(%arg0: i32) -> (i32, i32) {
    %c0_i32 = arith.constant 0 : i32
    %c0_i32_0 = arith.constant 0 : i32
    return %arg0, %c0_i32 : i32, i32
  }
  func.func @transform_10(%arg0: i32) -> (i32, i32) {
    %c0_i32 = arith.constant 0 : i32
    %c0_i32_0 = arith.constant 0 : i32
    return %arg0, %c0_i32 : i32, i32
  }
  func.func @transform_11(%arg0: i32) -> (i32, i32) {
    %c0_i32 = arith.constant 0 : i32
    %c0_i32_0 = arith.constant 0 : i32
    return %arg0, %c0_i32 : i32, i32
  }
}

</mosaic_0001>

<sc_bundles>
// kernel: kernel.5.cloned.1.call-start
scs
__scs_entry_jumppad:
0x0: {  	(pc) =	sbr.rel $0x88, $3  }
0x1: {  	(tag) =	ssettag $0x0;
	lr =	simm.s32 $0x1  }
0x2: {  	[smem:$0x3F99] =	sst lr;
	_ =	strace $0xD0000000  }
0x3: {  	_ = 	snop  }
0x4: {  	_ = 	snop  }
0x5: {  	_ = 	snop  }
0x6: {  	_ = 	snop  }
0x7: {  	_ = 	snop  }
__scs_overlays_trampoline_lowered:
0x8: {  	[smem:$0x3FA8] =	sst s0  }
0x9: {  	[smem:$0x3FA9] =	sst s1  }
0xa: {  	[smem:$0x3FAA] =	sst s2  }
0xb: {  	[smem:$0x3FAB] =	sst s3  }
0xc: {  	[smem:$0x3FAC] =	sst s4  }
0xd: {  	[smem:$0x3FAD] =	sst s5  }
0xe: {  	[smem:$0x3FAE] =	sst s6  }
0xf: {  	[smem:$0x3FAF] =	sst s7  }
0x10: {  	[smem:$0x3FB0] =	sst s8  }
0x11: {  	[smem:$0x3FB1] =	sst s9;
	s0 =	simm.s32 @!p0 $0x0  }
0x12: {  	s1 =	sld [smem:$0x3F97];
	s0 =	simm.s32 @p0 $0x1  }
0x13: {  	[smem:$0x3FB2] =	sst s0;
	s0 =	simm.s32 @!p1 $0x0  }
0x14: {  	s2 =	sld [smem:$0x3F96];
	s0 =	simm.s32 @p1 $0x1  }
0x15: {  	[smem:$0x3FB3] =	sst s0;
	s0 =	simm.s32 @!p2 $0x0  }
0x16: {  	s3 =	sld [smem:$0x3FDB];
	s0 =	simm.s32 @p2 $0x1  }
0x17: {  	s4 =	simm.s32 $0x1BF5;
	[smem:$0x3FB5] =	sst s0  }
0x18: {  	s0 =	sld [smem:$0x3F98];
	_ =	swait.ge [sflag:s4], $0x0  }
0x19: {  	s7 =	sld [smem:$0x3F99]  }
0x1a: {  	s8 =	sadd.s32 $0xFFFFE003, lr  }
0x1b: {  	s9 =	sadd.s32 $0xFFFFFEF7, lr;
	s5 =	simm.s32 $0xFFFFFFFF;
	p2 =	slt.u32 s8, $0xFFFFF086  }
0x1c: {  	p1 =	slt.u32 s9, $0xF7A;
	s5 =	simm.s32 @!p2 $0x0  }
0x1d: {  	s5 =	simm.s32 @p1 $0x1;
	p0 =	seq.s32 s7, s2  }
0x1e: {  	s7 =	smul.u32 @!p0 $0xF7A, s2;
	p2 =	seq.s32 @!p0 s5, $0x0  }
0x1f: {  	s9 =	smul.u32 $0xF7A, s1;
	s8 =	simm.s32 @!p0 $0x1BF5;
	p2 =	por !p2, p0  }
0x20: {  	[sflag:s8] =	ssyncset.s32 @!p0 $0xFFFFF086;
	s6 =	sadd.s32 @!p0 s3, s7;
	s7 =	simm.s32 @!p0 $0x108  }
0x21: {  	s3 =	sadd.s32 s3, s9;
	s6 =	sadd.s32 @!p0 $0x88, s6;
	s7 =	simm.s32 @p2 $0x1082  }
0x22: {  	[simem:s7], [sflag:s8] =	dma.local @!p0 [hbm:s6], $0xF7A  }
0x23: {  	s9 =	sor.u32 $0xD0000000, s2;
	s6 =	simm.s32 $0x108;
	_ =	swait.ge @!p0 [sflag:s8], $0x0  }
0x24: {  	s3 =	sadd.s32 $0x88, s3;
	s6 =	simm.s32 @!p1 $0x1082;
	[sflag:s4] =	ssyncset.s32 $0xFFFFF086  }
0x25: {  	[simem:s6], [sflag:s4] =	dma.local [hbm:s3], $0xF7A  }
0x26: {  	[smem:$0x3F99] =	sst s1;
	(tag) =	ssettag s2;
	_ =	strace s9  }
0x27: {  	s1 =	sld [smem:$0x3FA9]  }
0x28: {  	s2 =	sld [smem:$0x3FAA]  }
0x29: {  	s4 =	sld [smem:$0x3FAC]  }
0x2a: {  	p0 =	seq.s32 s5, $0x0;
	s5 =	sld [smem:$0x3FAD]  }
0x2b: {  	s6 =	sld [smem:$0x3FAE]  }
0x2c: {  	s7 =	sld [smem:$0x3FAF]  }
0x2d: {  	s3 =	simm.s32 $0x108;
	s8 =	sld [smem:$0x3FB0]  }
0x2e: {  	s3 =	simm.s32 @!p0 $0x1082;
	s9 =	sld [smem:$0x3FB1]  }
0x2f: {  	lr =	sadd.s32 s0, s3;
	s0 =	sld [smem:$0x3FA8]  }
0x30: {  	s3 =	sld [smem:$0x3FAB]  }
0x31: {  	[smem:$0x3FB4] =	sst s10  }
0x32: {  	s10 =	sld [smem:$0x3FB2];
	_ =	sdelay $0x3  }
0x33: {  	p0 =	seq.s32 s10, $0x1;
	s10 =	sld [smem:$0x3FB4];
	_ =	sdelay $0x3  }
0x34: {  	[smem:$0x3FB4] =	sst s10  }
0x35: {  	s10 =	sld [smem:$0x3FB3];
	_ =	sdelay $0x3  }
0x36: {  	p1 =	seq.s32 s10, $0x1;
	s10 =	sld [smem:$0x3FB4];
	_ =	sdelay $0x3  }
0x37: {  	[smem:$0x3FB4] =	sst s10  }
0x38: {  	s10 =	sld [smem:$0x3FB5]  }
0x39: {  	_ = 	snop;
	(pc) =	sbr.ind lr, $3  }
0x3a: {  	_ = 	snop  }
0x3b: {  	_ = 	snop  }
0x3c: {  	p2 =	seq.s32 s10, $0x1;
	s10 =	sld [smem:$0x3FB4]  }
0x3d: {  	_ =	shalt  }
0x3e: {  	_ =	shalt  }
0x3f: {  	_ =	shalt  }
0x40: {  	_ =	shalt  }
0x41: {  	_ =	shalt  }
0x42: {  	_ =	shalt  }
0x43: {  	_ =	shalt  }
0x44: {  	_ =	shalt  }
0x45: {  	_ =	shalt  }
0x46: {  	_ =	shalt  }
0x47: {  	_ =	shalt  }
0x48: {  	_ =	shalt  }
0x49: {  	_ =	shalt  }
0x4a: {  	_ =	shalt  }
0x4b: {  	_ =	shalt  }
0x4c: {  	_ =	shalt  }
0x4d: {  	_ =	shalt  }
0x4e: {  	_ =	shalt  }
0x4f: {  	_ =	shalt  }
0x50: {  	_ =	shalt  }
0x51: {  	_ =	shalt  }
0x52: {  	_ =	shalt  }
0x53: {  	_ =	shalt  }
0x54: {  	_ =	shalt  }
0x55: {  	_ =	shalt  }
0x56: {  	_ =	shalt  }
0x57: {  	_ =	shalt  }
0x58: {  	_ =	shalt  }
0x59: {  	_ =	shalt  }
0x5a: {  	_ =	shalt  }
0x5b: {  	_ =	shalt  }
0x5c: {  	_ =	shalt  }
0x5d: {  	_ =	shalt  }
0x5e: {  	_ =	shalt  }
0x5f: {  	_ =	shalt  }
0x60: {  	_ =	shalt  }
0x61: {  	_ =	shalt  }
0x62: {  	_ =	shalt  }
0x63: {  	_ =	shalt  }
0x64: {  	_ =	shalt  }
0x65: {  	_ =	shalt  }
0x66: {  	_ =	shalt  }
0x67: {  	_ =	shalt  }
0x68: {  	_ =	shalt  }
0x69: {  	_ =	shalt  }
0x6a: {  	_ =	shalt  }
0x6b: {  	_ =	shalt  }
0x6c: {  	_ =	shalt  }
0x6d: {  	_ =	shalt  }
0x6e: {  	_ =	shalt  }
0x6f: {  	_ =	shalt  }
0x70: {  	_ =	shalt  }
0x71: {  	_ =	shalt  }
0x72: {  	_ =	shalt  }
0x73: {  	_ =	shalt  }
0x74: {  	_ =	shalt  }
0x75: {  	_ =	shalt  }
0x76: {  	_ =	shalt  }
0x77: {  	_ =	shalt  }
0x78: {  	_ =	shalt  }
0x79: {  	_ =	shalt  }
0x7a: {  	_ =	shalt  }
0x7b: {  	_ =	shalt  }
0x7c: {  	_ =	shalt  }
0x7d: {  	_ =	shalt  }
0x7e: {  	_ =	shalt  }
0x7f: {  	_ =	shalt  }
0x80: {  	_ =	shalt  }
0x81: {  	_ =	shalt  }
0x82: {  	_ =	shalt  }
0x83: {  	_ =	shalt  }
0x84: {  	_ =	shalt  }
0x85: {  	_ =	shalt  }
0x86: {  	_ =	shalt  }
0x87: {  	_ =	shalt  }
.Lfunc_end0:
.L_simem_size_0:
called_computation_lowered:
.L_overlay_start_0:
0x88: {  	s2 =	sld [smem:$0x3FD9]  }
0x89: {  	s3 =	sld [smem:$0x3FFE];
	_ =	sdelay $0x1  }
0x8a: {  	s1 =	srdreg.scid  }
0x8b: {  	s0 =	sand.u32 $0x1, s1  }
0x8c: {  	s16 =	sshll.u32 s0, $0xA;
	s2 =	sadd.s32 s3, s2  }
0x8d: {  	s2 =	sadd.s32 s2, s16  }
0x8e: {  	[smem:$0x3FC0] =	sst s2  }
0x8f: {  	_ = 	snop  }
0x90: {  	(tm) =	ssettm $0x1  }
0x91: {  	s17 =	sld [smem:$0x3FFB];
	_ =	sdelay $0x3  }
0x92: {  	_ =	strace s17  }
0x93: {  	s2 =	sld [smem:$0x3FFC];
	_ =	sdelay $0x3  }
0x94: {  	_ =	strace s2  }
0x95: {  	s2 =	sld [smem:$0x3FFD];
	_ =	sdelay $0x3  }
0x96: {  	_ =	strace s2  }
0x97: {  	_ =	strace $0x8FFFFFFF  }
0x98: {  	s18 =	sld [smem:$0x3FDB];
	_ =	sdelay $0x1  }
0x99: {  	s19 =	simm.s32 $_scs_section_size  }
0x9a: {  	s4 =	simm.s32 $_size__tile_overlayer_lowered;
	s5 =	simm.s32 $_tile_overlayer_lowered  }
0x9b: {  	s22 =	simm.s32 $0x1BFF;
	s21 =	sshll.u32 s5, $0x1;
	s2 =	sadd.s32 s19, s18  }
0x9c: {  	s6 =	simm.s32 $0x0;
	s20 =	sshll.u32 s4, $0x1;
	s4 =	sadd.s32 s21, s2  }
0x9d: {  	[timem:s6], [sflag:s22] =	dma.local [hbm:s4], s20  }
0x9e: {  	_ =	swait.ge [sflag:s22], s20  }
0x9f: {  	s3 =	ssub.s32 $0x0, s20;
	[sflag:s22] =	ssyncset.done $0x0  }
0xa0: {  	[sflag:s22] =	ssyncadd.s32 s3;
	_ =	sdelay $0x1  }
0xa1: {  	s23 =	simm.s32 $0x1B8B  }
0xa2: {  	_ =	swait.ge [sflag:s23], $0x1  }
0xa3: {  	[sflag:s23] =	ssyncset.done $0x0  }
0xa4: {  	s25 =	simm.s32 $0x1B8E;
	s24 =	sld [smem:$0x3FFE];
	[sflag:s23] =	ssyncadd.s32 $0xFFFFFFFF  }
0xa5: {  	s26 =	simm.s32 $execute0_lowered;
	[smem:$0x3FD2] =	sst s25  }
0xa6: {  	s4 =	sshll.u32 s26, $0x1;
	_ =	strace $0x80000046;
	[dreg:$0x1] =	wrdreg $0xFFFFFFFF  }
0xa7: {  	s28 =	simm.s32 $_size_execute0_lowered;
	s2 =	sadd.s32 s2, s4;
	[dreg:$0x0] =	wrdreg $0x0  }
0xa8: {  	s4 =	sshll.u32 s28, $0x1;
	[dreg:$0x2] =	wrdreg s2  }
0xa9: {  	[dreg:$0x3] =	wrdreg s4  }
0xaa: {  	[dreg:$0x4] =	wrdreg $0xC0  }
0xab: {  	_ =	task [dreg:s6], $0x5FFFF  }
0xac: {  	[dreg:$0x1] =	wrdreg $0xFFFFFFFF  }
0xad: {  	[dreg:$0x0] =	wrdreg $0x60  }
0xae: {  	[dreg:$0x2] =	wrdreg s24  }
0xaf: {  	[dreg:$0x3] =	wrdreg $0x153000  }
0xb0: {  	[dreg:$0x4] =	wrdreg $0x1F3000  }
0xb1: {  	[dreg:$0x5] =	wrdreg $0x9  }
0xb2: {  	_ =	task.clear_ibuf [dreg:s6], $0x6FFFF;
	_ =	strace $0x90000046  }
0xb3: {  	s29 =	simm.s32 $0x9;
	_ =	strace $0x80000048  }
0xb4: {  	_ =	swait.ge [sflag:s29], $0x1  }
0xb5: {  	[sflag:s29] =	ssyncadd.s32 $0xFFFFFFFF  }
0xb6: {  	_ =	strace $0x90000048  }
0xb7: {  	_ =	sfence  }
0xb8: {  	s30 =	sld [smem:$0x0];
	_ =	sdelay $0x2  }
0xb9: {  	s31 =	sshll.u32 s1, $0xD;
	s1 =	sshrl.u32 s1, $0x2  }
0xba: {  	s3 =	sand.u32 $0x4000, s31;
	s1 =	sadd.s32 s1, s30  }
0xbb: {  	s0 =	sor.u32 s3, s0;
	s1 =	sshll.u32 s1, $0x11  }
0xbc: {  	s0 =	sor.u32 s1, s0  }
0xbd: {  	s0 =	sadd.s32 $0x8F2B, s0  }
0xbe: {  	[sflag:s0] =	ssyncadd.remote.s32 $0x1  }
0xbf: {  	_ =	sfence.sel $0xFFFF  }
0xc0: {  	[dreg:$0x0] =	wrdreg $0xFFFFFFFF;
	(pc) =	sbr.abs _section_cstart, $3  }
0xc1: {  	[dreg:$0x1] =	wrdreg $0xFFFFFFFF  }
0xc2: {  	_ =	task.clear_ibuf [dreg:s6], $0x2FFFF;
	_ =	strace $0x9FFFFFFF  }
0xc3: {  	(tm) =	ssettm $0x7FFFFFFF  }
tec
execute0_lowered:
.L_overlay_start_1:
0x0: {  	(tag) =	ssettag $0x1  }
0x1: {  	s1 =	rddreg [dreg:$0x0];
	s11 =	stileid.u32  }
0x2: {  	s2 =	srdreg.scid;
	s3 =	rddreg [dreg:$0x1]  }
0x3: {  	s4 =	rddreg [dreg:$0x2];
	s0 =	smul.u32 $0x500, s11  }
0x4: {  	s8 =	simm.s32 $0x0;
	s24 =	simm.s32 $0xD000;
	s5 =	smul.u32 $0x14000, s11  }
0x5: {  	s25 =	simm.s32 $0x11000;
	s28 =	simm.s32 $0xB000;
	s7 =	smul.u32 $0x280, s11  }
0x6: {  	s29 =	simm.s32 $0x1;
	s2 =	sand.u32 $0x1, s2;
	s11 =	smul.u32 $0x28000, s11  }
0x7: {  	s30 =	simm.s32 $0x13000;
	[smem:$0x7FF] =	sst s8;
	s6 =	smul.u32 $0x140000, s2  }
0x8: {  	s31 =	simm.s32 $0x2;
	s26 =	smul.u32 $0x2800, s2;
	_ =	strace $0x80000047  }
0x9: {  	s9 =	ssub.s32 $0x2, s2;
	s17 =	smul.u32 $0x5000, s2;
	[dreg:$0x4] =	wrdreg s24  }
0xa: {  	s19 =	smul.u32 $0x2710, s2;
	[dreg:$0x5] =	wrdreg s25;
	s25 =	simm.s32 $0x9000  }
0xb: {  	s2 =	simm.s32 $0x15280;
	s0 =	sadd.s32 s0, s1;
	s10 =	sshrl.u32 s9, $0x1  }
0xc: {  	s6 =	sadd.s32 s5, s6;
	s8 =	sadd.s32 s7, s26;
	s16 =	ssub.s32 s9, s10  }
0xd: {  	s9 =	sadd.s32 $0x2C200, s0;
	s5 =	sshrl.u32 s5, $0x1;
	s10 =	sshrl.u32 s11, $0x2  }
0xe: {  	s0 =	sadd.s32 $0x27200, s0;
	s7 =	sadd.s32 s7, s4;
	[dreg:$0x7] =	wrdreg s9  }
0xf: {  	s21 =	sshrl.u32 s17, $0x2;
	s26 =	simm.s32 $0xF000;
	[dreg:$0x8] =	wrdreg s0  }
0x10: {  	v0 =	vmov s19;
	s19 =	simm.s32 $0x0;
	s6 =	sshrl.u32 s6, $0x4;
	[dreg:$0x6] =	wrdreg s26  }
0x11: {  	s11 =	sadd.s32 s10, s3;
	s23 =	smax.u32 s16, $0x1;
	[dreg:$0xd] =	wrdreg s7  }
0x12: {  	s8 =	sshrl.u32 s8, $0x3;
	s12 =	sadd.s32 $0x2000, s11;
	[dreg:$0x10] =	wrdreg s23  }
0x13: {  	s13 =	sadd.s32 s5, s3;
	s14 =	sadd.s32 $0x4000, s11;
	[dreg:$0x9] =	wrdreg s12  }
0x14: {  	s17 =	sadd.s32 $0x2800, s21;
	s18 =	sadd.s32 $0x6000, s11;
	[dreg:$0xa] =	wrdreg s14  }
0x15: {  	s6 =	sadd.s32 s6, s1;
	s0 =	sadd.s32 $0x8000, s11;
	[dreg:$0xb] =	wrdreg s18  }
0x16: {  	s15 =	sadd.s32 s8, s1;
	[dreg:$0xc] =	wrdreg s0;
	s20 =	sadd.s32 $0x31200, s6  }
0x17: {  	s22 =	sadd.s32 $0x59200, s15;
	s18 =	simm.s32 $0x3;
	[dreg:$0xe] =	wrdreg s20  }
0x18: {  	v1 =	vimm.bf16 $0.0e+00;
	v2 =	vimm.f32 $0.0e+00;
	v3 =	vimm.f32 $1.000000000e+00;
	[dreg:$0xf] =	wrdreg s22;
	s20 =	simm.s32 $0x5000;
	s22 =	simm.s32 $0x80  }
.LBB2_1:
0x19: {  	s0 =	simm.s32 $0x0;
	s5 =	rddreg [dreg:$0x7]  }
0x1a: {  	[tilespmem:s0], [sflag:$0x3] =	stream.linear.gather [hbm4b:s5+s0], $0x2800, $0x38;
	[tilespmem:$0x1F580] =	vst v63  }
0x1b: {  	_ =	swait.ge [sflag:s18], $0x2800  }
0x1c: {  	[sflag:s18] =	ssyncset.done $0x0  }
0x1d: {  	s6 =	simm.s32 $0x2800;
	s26 =	rddreg [dreg:$0x8];
	[sflag:s18] =	ssyncadd.s32 $0xFFFFD800  }
0x1e: {  	[tilespmem:s6], [sflag:$0x3] =	stream.linear.gather [hbm4b:s26+s0], $0x2800, $0x38;
	[tilespmem:$0x1F580] =	vst v63  }
0x1f: {  	_ =	swait.ge [sflag:s18], $0x2800  }
0x20: {  	[sflag:s18] =	ssyncset.done $0x0  }
0x21: {  	s5 =	simm.s32 $0x100;
	s0 =	simm.s32 $0x0;
	[sflag:s18] =	ssyncadd.s32 $0xFFFFD800  }
.LBB2_2:
0x22: {  	p0 =	sne.s32 s5, $0x7F00;
	[tilespmem:s0+$0x5030] =	vst v1;
	s6 =	smov.u32 s5;
	s5 =	sadd.s32 $0x100, s5  }
.Ltmp0:
0x23: {  	[tilespmem:s0+$0x5020] =	vst v1;
	(pc) =	sbr.rel @p0 .LBB2_2-.Ltmp0, $3  }
0x24: {  	[tilespmem:s0+$0x5000] =	vst v1  }
0x25: {  	[tilespmem:s0+$0x5010] =	vst v1;
	_ =	sdelay $0x1  }
0x26: {  	s0 =	sshra.s32 s6, $0x2  }
0x27: {  	[tilespmem:s0+$0x5030] =	vst v1  }
0x28: {  	[tilespmem:s0+$0x5020] =	vst v1  }
0x29: {  	[tilespmem:s0+$0x5000] =	vst v1  }
0x2a: {  	[tilespmem:s0+$0x5010] =	vst v1  }
0x2b: {  	[tilespmem:$0x15000] =	vst v2  }
0x2c: {  	[tilespmem:$0x15010] =	vst v2  }
0x2d: {  	[tilespmem:$0x15020] =	vst v2  }
0x2e: {  	[tilespmem:$0x15030] =	vst v2  }
0x2f: {  	[tilespmem:$0x15040] =	vst v2  }
0x30: {  	[tilespmem:$0x15050] =	vst v2  }
0x31: {  	[tilespmem:$0x15060] =	vst v2  }
0x32: {  	[tilespmem:$0x15070] =	vst v2  }
0x33: {  	[tilespmem:$0x15080] =	vst v2  }
0x34: {  	[tilespmem:$0x15090] =	vst v2  }
0x35: {  	[tilespmem:$0x150A0] =	vst v2  }
0x36: {  	[tilespmem:$0x150B0] =	vst v2  }
0x37: {  	[tilespmem:$0x150C0] =	vst v2  }
0x38: {  	[tilespmem:$0x150D0] =	vst v2  }
0x39: {  	[tilespmem:$0x150E0] =	vst v2  }
0x3a: {  	[tilespmem:$0x150F0] =	vst v2  }
0x3b: {  	[tilespmem:$0x15100] =	vst v2  }
0x3c: {  	[tilespmem:$0x15110] =	vst v2  }
0x3d: {  	[tilespmem:$0x15120] =	vst v2  }
0x3e: {  	[tilespmem:$0x15130] =	vst v2  }
0x3f: {  	[tilespmem:$0x15140] =	vst v2  }
0x40: {  	[tilespmem:$0x15150] =	vst v2  }
0x41: {  	[tilespmem:$0x15160] =	vst v2  }
0x42: {  	[tilespmem:$0x15170] =	vst v2  }
0x43: {  	[tilespmem:$0x15180] =	vst v2  }
0x44: {  	[tilespmem:$0x15190] =	vst v2  }
0x45: {  	[tilespmem:$0x151A0] =	vst v2  }
0x46: {  	[tilespmem:$0x151B0] =	vst v2  }
0x47: {  	[tilespmem:$0x151C0] =	vst v2  }
0x48: {  	[tilespmem:$0x151D0] =	vst v2  }
0x49: {  	[tilespmem:$0x151E0] =	vst v2  }
0x4a: {  	[tilespmem:$0x151F0] =	vst v2  }
0x4b: {  	[tilespmem:$0x15200] =	vst v2  }
0x4c: {  	[tilespmem:$0x15210] =	vst v2  }
0x4d: {  	[tilespmem:$0x15220] =	vst v2  }
0x4e: {  	[tilespmem:$0x15230] =	vst v2  }
0x4f: {  	[tilespmem:$0x15240] =	vst v2  }
0x50: {  	[tilespmem:$0x15250] =	vst v2  }
0x51: {  	[tilespmem:$0x15260] =	vst v2  }
0x52: {  	[tilespmem:$0x15270] =	vst v2  }
0x53: {  	[tilespmem:$0x15280] =	vst v3  }
0x54: {  	[tilespmem:$0x15290] =	vst v3  }
0x55: {  	[tilespmem:$0x152A0] =	vst v3  }
0x56: {  	[tilespmem:$0x152B0] =	vst v3  }
0x57: {  	[tilespmem:$0x152C0] =	vst v3  }
0x58: {  	[tilespmem:$0x152D0] =	vst v3  }
0x59: {  	[tilespmem:$0x152E0] =	vst v3  }
0x5a: {  	[tilespmem:$0x152F0] =	vst v3  }
0x5b: {  	[spmem:s13] =	stream.linear.scatter [tilespmem:s20], [sflag:$0x3], $0x2000, $0x38;
	[tilespmem:$0x1F580] =	vst v63  }
0x5c: {  	_ =	swait.ge [sflag:s18], $0x2000  }
0x5d: {  	[sflag:s18] =	ssyncset.done $0x0  }
0x5e: {  	s16 =	rddreg [dreg:$0x9];
	[sflag:s18] =	ssyncadd.s32 $0xFFFFE000  }
0x5f: {  	[spmem:s16] =	stream.linear.scatter [tilespmem:s20], [sflag:$0x3], $0x2000, $0x38;
	[tilespmem:$0x1F580] =	vst v63  }
0x60: {  	_ =	swait.ge [sflag:s18], $0x2000  }
0x61: {  	[sflag:s18] =	ssyncset.done $0x0  }
0x62: {  	s21 =	rddreg [dreg:$0xa];
	[sflag:s18] =	ssyncadd.s32 $0xFFFFE000  }
0x63: {  	[spmem:s21] =	stream.linear.scatter [tilespmem:s20], [sflag:$0x3], $0x2000, $0x38;
	[tilespmem:$0x1F580] =	vst v63  }
0x64: {  	_ =	swait.ge [sflag:s18], $0x2000  }
0x65: {  	[sflag:s18] =	ssyncset.done $0x0  }
0x66: {  	s23 =	rddreg [dreg:$0xb];
	[sflag:s18] =	ssyncadd.s32 $0xFFFFE000  }
0x67: {  	[spmem:s23] =	stream.linear.scatter [tilespmem:s20], [sflag:$0x3], $0x2000, $0x38;
	[tilespmem:$0x1F580] =	vst v63  }
0x68: {  	_ =	swait.ge [sflag:s18], $0x2000  }
0x69: {  	[sflag:s18] =	ssyncset.done $0x0  }
0x6a: {  	s24 =	rddreg [dreg:$0xc];
	[sflag:s18] =	ssyncadd.s32 $0xFFFFE000  }
0x6b: {  	[spmem:s24] =	stream.linear.scatter [tilespmem:s20], [sflag:$0x3], $0x2000, $0x38;
	[tilespmem:$0x1F580] =	vst v63  }
0x6c: {  	_ =	swait.ge [sflag:s18], $0x2000  }
0x6d: {  	[sflag:s18] =	ssyncset.done $0x0  }
0x6e: {  	s26 =	simm.s32 $0x15000;
	[sflag:s18] =	ssyncadd.s32 $0xFFFFE000  }
0x6f: {  	[spmem:s7] =	stream.linear.scatter [tilespmem:s26], [sflag:$0x3], $0x280, $0x38;
	[tilespmem:$0x1F580] =	vst v63  }
0x70: {  	_ =	swait.ge [sflag:s18], $0x280  }
0x71: {  	[sflag:s18] =	ssyncset.done $0x0  }
0x72: {  	s0 =	simm.s32 $0x70;
	[sflag:s18] =	ssyncadd.s32 $0xFFFFFD80  }
0x73: {  	v6 =	vld [tilespmem:s0+$0xFFFFFF90]  }
0x74: {  	v8 =	vld [tilespmem:s0+$0xFFFFFFA0]  }
0x75: {  	v7 =	vld [tilespmem:s0+$0xFFFFFFB0]  }
0x76: {  	v5 =	vld [tilespmem:s0+$0xFFFFFFC0]  }
0x77: {  	v4 =	vld [tilespmem:s0+$0xFFFFFFD0]  }
0x78: {  	s5 =	simm.s32 $0x3C0;
	v9 =	vadd.s32 v0, v6;
	v6 =	vld [tilespmem:s0+$0xFFFFFFE0]  }
.LBB2_4:
0x79: {  	p0 =	sne.s32 s5, $0x9FC0;
	[tilespmem:s0+$0xFFFFFF90] =	vst v9;
	v8 =	vadd.s32 v0, v8;
	v9 =	vld [tilespmem:s0+$0x0]  }
0x7a: {  	s6 =	sshra.s32 s5, $0x2;
	[tilespmem:s0+$0xFFFFFFA0] =	vst v8;
	v7 =	vadd.s32 v0, v7;
	v10 =	vld [tilespmem:s0+$0xFFFFFFF0]  }
0x7b: {  	v11 =	vld [tilespmem:s6+$0xFFFFFF90];
	[tilespmem:s0+$0xFFFFFFB0] =	vst v7;
	v5 =	vadd.s32 v0, v5  }
.Ltmp1:
0x7c: {  	v8 =	vld [tilespmem:s6+$0xFFFFFFA0];
	[tilespmem:s0+$0xFFFFFFC0] =	vst v5;
	v4 =	vadd.s32 v0, v4;
	(pc) =	sbr.rel @p0 .LBB2_4-.Ltmp1, $4  }
0x7d: {  	v7 =	vld [tilespmem:s6+$0xFFFFFFB0];
	[tilespmem:s0+$0xFFFFFFD0] =	vst v4;
	v4 =	vadd.s32 v0, v6  }
0x7e: {  	v5 =	vld [tilespmem:s6+$0xFFFFFFC0];
	[tilespmem:s0+$0xFFFFFFE0] =	vst v4;
	v6 =	vadd.s32 v0, v9  }
0x7f: {  	v4 =	vld [tilespmem:s6+$0xFFFFFFD0];
	v10 =	vadd.s32 v0, v10;
	[tilespmem:s0+$0x0] =	vst v6  }
0x80: {  	s5 =	sadd.s32 $0x200, s5;
	v9 =	vadd.s32 v0, v11;
	v6 =	vld [tilespmem:s6+$0xFFFFFFE0];
	[tilespmem:s0+$0xFFFFFFF0] =	vst v10;
	s0 =	smov.u32 s6  }
0x81: {  	[tilespmem:s0+$0xFFFFFF90] =	vst v9;
	v8 =	vadd.s32 v0, v8;
	v62 =	vld [tilespmem:s0+$0x0]  }
0x82: {  	v63 =	vld [tilespmem:s0+$0xFFFFFFF0];
	[tilespmem:s0+$0xFFFFFFA0] =	vst v8;
	v7 =	vadd.s32 v0, v7  }
0x83: {  	[tilespmem:s0+$0xFFFFFFB0] =	vst v7;
	v5 =	vadd.s32 v0, v5  }
0x84: {  	[tilespmem:s0+$0xFFFFFFC0] =	vst v5;
	v4 =	vadd.s32 v0, v4  }
0x85: {  	[tilespmem:s0+$0xFFFFFFD0] =	vst v4;
	v4 =	vadd.s32 v0, v6  }
0x86: {  	[tilespmem:s0+$0xFFFFFFE0] =	vst v4;
	v4 =	vadd.s32 v0, v62  }
0x87: {  	v5 =	vadd.s32 v0, v63;
	[tilespmem:s0+$0x0] =	vst v4  }
0x88: {  	[tilespmem:s0+$0xFFFFFFF0] =	vst v5  }
0x89: {  	s7 =	simm.s32 $0x0;
	[bflag:$0x0] =	sbarrier.arrive $0xFFFF  }
0x8a: {  	[tilespmem:s20], [sflag:$0x1] =	stream.indirect.gather [hbm4b:s1+s22], $0x40, s7, s22, $0xb8;
	[tilespmem:$0x1F580] =	vst v63  }
0x8b: {  	s8 =	simm.s32 $0x7000  }
0x8c: {  	[tilespmem:s8], [sflag:$0x1] =	stream.indirect.gather [hbm4b:s1+s22], $0x40, s22, s22, $0xb8;
	[tilespmem:$0x1F580] =	vst v63  }
0x8d: {  	s9 =	simm.s32 $0x100;
	p0 =	por $0x1, $0x1  }
0x8e: {  	[tilespmem:s25], [sflag:$0x1] =	stream.indirect.gather [hbm4b:s1+s22], $0x40, s9, s22, $0xb8;
	[tilespmem:$0x1F580] =	vst v63  }
0x8f: {  	s10 =	simm.s32 $0x180;
	s0 =	simm.s32 @!p0 $0x2  }
0x90: {  	[tilespmem:s28], [sflag:$0x1] =	stream.indirect.gather [hbm4b:s1+s22], $0x40, s10, s22, $0xb8;
	[tilespmem:$0x1F580] =	vst v63  }
0x91: {  	_ =	swait.ge @!p0 [sflag:s0], $0x2000  }
0x92: {  	[sflag:s0] =	ssyncset.done @!p0 $0x0  }
0x93: {  	s6 =	simm.s32 $0x200;
	s5 =	rddreg [dreg:$0x4];
	[sflag:s0] =	ssyncadd.s32 @!p0 $0xFFFFE000  }
0x94: {  	[tilespmem:s5], [sflag:$0x1] =	stream.indirect.gather [hbm4b:s1+s22], $0x40, s6, s22, $0xb8;
	[tilespmem:$0x1F580] =	vst v63  }
0x95: {  	_ =	swait.ge [sflag:s29], $0x2000  }
0x96: {  	[sflag:s29] =	ssyncset.done $0x0  }
0x97: {  	s11 =	simm.s32 $0x2800;
	s21 =	simm.s32 @p0 $0x80;
	[sflag:s29] =	ssyncadd.s32 $0xFFFFE000  }
0x98: {  	[spmem:s3] =	stream.indirect.scatter.add.bf16 [tilespmem:s20], [sflag:$0x2], $0x40, s11, s22, $0xb8;
	[tilespmem:$0x1F580] =	vst v63  }
0x99: {  	s7 =	simm.s32 @p0 $0x280;
	s6 =	simm.s32 @p0 $0x1;
	s5 =	simm.s32 @p0 $0xF000  }
0x9a: {  	[tilespmem:s5], [sflag:$0x1] =	stream.indirect.gather @p0 [hbm4b:s1+s21], $0x40, s7, s21, $0xb8;
	[tilespmem:$0x1F580] =	vst v63  }
0x9b: {  	_ =	swait.ge @p0 [sflag:s6], $0x2000  }
0x9c: {  	[sflag:s6] =	ssyncset.done @p0 $0x0  }
0x9d: {  	s5 =	simm.s32 @p0 $0x2880;
	s7 =	simm.s32 @p0 $0x7000;
	[sflag:s6] =	ssyncadd.s32 @p0 $0xFFFFE000  }
0x9e: {  	[spmem:s3] =	stream.indirect.scatter.add.bf16 @p0 [tilespmem:s7], [sflag:$0x2], $0x40, s5, s21, $0xb8;
	[tilespmem:$0x1F580] =	vst v63  }
0x9f: {  	_ =	swait.ge @!p0 [sflag:s0], $0x2000  }
0xa0: {  	s6 =	simm.s32 @!p0 $0x280;
	s5 =	simm.s32 @!p0 $0xF000;
	[sflag:s0] =	ssyncset.done @!p0 $0x0  }
0xa1: {  	s7 =	simm.s32 @!p0 $0x80;
	s21 =	simm.s32 @!p0 $0x1;
	[sflag:s0] =	ssyncadd.s32 @!p0 $0xFFFFE000  }
0xa2: {  	[tilespmem:s5], [sflag:$0x1] =	stream.indirect.gather @!p0 [hbm4b:s1+s7], $0x40, s6, s7, $0xb8;
	[tilespmem:$0x1F580] =	vst v63  }
0xa3: {  	_ =	swait.ge @!p0 [sflag:s21], $0x2000  }
0xa4: {  	[sflag:s21] =	ssyncset.done @!p0 $0x0  }
0xa5: {  	s5 =	simm.s32 @!p0 $0x2880;
	s6 =	simm.s32 @!p0 $0x7000;
	[sflag:s21] =	ssyncadd.s32 @!p0 $0xFFFFE000  }
0xa6: {  	[spmem:s3] =	stream.indirect.scatter.add.bf16 @!p0 [tilespmem:s6], [sflag:$0x2], $0x40, s5, s7, $0xb8;
	[tilespmem:$0x1F580] =	vst v63  }
0xa7: {  	_ =	swait.ge @!p0 [sflag:s0], $0x2000  }
0xa8: {  	[sflag:s0] =	ssyncset.done @!p0 $0x0  }
0xa9: {  	s14 =	simm.s32 $0x300;
	s12 =	rddreg [dreg:$0x5];
	[sflag:s0] =	ssyncadd.s32 @!p0 $0xFFFFE000  }
0xaa: {  	[tilespmem:s12], [sflag:$0x1] =	stream.indirect.gather [hbm4b:s1+s22], $0x40, s14, s22, $0xb8;
	[tilespmem:$0x1F580] =	vst v63  }
0xab: {  	_ =	swait.ge [sflag:s29], $0x2000  }
0xac: {  	[sflag:s29] =	ssyncset.done $0x0  }
0xad: {  	s15 =	simm.s32 $0x2900;
	[sflag:s29] =	ssyncadd.s32 $0xFFFFE000  }
0xae: {  	[spmem:s3] =	stream.indirect.scatter.add.bf16 [tilespmem:s25], [sflag:$0x2], $0x40, s15, s22, $0xb8;
	[tilespmem:$0x1F580] =	vst v63  }
0xaf: {  	_ =	swait.ge @!p0 [sflag:s0], $0x2000  }
0xb0: {  	[sflag:s0] =	ssyncset.done @!p0 $0x0  }
0xb1: {  	s16 =	simm.s32 $0x380;
	[sflag:s0] =	ssyncadd.s32 @!p0 $0xFFFFE000  }
0xb2: {  	[tilespmem:s30], [sflag:$0x1] =	stream.indirect.gather [hbm4b:s1+s22], $0x40, s16, s22, $0xb8;
	[tilespmem:$0x1F580] =	vst v63  }
0xb3: {  	_ =	swait.ge [sflag:s29], $0x2000  }
0xb4: {  	p0 =	por $0x0, $0x0;
	[sflag:s29] =	ssyncset.done $0x0  }
0xb5: {  	s21 =	simm.s32 $0x2980;
	s5 =	simm.s32 @p0 $0x1;
	[sflag:s29] =	ssyncadd.s32 $0xFFFFE000  }
0xb6: {  	[spmem:s3] =	stream.indirect.scatter.add.bf16 [tilespmem:s28], [sflag:$0x2], $0x40, s21, s22, $0xb8;
	[tilespmem:$0x1F580] =	vst v63  }
0xb7: {  	_ =	swait.ge @p0 [sflag:s5], $0x2000  }
0xb8: {  	s0 =	simm.s32 @p0 $0x2A00;
	s6 =	simm.s32 @p0 $0x80;
	[sflag:s5] =	ssyncset.done @p0 $0x0  }
0xb9: {  	s7 =	simm.s32 @p0 $0xD000;
	s21 =	simm.s32 @!p0 $0x2;
	[sflag:s5] =	ssyncadd.s32 @p0 $0xFFFFE000  }
0xba: {  	[spmem:s3] =	stream.indirect.scatter.add.bf16 @p0 [tilespmem:s7], [sflag:$0x2], $0x40, s0, s6, $0xb8;
	[tilespmem:$0x1F580] =	vst v63  }
0xbb: {  	_ =	swait.ge @!p0 [sflag:s21], $0x2000  }
0xbc: {  	s23 =	simm.s32 @!p0 $0x5000;
	s24 =	simm.s32 @!p0 $0x1;
	[sflag:s21] =	ssyncset.done @!p0 $0x0  }
0xbd: {  	s0 =	simm.s32 @!p0 $0x400;
	s7 =	simm.s32 @!p0 $0x80;
	[sflag:s21] =	ssyncadd.s32 @!p0 $0xFFFFE000  }
0xbe: {  	[tilespmem:s23], [sflag:$0x1] =	stream.indirect.gather @!p0 [hbm4b:s1+s7], $0x40, s0, s7, $0xb8;
	[tilespmem:$0x1F580] =	vst v63  }
0xbf: {  	_ =	swait.ge @!p0 [sflag:s24], $0x2000  }
0xc0: {  	[sflag:s24] =	ssyncset.done @!p0 $0x0  }
0xc1: {  	s0 =	simm.s32 @!p0 $0x2A00;
	s23 =	simm.s32 @!p0 $0xD000;
	[sflag:s24] =	ssyncadd.s32 @!p0 $0xFFFFE000  }
0xc2: {  	[spmem:s3] =	stream.indirect.scatter.add.bf16 @!p0 [tilespmem:s23], [sflag:$0x2], $0x40, s0, s7, $0xb8;
	[tilespmem:$0x1F580] =	vst v63  }
0xc3: {  	_ =	swait.ge @!p0 [sflag:s21], $0x2000  }
0xc4: {  	[sflag:s21] =	ssyncset.done @!p0 $0x0  }
0xc5: {  	s0 =	simm.s32 @!p0 $0x480;
	s23 =	simm.s32 @!p0 $0x7000;
	[sflag:s21] =	ssyncadd.s32 @!p0 $0xFFFFE000  }
0xc6: {  	[tilespmem:s23], [sflag:$0x1] =	stream.indirect.gather @!p0 [hbm4b:s1+s7], $0x40, s0, s7, $0xb8;
	[tilespmem:$0x1F580] =	vst v63  }
0xc7: {  	_ =	swait.ge [sflag:s29], $0x2000  }
0xc8: {  	[sflag:s29] =	ssyncset.done $0x0  }
0xc9: {  	s26 =	simm.s32 $0x2A80;
	s23 =	rddreg [dreg:$0x6];
	[sflag:s29] =	ssyncadd.s32 $0xFFFFE000  }
0xca: {  	[spmem:s3] =	stream.indirect.scatter.add.bf16 [tilespmem:s23], [sflag:$0x2], $0x40, s26, s22, $0xb8;
	[tilespmem:$0x1F580] =	vst v63  }
0xcb: {  	_ =	swait.ge @p0 [sflag:s5], $0x2000  }
0xcc: {  	[sflag:s5] =	ssyncset.done @p0 $0x0  }
0xcd: {  	s0 =	simm.s32 @p0 $0x2B00;
	s23 =	simm.s32 @p0 $0x11000;
	[sflag:s5] =	ssyncadd.s32 @p0 $0xFFFFE000  }
0xce: {  	[spmem:s3] =	stream.indirect.scatter.add.bf16 @p0 [tilespmem:s23], [sflag:$0x2], $0x40, s0, s6, $0xb8;
	[tilespmem:$0x1F580] =	vst v63  }
0xcf: {  	_ =	swait.ge @!p0 [sflag:s21], $0x2000  }
0xd0: {  	[sflag:s21] =	ssyncset.done @!p0 $0x0  }
0xd1: {  	s5 =	simm.s32 @!p0 $0x9000;
	s0 =	simm.s32 @!p0 $0x500;
	[sflag:s21] =	ssyncadd.s32 @!p0 $0xFFFFE000  }
0xd2: {  	[tilespmem:s5], [sflag:$0x1] =	stream.indirect.gather @!p0 [hbm4b:s1+s7], $0x40, s0, s7, $0xb8;
	[tilespmem:$0x1F580] =	vst v63  }
0xd3: {  	_ =	swait.ge @!p0 [sflag:s24], $0x2000  }
0xd4: {  	[sflag:s24] =	ssyncset.done @!p0 $0x0  }
0xd5: {  	s0 =	simm.s32 @!p0 $0x2B00;
	s5 =	simm.s32 @!p0 $0x11000;
	[sflag:s24] =	ssyncadd.s32 @!p0 $0xFFFFE000  }
0xd6: {  	[spmem:s3] =	stream.indirect.scatter.add.bf16 @!p0 [tilespmem:s5], [sflag:$0x2], $0x40, s0, s7, $0xb8;
	[tilespmem:$0x1F580] =	vst v63  }
0xd7: {  	_ =	swait.ge @!p0 [sflag:s21], $0x2000  }
0xd8: {  	p1 =	por $0x0, $0x0;
	s23 =	simm.s32 $0x2000;
	[sflag:s21] =	ssyncset.done @!p0 $0x0  }
0xd9: {  	s0 =	simm.s32 @!p0 $0x580;
	s5 =	simm.s32 @!p0 $0xB000;
	[sflag:s21] =	ssyncadd.s32 @!p0 $0xFFFFE000  }
0xda: {  	[tilespmem:s5], [sflag:$0x1] =	stream.indirect.gather @!p0 [hbm4b:s1+s7], $0x40, s0, s7, $0xb8;
	[tilespmem:$0x1F580] =	vst v63  }
0xdb: {  	s21 =	simm.s32 $0x1000;
	s5 =	simm.s32 $0x2B80;
	_ =	swait.ge [sflag:s29], $0x2000  }
.LBB2_6:
0xdc: {  	[sflag:s29] =	ssyncset.done $0x0  }
0xdd: {  	s0 =	simm.s32 @!p1 $0x2;
	[sflag:s29] =	ssyncadd.s32 $0xFFFFE000  }
0xde: {  	[spmem:s3] =	stream.indirect.scatter.add.bf16 [tilespmem:s30], [sflag:$0x2], $0x40, s5, s22, $0xb8;
	[tilespmem:$0x1F580] =	vst v63  }
0xdf: {  	_ =	swait.ge @!p1 [sflag:s0], $0x2000  }
0xe0: {  	s24 =	sshra.s32 s21, $0x2;
	[sflag:s0] =	ssyncset.done @!p1 $0x0  }
0xe1: {  	s6 =	sadd.s32 $0x200, s24;
	s15 =	rddreg [dreg:$0x4];
	[sflag:s0] =	ssyncadd.s32 @!p1 $0xFFFFE000  }
0xe2: {  	[tilespmem:s15], [sflag:$0x1] =	stream.indirect.gather [hbm4b:s1+s22], $0x40, s6, s22, $0xb8;
	[tilespmem:$0x1F580] =	vst v63  }
0xe3: {  	_ =	swait.ge [sflag:s29], $0x2000  }
0xe4: {  	s7 =	sshra.s32 @p1 s21, $0x2;
	[sflag:s29] =	ssyncset.done $0x0  }
0xe5: {  	s9 =	simm.s32 @p1 $0xF000;
	s16 =	sadd.s32 $0x2800, s24;
	[sflag:s29] =	ssyncadd.s32 $0xFFFFE000  }
0xe6: {  	[spmem:s3] =	stream.indirect.scatter.add.bf16 [tilespmem:s20], [sflag:$0x2], $0x40, s16, s22, $0xb8;
	[tilespmem:$0x1F580] =	vst v63  }
0xe7: {  	s10 =	sadd.s32 @p1 $0x280, s7;
	s5 =	simm.s32 @p1 $0x80;
	s6 =	simm.s32 @p1 $0x1  }
0xe8: {  	[tilespmem:s9], [sflag:$0x1] =	stream.indirect.gather @p1 [hbm4b:s1+s5], $0x40, s10, s5, $0xb8;
	[tilespmem:$0x1F580] =	vst v63  }
0xe9: {  	_ =	swait.ge @p1 [sflag:s6], $0x2000  }
0xea: {  	[sflag:s6] =	ssyncset.done @p1 $0x0  }
0xeb: {  	s7 =	sadd.s32 @p1 $0x2880, s7;
	s9 =	simm.s32 @p1 $0x7000;
	[sflag:s6] =	ssyncadd.s32 @p1 $0xFFFFE000  }
0xec: {  	[spmem:s3] =	stream.indirect.scatter.add.bf16 @p1 [tilespmem:s9], [sflag:$0x2], $0x40, s7, s5, $0xb8;
	[tilespmem:$0x1F580] =	vst v63  }
0xed: {  	s10 =	simm.s32 @!p1 $0x1;
	_ =	swait.ge @!p1 [sflag:s0], $0x2000  }
0xee: {  	s6 =	simm.s32 @!p1 $0xF000;
	s5 =	sshra.s32 @!p1 s21, $0x2;
	[sflag:s0] =	ssyncset.done @!p1 $0x0  }
0xef: {  	s9 =	simm.s32 @!p1 $0x80;
	s7 =	sadd.s32 @!p1 $0x280, s5;
	[sflag:s0] =	ssyncadd.s32 @!p1 $0xFFFFE000  }
0xf0: {  	[tilespmem:s6], [sflag:$0x1] =	stream.indirect.gather @!p1 [hbm4b:s1+s9], $0x40, s7, s9, $0xb8;
	[tilespmem:$0x1F580] =	vst v63  }
0xf1: {  	_ =	swait.ge @!p1 [sflag:s10], $0x2000  }
0xf2: {  	[sflag:s10] =	ssyncset.done @!p1 $0x0  }
0xf3: {  	s5 =	sadd.s32 @!p1 $0x2880, s5;
	s6 =	simm.s32 @!p1 $0x7000;
	[sflag:s10] =	ssyncadd.s32 @!p1 $0xFFFFE000  }
0xf4: {  	[spmem:s3] =	stream.indirect.scatter.add.bf16 @!p1 [tilespmem:s6], [sflag:$0x2], $0x40, s5, s9, $0xb8;
	[tilespmem:$0x1F580] =	vst v63  }
0xf5: {  	_ =	swait.ge @!p1 [sflag:s0], $0x2000  }
0xf6: {  	[sflag:s0] =	ssyncset.done @!p1 $0x0  }
0xf7: {  	s9 =	sadd.s32 $0x300, s24;
	s8 =	rddreg [dreg:$0x5];
	[sflag:s0] =	ssyncadd.s32 @!p1 $0xFFFFE000  }
0xf8: {  	[tilespmem:s8], [sflag:$0x1] =	stream.indirect.gather [hbm4b:s1+s22], $0x40, s9, s22, $0xb8;
	[tilespmem:$0x1F580] =	vst v63  }
0xf9: {  	_ =	swait.ge [sflag:s29], $0x2000  }
0xfa: {  	[sflag:s29] =	ssyncset.done $0x0  }
0xfb: {  	s10 =	sadd.s32 $0x2900, s24;
	[sflag:s29] =	ssyncadd.s32 $0xFFFFE000  }
0xfc: {  	[spmem:s3] =	stream.indirect.scatter.add.bf16 [tilespmem:s25], [sflag:$0x2], $0x40, s10, s22, $0xb8;
	[tilespmem:$0x1F580] =	vst v63  }
0xfd: {  	_ =	swait.ge @!p1 [sflag:s0], $0x2000  }
0xfe: {  	[sflag:s0] =	ssyncset.done @!p1 $0x0  }
0xff: {  	s11 =	sadd.s32 $0x380, s24;
	[sflag:s0] =	ssyncadd.s32 @!p1 $0xFFFFE000  }
0x100: {  	[tilespmem:s30], [sflag:$0x1] =	stream.indirect.gather [hbm4b:s1+s22], $0x40, s11, s22, $0xb8;
	[tilespmem:$0x1F580] =	vst v63  }
0x101: {  	_ =	swait.ge [sflag:s29], $0x2000  }
0x102: {  	p1 =	seq.s32 s21, $0x9000;
	[sflag:s29] =	ssyncset.done $0x0  }
0x103: {  	s12 =	sadd.s32 $0x2980, s24;
	s6 =	simm.s32 @p1 $0x1;
	[sflag:s29] =	ssyncadd.s32 $0xFFFFE000  }
0x104: {  	[spmem:s3] =	stream.indirect.scatter.add.bf16 [tilespmem:s28], [sflag:$0x2], $0x40, s12, s22, $0xb8;
	[tilespmem:$0x1F580] =	vst v63  }
0x105: {  	s9 =	sshra.s32 @p1 s21, $0x2;
	s10 =	sshra.s32 @!p1 s21, $0x2;
	_ =	swait.ge @p1 [sflag:s6], $0x2000  }
0x106: {  	s7 =	simm.s32 @p1 $0x80;
	s21 =	simm.s32 @p1 $0xD000;
	[sflag:s6] =	ssyncset.done @p1 $0x0  }
0x107: {  	s0 =	simm.s32 @!p1 $0x2;
	s5 =	sadd.s32 @p1 $0x2A00, s9;
	[sflag:s6] =	ssyncadd.s32 @p1 $0xFFFFE000  }
0x108: {  	[spmem:s3] =	stream.indirect.scatter.add.bf16 @p1 [tilespmem:s21], [sflag:$0x2], $0x40, s5, s7, $0xb8;
	[tilespmem:$0x1F580] =	vst v63  }
0x109: {  	_ =	swait.ge @!p1 [sflag:s0], $0x2000  }
0x10a: {  	s15 =	simm.s32 @!p1 $0x1;
	s11 =	sadd.s32 @!p1 $0x400, s10;
	[sflag:s0] =	ssyncset.done @!p1 $0x0  }
0x10b: {  	s5 =	simm.s32 @!p1 $0x80;
	s21 =	simm.s32 @!p1 $0x5000;
	[sflag:s0] =	ssyncadd.s32 @!p1 $0xFFFFE000  }
0x10c: {  	[tilespmem:s21], [sflag:$0x1] =	stream.indirect.gather @!p1 [hbm4b:s1+s5], $0x40, s11, s5, $0xb8;
	[tilespmem:$0x1F580] =	vst v63  }
0x10d: {  	_ =	swait.ge @!p1 [sflag:s15], $0x2000  }
0x10e: {  	[sflag:s15] =	ssyncset.done @!p1 $0x0  }
0x10f: {  	s8 =	simm.s32 @!p1 $0xD000;
	s12 =	sadd.s32 @!p1 $0x2A00, s10;
	[sflag:s15] =	ssyncadd.s32 @!p1 $0xFFFFE000  }
0x110: {  	[spmem:s3] =	stream.indirect.scatter.add.bf16 @!p1 [tilespmem:s8], [sflag:$0x2], $0x40, s12, s5, $0xb8;
	[tilespmem:$0x1F580] =	vst v63  }
0x111: {  	_ =	swait.ge @!p1 [sflag:s0], $0x2000  }
0x112: {  	[sflag:s0] =	ssyncset.done @!p1 $0x0  }
0x113: {  	s14 =	sadd.s32 @!p1 $0x480, s10;
	s8 =	simm.s32 @!p1 $0x7000;
	[sflag:s0] =	ssyncadd.s32 @!p1 $0xFFFFE000  }
0x114: {  	[tilespmem:s8], [sflag:$0x1] =	stream.indirect.gather @!p1 [hbm4b:s1+s5], $0x40, s14, s5, $0xb8;
	[tilespmem:$0x1F580] =	vst v63  }
0x115: {  	s26 =	smov.u32 s23;
	_ =	swait.ge [sflag:s29], $0x2000  }
0x116: {  	s21 =	smov.u32 s26;
	[sflag:s29] =	ssyncset.done $0x0  }
0x117: {  	s26 =	sadd.s32 $0x2A80, s24;
	s14 =	rddreg [dreg:$0x6];
	[sflag:s29] =	ssyncadd.s32 $0xFFFFE000  }
0x118: {  	[spmem:s3] =	stream.indirect.scatter.add.bf16 [tilespmem:s14], [sflag:$0x2], $0x40, s26, s22, $0xb8;
	[tilespmem:$0x1F580] =	vst v63  }
0x119: {  	_ =	swait.ge @p1 [sflag:s6], $0x2000  }
0x11a: {  	[sflag:s6] =	ssyncset.done @p1 $0x0  }
0x11b: {  	s9 =	sadd.s32 @p1 $0x2B00, s9;
	s8 =	simm.s32 @p1 $0x11000;
	[sflag:s6] =	ssyncadd.s32 @p1 $0xFFFFE000  }
0x11c: {  	[spmem:s3] =	stream.indirect.scatter.add.bf16 @p1 [tilespmem:s8], [sflag:$0x2], $0x40, s9, s7, $0xb8;
	[tilespmem:$0x1F580] =	vst v63  }
0x11d: {  	_ =	swait.ge @!p1 [sflag:s0], $0x2000  }
0x11e: {  	[sflag:s0] =	ssyncset.done @!p1 $0x0  }
0x11f: {  	s11 =	sadd.s32 @!p1 $0x500, s10;
	s6 =	simm.s32 @!p1 $0x9000;
	[sflag:s0] =	ssyncadd.s32 @!p1 $0xFFFFE000  }
0x120: {  	[tilespmem:s6], [sflag:$0x1] =	stream.indirect.gather @!p1 [hbm4b:s1+s5], $0x40, s11, s5, $0xb8;
	[tilespmem:$0x1F580] =	vst v63  }
0x121: {  	s23 =	sadd.s32 $0x1000, s23;
	_ =	swait.ge @!p1 [sflag:s15], $0x2000  }
0x122: {  	p0 =	sne.s32 s23, $0xA000;
	[sflag:s15] =	ssyncset.done @!p1 $0x0  }
0x123: {  	s16 =	sadd.s32 @!p1 $0x2B00, s10;
	s6 =	simm.s32 @!p1 $0x11000;
	[sflag:s15] =	ssyncadd.s32 @!p1 $0xFFFFE000  }
0x124: {  	[spmem:s3] =	stream.indirect.scatter.add.bf16 @!p1 [tilespmem:s6], [sflag:$0x2], $0x40, s16, s5, $0xb8;
	[tilespmem:$0x1F580] =	vst v63  }
.Ltmp2:
0x125: {  	_ =	swait.ge @!p1 [sflag:s0], $0x2000;
	(pc) =	sbr.rel @p0 .LBB2_6-.Ltmp2, $4  }
0x126: {  	[sflag:s0] =	ssyncset.done @!p1 $0x0  }
0x127: {  	s10 =	sadd.s32 @!p1 $0x580, s10;
	s6 =	simm.s32 @!p1 $0xB000;
	[sflag:s0] =	ssyncadd.s32 @!p1 $0xFFFFE000  }
0x128: {  	[tilespmem:s6], [sflag:$0x1] =	stream.indirect.gather @!p1 [hbm4b:s1+s5], $0x40, s10, s5, $0xb8;
	[tilespmem:$0x1F580] =	vst v63  }
0x129: {  	p1 =	seq.s32 s21, $0x0;
	s5 =	sadd.s32 $0x2B80, s24;
	_ =	swait.ge [sflag:s29], $0x2000  }
0x12a: {  	[sflag:s29] =	ssyncset.done $0x0  }
0x12b: {  	s0 =	simm.s32 @!p1 $0x2;
	[sflag:s29] =	ssyncadd.s32 $0xFFFFE000  }
0x12c: {  	[spmem:s3] =	stream.indirect.scatter.add.bf16 [tilespmem:s30], [sflag:$0x2], $0x40, s5, s22, $0xb8;
	[tilespmem:$0x1F580] =	vst v63  }
0x12d: {  	_ =	swait.ge @!p1 [sflag:s0], $0x2000  }
0x12e: {  	s23 =	sshra.s32 s21, $0x2;
	[sflag:s0] =	ssyncset.done @!p1 $0x0  }
0x12f: {  	s6 =	sadd.s32 $0x200, s23;
	s8 =	rddreg [dreg:$0x4];
	[sflag:s0] =	ssyncadd.s32 @!p1 $0xFFFFE000  }
0x130: {  	[tilespmem:s8], [sflag:$0x1] =	stream.indirect.gather [hbm4b:s1+s22], $0x40, s6, s22, $0xb8;
	[tilespmem:$0x1F580] =	vst v63  }
0x131: {  	_ =	swait.ge [sflag:s29], $0x2000  }
0x132: {  	s7 =	sshra.s32 @p1 s21, $0x2;
	[sflag:s29] =	ssyncset.done $0x0  }
0x133: {  	s9 =	sadd.s32 $0x2800, s23;
	s5 =	simm.s32 @p1 $0xF000;
	[sflag:s29] =	ssyncadd.s32 $0xFFFFE000  }
0x134: {  	[spmem:s3] =	stream.indirect.scatter.add.bf16 [tilespmem:s20], [sflag:$0x2], $0x40, s9, s22, $0xb8;
	[tilespmem:$0x1F580] =	vst v63  }
0x135: {  	s6 =	simm.s32 @p1 $0x1;
	s8 =	sadd.s32 @p1 $0x280, s7;
	s9 =	simm.s32 @p1 $0x80  }
0x136: {  	[tilespmem:s5], [sflag:$0x1] =	stream.indirect.gather @p1 [hbm4b:s1+s9], $0x40, s8, s9, $0xb8;
	[tilespmem:$0x1F580] =	vst v63  }
0x137: {  	_ =	swait.ge @p1 [sflag:s6], $0x2000  }
0x138: {  	[sflag:s6] =	ssyncset.done @p1 $0x0  }
0x139: {  	s5 =	sadd.s32 @p1 $0x2880, s7;
	s7 =	simm.s32 @p1 $0x7000;
	[sflag:s6] =	ssyncadd.s32 @p1 $0xFFFFE000  }
0x13a: {  	[spmem:s3] =	stream.indirect.scatter.add.bf16 @p1 [tilespmem:s7], [sflag:$0x2], $0x40, s5, s9, $0xb8;
	[tilespmem:$0x1F580] =	vst v63  }
0x13b: {  	s8 =	simm.s32 @!p1 $0x80;
	_ =	swait.ge @!p1 [sflag:s0], $0x2000  }
0x13c: {  	s6 =	simm.s32 @!p1 $0xF000;
	s5 =	sshra.s32 @!p1 s21, $0x2;
	[sflag:s0] =	ssyncset.done @!p1 $0x0  }
0x13d: {  	s9 =	simm.s32 @!p1 $0x1;
	s7 =	sadd.s32 @!p1 $0x280, s5;
	[sflag:s0] =	ssyncadd.s32 @!p1 $0xFFFFE000  }
0x13e: {  	[tilespmem:s6], [sflag:$0x1] =	stream.indirect.gather @!p1 [hbm4b:s1+s8], $0x40, s7, s8, $0xb8;
	[tilespmem:$0x1F580] =	vst v63  }
0x13f: {  	_ =	swait.ge @!p1 [sflag:s9], $0x2000  }
0x140: {  	[sflag:s9] =	ssyncset.done @!p1 $0x0  }
0x141: {  	s5 =	sadd.s32 @!p1 $0x2880, s5;
	s6 =	simm.s32 @!p1 $0x7000;
	[sflag:s9] =	ssyncadd.s32 @!p1 $0xFFFFE000  }
0x142: {  	[spmem:s3] =	stream.indirect.scatter.add.bf16 @!p1 [tilespmem:s6], [sflag:$0x2], $0x40, s5, s8, $0xb8;
	[tilespmem:$0x1F580] =	vst v63  }
0x143: {  	_ =	swait.ge @!p1 [sflag:s0], $0x2000  }
0x144: {  	[sflag:s0] =	ssyncset.done @!p1 $0x0  }
0x145: {  	s11 =	sadd.s32 $0x300, s23;
	s10 =	rddreg [dreg:$0x5];
	[sflag:s0] =	ssyncadd.s32 @!p1 $0xFFFFE000  }
0x146: {  	[tilespmem:s10], [sflag:$0x1] =	stream.indirect.gather [hbm4b:s1+s22], $0x40, s11, s22, $0xb8;
	[tilespmem:$0x1F580] =	vst v63  }
0x147: {  	_ =	swait.ge [sflag:s29], $0x2000  }
0x148: {  	[sflag:s29] =	ssyncset.done $0x0  }
0x149: {  	s12 =	sadd.s32 $0x2900, s23;
	[sflag:s29] =	ssyncadd.s32 $0xFFFFE000  }
0x14a: {  	[spmem:s3] =	stream.indirect.scatter.add.bf16 [tilespmem:s25], [sflag:$0x2], $0x40, s12, s22, $0xb8;
	[tilespmem:$0x1F580] =	vst v63  }
0x14b: {  	_ =	swait.ge @!p1 [sflag:s0], $0x2000  }
0x14c: {  	[sflag:s0] =	ssyncset.done @!p1 $0x0  }
0x14d: {  	s14 =	sadd.s32 $0x380, s23;
	[sflag:s0] =	ssyncadd.s32 @!p1 $0xFFFFE000  }
0x14e: {  	[tilespmem:s30], [sflag:$0x1] =	stream.indirect.gather [hbm4b:s1+s22], $0x40, s14, s22, $0xb8;
	[tilespmem:$0x1F580] =	vst v63  }
0x14f: {  	_ =	swait.ge [sflag:s29], $0x2000  }
0x150: {  	p0 =	seq.s32 s21, $0x9000;
	[sflag:s29] =	ssyncset.done $0x0  }
0x151: {  	s15 =	sadd.s32 $0x2980, s23;
	s5 =	simm.s32 @p0 $0x1;
	[sflag:s29] =	ssyncadd.s32 $0xFFFFE000  }
0x152: {  	[spmem:s3] =	stream.indirect.scatter.add.bf16 [tilespmem:s28], [sflag:$0x2], $0x40, s15, s22, $0xb8;
	[tilespmem:$0x1F580] =	vst v63  }
0x153: {  	s7 =	simm.s32 @p0 $0x80;
	_ =	swait.ge @p0 [sflag:s5], $0x2000  }
0x154: {  	s9 =	simm.s32 @!p0 $0x2;
	s0 =	sshra.s32 @p0 s21, $0x2;
	[sflag:s5] =	ssyncset.done @p0 $0x0  }
0x155: {  	s8 =	simm.s32 @p0 $0xD000;
	s6 =	sadd.s32 @p0 $0x2A00, s0;
	[sflag:s5] =	ssyncadd.s32 @p0 $0xFFFFE000  }
0x156: {  	[spmem:s3] =	stream.indirect.scatter.add.bf16 @p0 [tilespmem:s8], [sflag:$0x2], $0x40, s6, s7, $0xb8;
	[tilespmem:$0x1F580] =	vst v63  }
0x157: {  	s10 =	simm.s32 @!p0 $0x80;
	_ =	swait.ge @!p0 [sflag:s9], $0x2000  }
0x158: {  	s11 =	simm.s32 @!p0 $0x5000;
	s6 =	sshra.s32 @!p0 s21, $0x2;
	[sflag:s9] =	ssyncset.done @!p0 $0x0  }
0x159: {  	s12 =	simm.s32 @!p0 $0x1;
	s8 =	sadd.s32 @!p0 $0x400, s6;
	[sflag:s9] =	ssyncadd.s32 @!p0 $0xFFFFE000  }
0x15a: {  	[tilespmem:s11], [sflag:$0x1] =	stream.indirect.gather @!p0 [hbm4b:s1+s10], $0x40, s8, s10, $0xb8;
	[tilespmem:$0x1F580] =	vst v63  }
0x15b: {  	_ =	swait.ge @!p0 [sflag:s12], $0x2000  }
0x15c: {  	[sflag:s12] =	ssyncset.done @!p0 $0x0  }
0x15d: {  	s8 =	sadd.s32 @!p0 $0x2A00, s6;
	s11 =	simm.s32 @!p0 $0xD000;
	[sflag:s12] =	ssyncadd.s32 @!p0 $0xFFFFE000  }
0x15e: {  	[spmem:s3] =	stream.indirect.scatter.add.bf16 @!p0 [tilespmem:s11], [sflag:$0x2], $0x40, s8, s10, $0xb8;
	[tilespmem:$0x1F580] =	vst v63  }
0x15f: {  	_ =	swait.ge @!p0 [sflag:s9], $0x2000  }
0x160: {  	[sflag:s9] =	ssyncset.done @!p0 $0x0  }
0x161: {  	s8 =	sadd.s32 @!p0 $0x480, s6;
	s11 =	simm.s32 @!p0 $0x7000;
	[sflag:s9] =	ssyncadd.s32 @!p0 $0xFFFFE000  }
0x162: {  	[tilespmem:s11], [sflag:$0x1] =	stream.indirect.gather @!p0 [hbm4b:s1+s10], $0x40, s8, s10, $0xb8;
	[tilespmem:$0x1F580] =	vst v63  }
0x163: {  	_ =	swait.ge [sflag:s29], $0x2000  }
0x164: {  	[sflag:s29] =	ssyncset.done $0x0  }
0x165: {  	s21 =	sadd.s32 $0x2A80, s23;
	s16 =	rddreg [dreg:$0x6];
	[sflag:s29] =	ssyncadd.s32 $0xFFFFE000  }
0x166: {  	[spmem:s3] =	stream.indirect.scatter.add.bf16 [tilespmem:s16], [sflag:$0x2], $0x40, s21, s22, $0xb8;
	[tilespmem:$0x1F580] =	vst v63  }
0x167: {  	_ =	swait.ge @p0 [sflag:s5], $0x2000  }
0x168: {  	[sflag:s5] =	ssyncset.done @p0 $0x0  }
0x169: {  	s0 =	sadd.s32 @p0 $0x2B00, s0;
	s8 =	simm.s32 @p0 $0x11000;
	[sflag:s5] =	ssyncadd.s32 @p0 $0xFFFFE000  }
0x16a: {  	[spmem:s3] =	stream.indirect.scatter.add.bf16 @p0 [tilespmem:s8], [sflag:$0x2], $0x40, s0, s7, $0xb8;
	[tilespmem:$0x1F580] =	vst v63  }
0x16b: {  	_ =	swait.ge @!p0 [sflag:s9], $0x2000  }
0x16c: {  	[sflag:s9] =	ssyncset.done @!p0 $0x0  }
0x16d: {  	s5 =	simm.s32 @!p0 $0x9000;
	s0 =	sadd.s32 @!p0 $0x500, s6;
	[sflag:s9] =	ssyncadd.s32 @!p0 $0xFFFFE000  }
0x16e: {  	[tilespmem:s5], [sflag:$0x1] =	stream.indirect.gather @!p0 [hbm4b:s1+s10], $0x40, s0, s10, $0xb8;
	[tilespmem:$0x1F580] =	vst v63  }
0x16f: {  	_ =	swait.ge @!p0 [sflag:s12], $0x2000  }
0x170: {  	[sflag:s12] =	ssyncset.done @!p0 $0x0  }
0x171: {  	s0 =	sadd.s32 @!p0 $0x2B00, s6;
	s5 =	simm.s32 @!p0 $0x11000;
	[sflag:s12] =	ssyncadd.s32 @!p0 $0xFFFFE000  }
0x172: {  	[spmem:s3] =	stream.indirect.scatter.add.bf16 @!p0 [tilespmem:s5], [sflag:$0x2], $0x40, s0, s10, $0xb8;
	[tilespmem:$0x1F580] =	vst v63  }
0x173: {  	_ =	swait.ge @!p0 [sflag:s9], $0x2000  }
0x174: {  	[sflag:s9] =	ssyncset.done @!p0 $0x0  }
0x175: {  	s0 =	sadd.s32 @!p0 $0x580, s6;
	s5 =	simm.s32 @!p0 $0xB000;
	[sflag:s9] =	ssyncadd.s32 @!p0 $0xFFFFE000  }
0x176: {  	[tilespmem:s5], [sflag:$0x1] =	stream.indirect.gather @!p0 [hbm4b:s1+s10], $0x40, s0, s10, $0xb8;
	[tilespmem:$0x1F580] =	vst v63  }
0x177: {  	_ =	swait.ge [sflag:s29], $0x2000  }
0x178: {  	[sflag:s29] =	ssyncset.done $0x0  }
0x179: {  	s24 =	sadd.s32 $0x2B80, s23;
	[sflag:s29] =	ssyncadd.s32 $0xFFFFE000  }
0x17a: {  	[spmem:s3] =	stream.indirect.scatter.add.bf16 [tilespmem:s30], [sflag:$0x2], $0x40, s24, s22, $0xb8;
	[tilespmem:$0x1F580] =	vst v63  }
0x17b: {  	_ =	swait.ge [sflag:s31], $0x2000  }
0x17c: {  	[sflag:s31] =	ssyncset.done $0x0  }
0x17d: {  	[sflag:s31] =	ssyncadd.s32 $0xFFFFE000  }
0x17e: {  	_ =	swait.ge [sflag:s31], $0x2000  }
0x17f: {  	[sflag:s31] =	ssyncset.done $0x0  }
0x180: {  	[sflag:s31] =	ssyncadd.s32 $0xFFFFE000  }
0x181: {  	_ =	swait.ge [sflag:s31], $0x2000  }
0x182: {  	[sflag:s31] =	ssyncset.done $0x0  }
0x183: {  	[sflag:s31] =	ssyncadd.s32 $0xFFFFE000  }
0x184: {  	_ =	swait.ge [sflag:s31], $0x2000  }
0x185: {  	[sflag:s31] =	ssyncset.done $0x0  }
0x186: {  	[sflag:s31] =	ssyncadd.s32 $0xFFFFE000  }
0x187: {  	_ =	swait.ge [sflag:s31], $0x2000  }
0x188: {  	[sflag:s31] =	ssyncset.done $0x0  }
0x189: {  	[sflag:s31] =	ssyncadd.s32 $0xFFFFE000  }
0x18a: {  	_ =	swait.ge [sflag:s31], $0x2000  }
0x18b: {  	[sflag:s31] =	ssyncset.done $0x0  }
0x18c: {  	[sflag:s31] =	ssyncadd.s32 $0xFFFFE000  }
0x18d: {  	_ =	swait.ge [sflag:s31], $0x2000  }
0x18e: {  	[sflag:s31] =	ssyncset.done $0x0  }
0x18f: {  	[sflag:s31] =	ssyncadd.s32 $0xFFFFE000  }
0x190: {  	_ =	swait.ge [sflag:s31], $0x2000  }
0x191: {  	[sflag:s31] =	ssyncset.done $0x0  }
0x192: {  	s26 =	sadd.s32 $0x0, s17;
	[sflag:s31] =	ssyncadd.s32 $0xFFFFE000  }
0x193: {  	[spmem:s4] =	stream.indirect.scatter.add.f32 [tilespmem:s2], [sflag:$0x3], $0x1, s26, s22, $0xb8;
	[tilespmem:$0x1F580] =	vst v63  }
0x194: {  	s0 =	simm.s32 $0x200;
	_ =	swait.ge [sflag:s18], $0x80  }
.LBB2_8:
0x195: {  	s5 =	sshra.s32 s0, $0x2;
	[sflag:s18] =	ssyncset.done $0x0;
	p0 =	sne.s32 s0, $0x4E00  }
.Ltmp3:
0x196: {  	s5 =	sadd.s32 s5, s17;
	[sflag:s18] =	ssyncadd.s32 $0xFFFFFF80;
	(pc) =	sbr.rel @p0 .LBB2_8-.Ltmp3, $3  }
0x197: {  	[spmem:s4] =	stream.indirect.scatter.add.f32 [tilespmem:s2], [sflag:$0x3], $0x1, s5, s22, $0xb8;
	[tilespmem:$0x1F580] =	vst v63  }
0x198: {  	s0 =	sadd.s32 $0x200, s0;
	_ =	sdelay $0x1  }
0x199: {  	_ =	swait.ge [sflag:s18], $0x80  }
0x19a: {  	[sflag:s18] =	ssyncset.done $0x0  }
0x19b: {  	s0 =	stileid.u32;
	[sflag:s18] =	ssyncadd.s32 $0xFFFFFF80  }
0x19c: {  	s0 =	sshll.u32 s0, $0x6;
	[bflag:$0x0] =	sbarrier.arrive $0xFFFF  }
0x19d: {  	s5 =	sshrl.u32 s13, $0x3;
	s0 =	sor.u32 $0x1C03, s0;
	s6 =	rddreg [dreg:$0xe]  }
0x19e: {  	[hbm:s6], [sflag:s0] =	dma.local [spmem:s5], $0x1400  }
0x19f: {  	_ =	swait.ge [sflag:s18], $0x1400  }
0x1a0: {  	[sflag:s18] =	ssyncset.done $0x0;
	s7 =	rddreg [dreg:$0xd]  }
0x1a1: {  	s24 =	rddreg [dreg:$0xf];
	[sflag:s18] =	ssyncadd.s32 $0xFFFFEC00;
	s23 =	sshrl.u32 s7, $0x3  }
0x1a2: {  	[hbm:s24], [sflag:s0] =	dma.local [spmem:s23], $0x50  }
0x1a3: {  	_ =	swait.ge [sflag:s18], $0x50  }
0x1a4: {  	s19 =	sadd.s32 $0x1, s19;
	s26 =	rddreg [dreg:$0x10]  }
0x1a5: {  	p0 =	sne.s32 s19, s26  }
.Ltmp4:
0x1a6: {  	_ = 	snop;
	(pc) =	sbr.rel @p0 .LBB2_1-.Ltmp4, $3  }
0x1a7: {  	_ =	sdelay $0x1  }
0x1a8: {  	[sflag:s18] =	ssyncset.done $0x0  }
0x1a9: {  	[sflag:s18] =	ssyncadd.s32 $0xFFFFFFB0  }
0x1aa: {  	_ =	sfence.sel $0x180000  }
0x1ab: {  	[bflag:$0x0] =	sbarrier.arrive $0xFFFF  }
0x1ac: {  	_ =	strace $0x90000047  }
0x1ad: {  	s0 =	stileid.u32;
	[bflag:$0x2] =	sbarrier.arrive $0xFFFF  }
0x1ae: {  	p0 =	sne.s32 s0, $0x0;
	s0 =	rddreg [dreg:$0x3]  }
0x1af: {  	s0 =	sadd.s32 @!p0 $0x100000, s0  }
0x1b0: {  	[sflag:s0] =	ssyncadd.tile.s32 @!p0 $0x1;
	_ =	shalt  }
.Lfunc_end2:
_tile_overlayer_lowered:
.L_overlay_start_2:
0x1b1: {  	(tag) =	ssettag $0x2  }
0x1b2: {  	s0 =	rddreg [dreg:$0x0];
	s2 =	stileid.u32  }
0x1b3: {  	s1 =	rddreg [dreg:$0x1];
	p0 =	sne.s32 s2, $0x0  }
0x1b4: {  	s3 =	rddreg [dreg:$0x2];
	[bflag:$0x3] =	sbarrier.arrive $0xFFFF;
	s2 =	simm.s32 @!p0 $0x1C03  }
0x1b5: {  	[timem:s3], [sflag:s2] =	dma.local @!p0 [hbm:s0], s1  }
0x1b6: {  	s0 =	simm.s32 @!p0 $0x3  }
0x1b7: {  	_ =	swait.ge @!p0 [sflag:s0], s1  }
0x1b8: {  	s1 =	ssub.s32 @!p0 $0x0, s1;
	[sflag:s0] =	ssyncset.done @!p0 $0x0  }
0x1b9: {  	[sflag:s0] =	ssyncadd.s32 @!p0 s1  }
0x1ba: {  	[bflag:$0x3] =	sbarrier.arrive $0xFFFF  }
0x1bb: {  	_ =	shalt  }

// kernel: kernel.8.cloned.1.call-start
scs
__scs_entry_jumppad:
0x0: {  	(pc) =	sbr.rel $0x88, $3  }
0x1: {  	(tag) =	ssettag $0x0;
	lr =	simm.s32 $0x1  }
0x2: {  	[smem:$0x3F99] =	sst lr;
	_ =	strace $0xD0000000  }
0x3: {  	_ = 	snop  }
0x4: {  	_ = 	snop  }
0x5: {  	_ = 	snop  }
0x6: {  	_ = 	snop  }
0x7: {  	_ = 	snop  }
__scs_overlays_trampoline_lowered:
0x8: {  	[smem:$0x3FA8] =	sst s0  }
0x9: {  	[smem:$0x3FA9] =	sst s1  }
0xa: {  	[smem:$0x3FAA] =	sst s2  }
0xb: {  	[smem:$0x3FAB] =	sst s3  }
0xc: {  	[smem:$0x3FAC] =	sst s4  }
0xd: {  	[smem:$0x3FAD] =	sst s5  }
0xe: {  	[smem:$0x3FAE] =	sst s6  }
0xf: {  	[smem:$0x3FAF] =	sst s7  }
0x10: {  	[smem:$0x3FB0] =	sst s8  }
0x11: {  	[smem:$0x3FB1] =	sst s9;
	s0 =	simm.s32 @!p0 $0x0  }
0x12: {  	s1 =	sld [smem:$0x3F97];
	s0 =	simm.s32 @p0 $0x1  }
0x13: {  	[smem:$0x3FB2] =	sst s0;
	s0 =	simm.s32 @!p1 $0x0  }
0x14: {  	s2 =	sld [smem:$0x3F96];
	s0 =	simm.s32 @p1 $0x1  }
0x15: {  	[smem:$0x3FB3] =	sst s0;
	s0 =	simm.s32 @!p2 $0x0  }
0x16: {  	s3 =	sld [smem:$0x3FDB];
	s0 =	simm.s32 @p2 $0x1  }
0x17: {  	s4 =	simm.s32 $0x1BF5;
	[smem:$0x3FB5] =	sst s0  }
0x18: {  	s0 =	sld [smem:$0x3F98];
	_ =	swait.ge [sflag:s4], $0x0  }
0x19: {  	s7 =	sld [smem:$0x3F99]  }
0x1a: {  	s8 =	sadd.s32 $0xFFFFE003, lr  }
0x1b: {  	s9 =	sadd.s32 $0xFFFFFEF7, lr;
	s5 =	simm.s32 $0xFFFFFFFF;
	p2 =	slt.u32 s8, $0xFFFFF086  }
0x1c: {  	p1 =	slt.u32 s9, $0xF7A;
	s5 =	simm.s32 @!p2 $0x0  }
0x1d: {  	s5 =	simm.s32 @p1 $0x1;
	p0 =	seq.s32 s7, s2  }
0x1e: {  	s7 =	smul.u32 @!p0 $0xF7A, s2;
	p2 =	seq.s32 @!p0 s5, $0x0  }
0x1f: {  	s9 =	smul.u32 $0xF7A, s1;
	s8 =	simm.s32 @!p0 $0x1BF5;
	p2 =	por !p2, p0  }
0x20: {  	[sflag:s8] =	ssyncset.s32 @!p0 $0xFFFFF086;
	s6 =	sadd.s32 @!p0 s3, s7;
	s7 =	simm.s32 @!p0 $0x108  }
0x21: {  	s3 =	sadd.s32 s3, s9;
	s6 =	sadd.s32 @!p0 $0x88, s6;
	s7 =	simm.s32 @p2 $0x1082  }
0x22: {  	[simem:s7], [sflag:s8] =	dma.local @!p0 [hbm:s6], $0xF7A  }
0x23: {  	s9 =	sor.u32 $0xD0000000, s2;
	s6 =	simm.s32 $0x108;
	_ =	swait.ge @!p0 [sflag:s8], $0x0  }
0x24: {  	s3 =	sadd.s32 $0x88, s3;
	s6 =	simm.s32 @!p1 $0x1082;
	[sflag:s4] =	ssyncset.s32 $0xFFFFF086  }
0x25: {  	[simem:s6], [sflag:s4] =	dma.local [hbm:s3], $0xF7A  }
0x26: {  	[smem:$0x3F99] =	sst s1;
	(tag) =	ssettag s2;
	_ =	strace s9  }
0x27: {  	s1 =	sld [smem:$0x3FA9]  }
0x28: {  	s2 =	sld [smem:$0x3FAA]  }
0x29: {  	s4 =	sld [smem:$0x3FAC]  }
0x2a: {  	p0 =	seq.s32 s5, $0x0;
	s5 =	sld [smem:$0x3FAD]  }
0x2b: {  	s6 =	sld [smem:$0x3FAE]  }
0x2c: {  	s7 =	sld [smem:$0x3FAF]  }
0x2d: {  	s3 =	simm.s32 $0x108;
	s8 =	sld [smem:$0x3FB0]  }
0x2e: {  	s3 =	simm.s32 @!p0 $0x1082;
	s9 =	sld [smem:$0x3FB1]  }
0x2f: {  	lr =	sadd.s32 s0, s3;
	s0 =	sld [smem:$0x3FA8]  }
0x30: {  	s3 =	sld [smem:$0x3FAB]  }
0x31: {  	[smem:$0x3FB4] =	sst s10  }
0x32: {  	s10 =	sld [smem:$0x3FB2];
	_ =	sdelay $0x3  }
0x33: {  	p0 =	seq.s32 s10, $0x1;
	s10 =	sld [smem:$0x3FB4];
	_ =	sdelay $0x3  }
0x34: {  	[smem:$0x3FB4] =	sst s10  }
0x35: {  	s10 =	sld [smem:$0x3FB3];
	_ =	sdelay $0x3  }
0x36: {  	p1 =	seq.s32 s10, $0x1;
	s10 =	sld [smem:$0x3FB4];
	_ =	sdelay $0x3  }
0x37: {  	[smem:$0x3FB4] =	sst s10  }
0x38: {  	s10 =	sld [smem:$0x3FB5]  }
0x39: {  	_ = 	snop;
	(pc) =	sbr.ind lr, $3  }
0x3a: {  	_ = 	snop  }
0x3b: {  	_ = 	snop  }
0x3c: {  	p2 =	seq.s32 s10, $0x1;
	s10 =	sld [smem:$0x3FB4]  }
0x3d: {  	_ =	shalt  }
0x3e: {  	_ =	shalt  }
0x3f: {  	_ =	shalt  }
0x40: {  	_ =	shalt  }
0x41: {  	_ =	shalt  }
0x42: {  	_ =	shalt  }
0x43: {  	_ =	shalt  }
0x44: {  	_ =	shalt  }
0x45: {  	_ =	shalt  }
0x46: {  	_ =	shalt  }
0x47: {  	_ =	shalt  }
0x48: {  	_ =	shalt  }
0x49: {  	_ =	shalt  }
0x4a: {  	_ =	shalt  }
0x4b: {  	_ =	shalt  }
0x4c: {  	_ =	shalt  }
0x4d: {  	_ =	shalt  }
0x4e: {  	_ =	shalt  }
0x4f: {  	_ =	shalt  }
0x50: {  	_ =	shalt  }
0x51: {  	_ =	shalt  }
0x52: {  	_ =	shalt  }
0x53: {  	_ =	shalt  }
0x54: {  	_ =	shalt  }
0x55: {  	_ =	shalt  }
0x56: {  	_ =	shalt  }
0x57: {  	_ =	shalt  }
0x58: {  	_ =	shalt  }
0x59: {  	_ =	shalt  }
0x5a: {  	_ =	shalt  }
0x5b: {  	_ =	shalt  }
0x5c: {  	_ =	shalt  }
0x5d: {  	_ =	shalt  }
0x5e: {  	_ =	shalt  }
0x5f: {  	_ =	shalt  }
0x60: {  	_ =	shalt  }
0x61: {  	_ =	shalt  }
0x62: {  	_ =	shalt  }
0x63: {  	_ =	shalt  }
0x64: {  	_ =	shalt  }
0x65: {  	_ =	shalt  }
0x66: {  	_ =	shalt  }
0x67: {  	_ =	shalt  }
0x68: {  	_ =	shalt  }
0x69: {  	_ =	shalt  }
0x6a: {  	_ =	shalt  }
0x6b: {  	_ =	shalt  }
0x6c: {  	_ =	shalt  }
0x6d: {  	_ =	shalt  }
0x6e: {  	_ =	shalt  }
0x6f: {  	_ =	shalt  }
0x70: {  	_ =	shalt  }
0x71: {  	_ =	shalt  }
0x72: {  	_ =	shalt  }
0x73: {  	_ =	shalt  }
0x74: {  	_ =	shalt  }
0x75: {  	_ =	shalt  }
0x76: {  	_ =	shalt  }
0x77: {  	_ =	shalt  }
0x78: {  	_ =	shalt  }
0x79: {  	_ =	shalt  }
0x7a: {  	_ =	shalt  }
0x7b: {  	_ =	shalt  }
0x7c: {  	_ =	shalt  }
0x7d: {  	_ =	shalt  }
0x7e: {  	_ =	shalt  }
0x7f: {  	_ =	shalt  }
0x80: {  	_ =	shalt  }
0x81: {  	_ =	shalt  }
0x82: {  	_ =	shalt  }
0x83: {  	_ =	shalt  }
0x84: {  	_ =	shalt  }
0x85: {  	_ =	shalt  }
0x86: {  	_ =	shalt  }
0x87: {  	_ =	shalt  }
.Lfunc_end0:
.L_simem_size_0:
called_computation.1_lowered:
.L_overlay_start_0:
0x88: {  	s2 =	sld [smem:$0x3FD9]  }
0x89: {  	s3 =	sld [smem:$0x3FFE];
	_ =	sdelay $0x1  }
0x8a: {  	s1 =	srdreg.scid  }
0x8b: {  	s0 =	sand.u32 $0x1, s1  }
0x8c: {  	s17 =	sshll.u32 s0, $0xA;
	s2 =	sadd.s32 s3, s2  }
0x8d: {  	s2 =	sadd.s32 s2, s17  }
0x8e: {  	[smem:$0x3FC0] =	sst s2  }
0x8f: {  	_ = 	snop  }
0x90: {  	s2 =	sld [smem:$0x3FD0];
	(tm) =	ssettm $0x1  }
0x91: {  	s18 =	sld [smem:$0x3FFB];
	_ =	sdelay $0x3  }
0x92: {  	_ =	strace s18  }
0x93: {  	s3 =	sld [smem:$0x3FFC];
	_ =	sdelay $0x3  }
0x94: {  	_ =	strace s3  }
0x95: {  	s3 =	sld [smem:$0x3FFD];
	_ =	sdelay $0x3  }
0x96: {  	_ =	strace s3  }
0x97: {  	_ =	strace $0x8FFFFFFF  }
0x98: {  	s19 =	sld [smem:$0x3FDB];
	_ =	sdelay $0x1  }
0x99: {  	s4 =	simm.s32 $_scs_section_size  }
0x9a: {  	s5 =	simm.s32 $_size__tile_overlayer_lowered;
	s6 =	simm.s32 $_tile_overlayer_lowered  }
0x9b: {  	s22 =	simm.s32 $0x1BFF;
	s21 =	sshll.u32 s6, $0x1;
	s3 =	sadd.s32 s4, s19  }
0x9c: {  	s7 =	simm.s32 $0x0;
	s20 =	sshll.u32 s5, $0x1;
	s5 =	sadd.s32 s21, s3  }
0x9d: {  	[timem:s7], [sflag:s22] =	dma.local [hbm:s5], s20  }
0x9e: {  	_ =	swait.ge [sflag:s22], s20  }
0x9f: {  	s4 =	ssub.s32 $0x0, s20;
	[sflag:s22] =	ssyncset.done $0x0  }
0xa0: {  	[sflag:s22] =	ssyncadd.s32 s4;
	_ =	sdelay $0x1  }
0xa1: {  	s23 =	simm.s32 $0x1B8B  }
0xa2: {  	_ =	swait.ge [sflag:s23], $0x1  }
0xa3: {  	[sflag:s23] =	ssyncset.done $0x0  }
0xa4: {  	s25 =	simm.s32 $0x1B8E;
	s24 =	sld [smem:$0x3FFE];
	[sflag:s23] =	ssyncadd.s32 $0xFFFFFFFF  }
0xa5: {  	s26 =	simm.s32 $execute0_lowered;
	[smem:$0x3FD2] =	sst s25  }
0xa6: {  	s5 =	sshll.u32 s26, $0x1;
	_ =	strace $0x80000049;
	[dreg:$0x1] =	wrdreg $0xFFFFFFFF  }
0xa7: {  	s28 =	simm.s32 $_size_execute0_lowered;
	s3 =	sadd.s32 s3, s5;
	[dreg:$0x0] =	wrdreg $0x0  }
0xa8: {  	s5 =	sshll.u32 s28, $0x1;
	[dreg:$0x2] =	wrdreg s3  }
0xa9: {  	[dreg:$0x3] =	wrdreg s5  }
0xaa: {  	[dreg:$0x4] =	wrdreg $0xC0  }
0xab: {  	_ =	task [dreg:s7], $0x5FFFF  }
0xac: {  	[dreg:$0x1] =	wrdreg $0xFFFFFFFF  }
0xad: {  	[dreg:$0x0] =	wrdreg $0x60  }
0xae: {  	[dreg:$0x2] =	wrdreg s24  }
0xaf: {  	[dreg:$0x3] =	wrdreg s2  }
0xb0: {  	[dreg:$0x4] =	wrdreg $0xCD000  }
0xb1: {  	[dreg:$0x5] =	wrdreg $0x9  }
0xb2: {  	_ =	task.clear_ibuf [dreg:s7], $0x6FFFF;
	_ =	strace $0x90000049  }
0xb3: {  	s29 =	simm.s32 $0x9;
	_ =	strace $0x8000004B  }
0xb4: {  	_ =	swait.ge [sflag:s29], $0x1  }
0xb5: {  	[sflag:s29] =	ssyncadd.s32 $0xFFFFFFFF  }
0xb6: {  	_ =	strace $0x9000004B  }
0xb7: {  	_ =	sfence  }
0xb8: {  	s30 =	sld [smem:$0x0];
	_ =	sdelay $0x2  }
0xb9: {  	s31 =	sshll.u32 s1, $0xD;
	s1 =	sshrl.u32 s1, $0x2  }
0xba: {  	s3 =	sand.u32 $0x4000, s31;
	s1 =	sadd.s32 s1, s30  }
0xbb: {  	s0 =	sor.u32 s3, s0;
	s1 =	sshll.u32 s1, $0x11  }
0xbc: {  	s0 =	sor.u32 s1, s0  }
0xbd: {  	s0 =	sadd.s32 $0x8F2B, s0  }
0xbe: {  	[sflag:s0] =	ssyncadd.remote.s32 $0x1  }
0xbf: {  	_ =	sfence.sel $0xFFFF  }
0xc0: {  	[dreg:$0x0] =	wrdreg $0xFFFFFFFF;
	(pc) =	sbr.abs _section_cstart, $3  }
0xc1: {  	[dreg:$0x1] =	wrdreg $0xFFFFFFFF  }
0xc2: {  	_ =	task.clear_ibuf [dreg:s7], $0x2FFFF;
	_ =	strace $0x9FFFFFFF  }
0xc3: {  	(tm) =	ssettm $0x7FFFFFFF  }
tec
execute0_lowered:
.L_overlay_start_1:
0x0: {  	(tag) =	ssettag $0x1  }
0x1: {  	s6 =	rddreg [dreg:$0x0]  }
0x2: {  	s0 =	rddreg [dreg:$0x1]  }
0x3: {  	s1 =	rddreg [dreg:$0x2]  }
0x4: {  	s3 =	simm.s32 $0x0;
	s4 =	stileid.u32;
	s25 =	srdreg.scid  }
0x5: {  	s28 =	simm.s32 $0x1;
	s31 =	simm.s32 $0x7800;
	s2 =	smul.u32 $0x280, s4  }
0x6: {  	[smem:$0x7FF] =	sst s3;
	s7 =	smul.u32 $0x2800, s4;
	s23 =	sand.u32 $0x1, s25  }
0x7: {  	s29 =	simm.s32 $0x0;
	_ =	strace $0x8000004A;
	s5 =	ssub.s32 $0x2, s23  }
0x8: {  	p0 =	sne.s32 s23, $0x0;
	s21 =	sshrl.u32 s2, $0x3;
	s26 =	sshrl.u32 s7, $0x3  }
0x9: {  	s30 =	sshrl.u32 s5, $0x1;
	s7 =	sadd.s32 s7, s1;
	s24 =	sadd.s32 s21, s6  }
0xa: {  	s6 =	sadd.s32 s26, s6;
	s25 =	ssub.s32 s5, s30;
	s5 =	sadd.s32 s2, s1  }
0xb: {  	s21 =	sadd.s32 s0, s21;
	s4 =	sadd.s32 $0x2C200, s6;
	s6 =	sadd.s32 $0x27200, s6  }
0xc: {  	s8 =	sadd.s32 $0x2800, s5;
	s9 =	sadd.s32 $0x5000, s5;
	s10 =	sadd.s32 $0x7800, s5  }
0xd: {  	s11 =	sadd.s32 $0xA000, s5;
	s12 =	sadd.s32 $0xC800, s5;
	s13 =	sadd.s32 $0xF000, s5  }
0xe: {  	s14 =	sadd.s32 $0x11800, s5;
	s15 =	sadd.s32 $0x14000, s5;
	s16 =	sadd.s32 $0x16800, s5  }
0xf: {  	s17 =	sadd.s32 $0x19000, s5;
	s18 =	sadd.s32 $0x1B800, s5;
	s19 =	sadd.s32 $0x1E000, s5  }
0x10: {  	s20 =	sadd.s32 $0x20800, s5;
	s22 =	sadd.s32 $0x23000, s5;
	s23 =	sadd.s32 $0xC00, s24  }
0x11: {  	v0 =	vimm.f32 $0.0e+00;
	s24 =	sadd.s32 $0x600, s24;
	s25 =	smax.u32 s25, $0x1;
	s26 =	sadd.s32 $0x25800, s5  }
.LBB2_1:
0x12: {  	s0 =	rddreg [dreg:$0x0]  }
0x13: {  	[tilespmem:s3], [sflag:$0x1] =	stream.linear.gather [hbm4b:s0+s3], $0x2800, $0x38;
	[tilespmem:$0xF500] =	vst v63  }
0x14: {  	_ =	swait.ge [sflag:s28], $0x2800  }
0x15: {  	[sflag:s28] =	ssyncset.done $0x0  }
0x16: {  	s2 =	simm.s32 $0x2800;
	[sflag:s28] =	ssyncadd.s32 $0xFFFFD800  }
0x17: {  	[tilespmem:s2], [sflag:$0x1] =	stream.linear.gather [hbm4b:s4+s3], $0x2800, $0x38;
	[tilespmem:$0xF500] =	vst v63  }
0x18: {  	_ =	swait.ge [sflag:s28], $0x2800  }
0x19: {  	[sflag:s28] =	ssyncset.done $0x0  }
0x1a: {  	s30 =	simm.s32 $0x5000;
	[sflag:s28] =	ssyncadd.s32 $0xFFFFD800  }
0x1b: {  	[tilespmem:s30], [sflag:$0x1] =	stream.linear.gather [hbm4b:s6+s3], $0x2800, $0x38;
	[tilespmem:$0xF500] =	vst v63  }
0x1c: {  	_ =	swait.ge [sflag:s28], $0x2800  }
0x1d: {  	[sflag:s28] =	ssyncset.done $0x0  }
0x1e: {  	s0 =	simm.s32 $0x0;
	[sflag:s28] =	ssyncadd.s32 $0xFFFFD800  }
.LBB2_2:
0x1f: {  	p1 =	sne.s32 s0, $0x9FC0  }
.Ltmp0:
0x20: {  	_ = 	snop;
	(pc) =	sbr.rel @p1 .LBB2_2-.Ltmp0, $3  }
0x21: {  	_ =	sdelay $0x1  }
0x22: {  	s1 =	sshra.s32 s0, $0x2  }
0x23: {  	s0 =	sadd.s32 $0x40, s0;
	[tilespmem:s1+$0x7800] =	vst v0  }
0x24: {  	s1 =	simm.s32 $0x0;
	s0 =	simm.s32 $0x40  }
.LBB2_4:
0x25: {  	p1 =	sne.s32 s0, $0x9FC0;
	v1 =	vld [tilespmem:s1+$0x2800];
	_ =	sdelay $0x5  }
0x26: {  	v2 =	vld [tilespmem:s1+$0x5000];
	_ =	sdelay $0x1  }
0x27: {  	v1 =	vld.idx.msk [tilespmem:v1+s3+$0x0], $0xffff;
	_ =	sdelay $0x1  }
.Ltmp1:
0x28: {  	(pc) =	sbr.rel @p1 .LBB2_4-.Ltmp1, $2  }
0x29: {  	_ =	sdelay $0x2  }
0x2a: {  	s1 =	sshra.s32 s0, $0x2;
	s0 =	sadd.s32 $0x40, s0;
	[tilespmem:v2+s31+$0x0] =	vst.idx.add.f32.msk $0xffff, v1  }
0x2b: {  	v1 =	vld [tilespmem:s1+$0x2800];
	_ =	sdelay $0x4  }
0x2c: {  	v2 =	vld [tilespmem:s1+$0x5000];
	_ =	sdelay $0x2  }
0x2d: {  	v1 =	vld.idx.msk [tilespmem:v1+s3+$0x0], $0xffff;
	_ =	sdelay $0x4  }
0x2e: {  	[tilespmem:v2+s31+$0x0] =	vst.idx.add.f32.msk $0xffff, v1  }
0x2f: {  	[spmem:s7] =	stream.linear.scatter [tilespmem:s31], [sflag:$0x1], $0x2800, $0x38;
	[tilespmem:$0xF500] =	vst v63  }
0x30: {  	_ =	swait.ge [sflag:s28], $0x2800  }
0x31: {  	[sflag:s28] =	ssyncset.done $0x0  }
0x32: {  	[sflag:s28] =	ssyncadd.s32 $0xFFFFD800  }
0x33: {  	s0 =	simm.s32 $0xA000;
	[bflag:$0x0] =	sbarrier.arrive $0xFFFF  }
0x34: {  	[tilespmem:s0], [sflag:$0x1] =	stream.linear.gather [spmem:s5], $0x280, $0x38;
	[tilespmem:$0xF500] =	vst v63  }
0x35: {  	_ =	swait.ge [sflag:s28], $0x280  }
0x36: {  	[sflag:s28] =	ssyncset.done $0x0  }
0x37: {  	s1 =	simm.s32 $0xA280;
	[sflag:s28] =	ssyncadd.s32 $0xFFFFFD80  }
0x38: {  	[tilespmem:s1], [sflag:$0x1] =	stream.linear.gather [spmem:s8], $0x280, $0x38;
	[tilespmem:$0xF500] =	vst v63  }
0x39: {  	_ =	swait.ge [sflag:s28], $0x280  }
0x3a: {  	[sflag:s28] =	ssyncset.done $0x0  }
0x3b: {  	s2 =	simm.s32 $0xA500;
	[sflag:s28] =	ssyncadd.s32 $0xFFFFFD80  }
0x3c: {  	[tilespmem:s2], [sflag:$0x1] =	stream.linear.gather [spmem:s9], $0x280, $0x38;
	[tilespmem:$0xF500] =	vst v63  }
0x3d: {  	_ =	swait.ge [sflag:s28], $0x280  }
0x3e: {  	[sflag:s28] =	ssyncset.done $0x0  }
0x3f: {  	s1 =	simm.s32 $0xA780;
	[sflag:s28] =	ssyncadd.s32 $0xFFFFFD80  }
0x40: {  	[tilespmem:s1], [sflag:$0x1] =	stream.linear.gather [spmem:s10], $0x280, $0x38;
	[tilespmem:$0xF500] =	vst v63  }
0x41: {  	_ =	swait.ge [sflag:s28], $0x280  }
0x42: {  	[sflag:s28] =	ssyncset.done $0x0  }
0x43: {  	s2 =	simm.s32 $0xAA00;
	[sflag:s28] =	ssyncadd.s32 $0xFFFFFD80  }
0x44: {  	[tilespmem:s2], [sflag:$0x1] =	stream.linear.gather [spmem:s11], $0x280, $0x38;
	[tilespmem:$0xF500] =	vst v63  }
0x45: {  	_ =	swait.ge [sflag:s28], $0x280  }
0x46: {  	[sflag:s28] =	ssyncset.done $0x0  }
0x47: {  	s1 =	simm.s32 $0xAC80;
	[sflag:s28] =	ssyncadd.s32 $0xFFFFFD80  }
0x48: {  	[tilespmem:s1], [sflag:$0x1] =	stream.linear.gather [spmem:s12], $0x280, $0x38;
	[tilespmem:$0xF500] =	vst v63  }
0x49: {  	_ =	swait.ge [sflag:s28], $0x280  }
0x4a: {  	[sflag:s28] =	ssyncset.done $0x0  }
0x4b: {  	s2 =	simm.s32 $0xAF00;
	[sflag:s28] =	ssyncadd.s32 $0xFFFFFD80  }
0x4c: {  	[tilespmem:s2], [sflag:$0x1] =	stream.linear.gather [spmem:s13], $0x280, $0x38;
	[tilespmem:$0xF500] =	vst v63  }
0x4d: {  	_ =	swait.ge [sflag:s28], $0x280  }
0x4e: {  	[sflag:s28] =	ssyncset.done $0x0  }
0x4f: {  	s1 =	simm.s32 $0xB180;
	[sflag:s28] =	ssyncadd.s32 $0xFFFFFD80  }
0x50: {  	[tilespmem:s1], [sflag:$0x1] =	stream.linear.gather [spmem:s14], $0x280, $0x38;
	[tilespmem:$0xF500] =	vst v63  }
0x51: {  	_ =	swait.ge [sflag:s28], $0x280  }
0x52: {  	[sflag:s28] =	ssyncset.done $0x0  }
0x53: {  	s2 =	simm.s32 $0xB400;
	[sflag:s28] =	ssyncadd.s32 $0xFFFFFD80  }
0x54: {  	[tilespmem:s2], [sflag:$0x1] =	stream.linear.gather [spmem:s15], $0x280, $0x38;
	[tilespmem:$0xF500] =	vst v63  }
0x55: {  	_ =	swait.ge [sflag:s28], $0x280  }
0x56: {  	[sflag:s28] =	ssyncset.done $0x0  }
0x57: {  	s1 =	simm.s32 $0xB680;
	[sflag:s28] =	ssyncadd.s32 $0xFFFFFD80  }
0x58: {  	[tilespmem:s1], [sflag:$0x1] =	stream.linear.gather [spmem:s16], $0x280, $0x38;
	[tilespmem:$0xF500] =	vst v63  }
0x59: {  	_ =	swait.ge [sflag:s28], $0x280  }
0x5a: {  	[sflag:s28] =	ssyncset.done $0x0  }
0x5b: {  	s2 =	simm.s32 $0xB900;
	[sflag:s28] =	ssyncadd.s32 $0xFFFFFD80  }
0x5c: {  	[tilespmem:s2], [sflag:$0x1] =	stream.linear.gather [spmem:s17], $0x280, $0x38;
	[tilespmem:$0xF500] =	vst v63  }
0x5d: {  	_ =	swait.ge [sflag:s28], $0x280  }
0x5e: {  	[sflag:s28] =	ssyncset.done $0x0  }
0x5f: {  	s1 =	simm.s32 $0xBB80;
	[sflag:s28] =	ssyncadd.s32 $0xFFFFFD80  }
0x60: {  	[tilespmem:s1], [sflag:$0x1] =	stream.linear.gather [spmem:s18], $0x280, $0x38;
	[tilespmem:$0xF500] =	vst v63  }
0x61: {  	_ =	swait.ge [sflag:s28], $0x280  }
0x62: {  	[sflag:s28] =	ssyncset.done $0x0  }
0x63: {  	s2 =	simm.s32 $0xBE00;
	[sflag:s28] =	ssyncadd.s32 $0xFFFFFD80  }
0x64: {  	[tilespmem:s2], [sflag:$0x1] =	stream.linear.gather [spmem:s19], $0x280, $0x38;
	[tilespmem:$0xF500] =	vst v63  }
0x65: {  	_ =	swait.ge [sflag:s28], $0x280  }
0x66: {  	[sflag:s28] =	ssyncset.done $0x0  }
0x67: {  	s1 =	simm.s32 $0xC080;
	[sflag:s28] =	ssyncadd.s32 $0xFFFFFD80  }
0x68: {  	[tilespmem:s1], [sflag:$0x1] =	stream.linear.gather [spmem:s20], $0x280, $0x38;
	[tilespmem:$0xF500] =	vst v63  }
0x69: {  	_ =	swait.ge [sflag:s28], $0x280  }
0x6a: {  	[sflag:s28] =	ssyncset.done $0x0  }
0x6b: {  	s2 =	simm.s32 $0xC300;
	[sflag:s28] =	ssyncadd.s32 $0xFFFFFD80  }
0x6c: {  	[tilespmem:s2], [sflag:$0x1] =	stream.linear.gather [spmem:s22], $0x280, $0x38;
	[tilespmem:$0xF500] =	vst v63  }
0x6d: {  	_ =	swait.ge [sflag:s28], $0x280  }
0x6e: {  	[sflag:s28] =	ssyncset.done $0x0  }
0x6f: {  	s1 =	simm.s32 $0xC580;
	[sflag:s28] =	ssyncadd.s32 $0xFFFFFD80  }
0x70: {  	[tilespmem:s1], [sflag:$0x1] =	stream.linear.gather [spmem:s26], $0x280, $0x38;
	[tilespmem:$0xF500] =	vst v63  }
0x71: {  	_ =	swait.ge [sflag:s28], $0x280  }
0x72: {  	[sflag:s28] =	ssyncset.done $0x0  }
0x73: {  	s0 =	simm.s32 $0x0;
	s2 =	simm.s32 $0xC800;
	[sflag:s28] =	ssyncadd.s32 $0xFFFFFD80  }
0x74: {  	[tilespmem:s2], [sflag:$0x1] =	stream.linear.gather [hbm4b:s23+s0], $0x280, $0x38;
	[tilespmem:$0xF500] =	vst v63  }
0x75: {  	_ =	swait.ge [sflag:s28], $0x280  }
0x76: {  	[sflag:s28] =	ssyncset.done $0x0  }
0x77: {  	s2 =	simm.s32 $0xCA80;
	[sflag:s28] =	ssyncadd.s32 $0xFFFFFD80  }
0x78: {  	[tilespmem:s2], [sflag:$0x1] =	stream.linear.gather [hbm4b:s24+s0], $0x280, $0x38;
	[tilespmem:$0xF500] =	vst v63  }
0x79: {  	_ =	swait.ge [sflag:s28], $0x280  }
0x7a: {  	[sflag:s28] =	ssyncset.done $0x0  }
0x7b: {  	s0 =	simm.s32 $0x0;
	[sflag:s28] =	ssyncadd.s32 $0xFFFFFD80  }
0x7c: {  	v1 =	vld [tilespmem:s0+$0xA000]  }
0x7d: {  	v2 =	vld [tilespmem:s0+$0xA280];
	_ =	sdelay $0x1  }
0x7e: {  	v3 =	vld [tilespmem:s0+$0xA500];
	_ =	sdelay $0x1  }
0x7f: {  	v4 =	vld [tilespmem:s0+$0xA780]  }
0x80: {  	v1 =	vadd.f32 v2, v1  }
0x81: {  	v2 =	vld [tilespmem:s0+$0xAA00]  }
0x82: {  	v1 =	vadd.f32 v3, v1  }
0x83: {  	v3 =	vld [tilespmem:s0+$0xAC80]  }
0x84: {  	v1 =	vadd.f32 v4, v1  }
0x85: {  	v4 =	vld [tilespmem:s0+$0xAF00]  }
0x86: {  	v1 =	vadd.f32 v2, v1  }
0x87: {  	v2 =	vld [tilespmem:s0+$0xB180]  }
0x88: {  	v1 =	vadd.f32 v3, v1  }
0x89: {  	v3 =	vld [tilespmem:s0+$0xB400]  }
0x8a: {  	s30 =	simm.s32 $0x10;
	v5 =	vld [tilespmem:s0+$0xB680];
	v1 =	vadd.f32 v4, v1  }
0x8b: {  	v6 =	vld [tilespmem:s30+$0xA000]  }
0x8c: {  	v4 =	vld [tilespmem:s0+$0xB900];
	v1 =	vadd.f32 v2, v1  }
0x8d: {  	v2 =	vld [tilespmem:s30+$0xA280]  }
0x8e: {  	v7 =	vld [tilespmem:s30+$0xA500];
	v1 =	vadd.f32 v3, v1  }
0x8f: {  	v3 =	vld [tilespmem:s0+$0xBB80]  }
0x90: {  	v8 =	vld [tilespmem:s30+$0xA780];
	v1 =	vadd.f32 v5, v1  }
0x91: {  	v5 =	vld [tilespmem:s0+$0xBE00]  }
0x92: {  	v2 =	vadd.f32 v2, v6;
	v6 =	vld [tilespmem:s30+$0xAA00];
	v1 =	vadd.f32 v4, v1  }
0x93: {  	v4 =	vld [tilespmem:s0+$0xC080]  }
0x94: {  	v2 =	vadd.f32 v7, v2;
	v7 =	vld [tilespmem:s30+$0xAC80];
	v1 =	vadd.f32 v3, v1  }
0x95: {  	v3 =	vld [tilespmem:s0+$0xC300]  }
0x96: {  	v2 =	vadd.f32 v8, v2;
	v8 =	vld [tilespmem:s30+$0xAF00];
	v1 =	vadd.f32 v5, v1  }
0x97: {  	v5 =	vld [tilespmem:s0+$0xC580]  }
0x98: {  	v9 =	vld [tilespmem:s0+$0xC800];
	v2 =	vadd.f32 v6, v2;
	v1 =	vadd.f32 v4, v1  }
0x99: {  	v6 =	vld [tilespmem:s30+$0xB180]  }
0x9a: {  	v4 =	vld [tilespmem:s30+$0xB400];
	v2 =	vadd.f32 v7, v2;
	v7 =	vadd.f32 v3, v1  }
0x9b: {  	v3 =	vld [tilespmem:s0+$0xCA80]  }
0x9c: {  	v1 =	vld [tilespmem:s30+$0xB900];
	v8 =	vadd.f32 v8, v2;
	v7 =	vadd.f32 v5, v7  }
0x9d: {  	s2 =	simm.s32 $0x20;
	v5 =	vld [tilespmem:s30+$0xB680]  }
0x9e: {  	s1 =	simm.s32 $0xC0;
	v2 =	vld [tilespmem:s2+$0xA000];
	v6 =	vadd.f32 v6, v8;
	v7 =	vmul.f32 v9, v7  }
.LBB2_6:
0x9f: {  	p1 =	sne.s32 s1, $0x9C0;
	v8 =	vld [tilespmem:s2+$0xA280]  }
0xa0: {  	v4 =	vadd.f32 v4, v6;
	v6 =	vld [tilespmem:s30+$0xBB80];
	v3 =	vadd.f32 v3, v7  }
0xa1: {  	v7 =	vld [tilespmem:s2+$0xA500]  }
0xa2: {  	v4 =	vadd.f32 v5, v4;
	v5 =	vld [tilespmem:s30+$0xBE00];
	[tilespmem:s0+$0xC800] =	vst v3;
	s0 =	smov.u32 s30;
	s30 =	smov.u32 s2  }
0xa3: {  	v3 =	vld [tilespmem:s30+$0xA780]  }
0xa4: {  	v2 =	vadd.f32 v8, v2;
	v1 =	vadd.f32 v1, v4;
	v4 =	vld [tilespmem:s0+$0xC080]  }
0xa5: {  	v8 =	vld [tilespmem:s30+$0xAA00]  }
0xa6: {  	v2 =	vadd.f32 v7, v2;
	v1 =	vadd.f32 v6, v1;
	v6 =	vld [tilespmem:s0+$0xC300]  }
0xa7: {  	v7 =	vld [tilespmem:s30+$0xAC80]  }
0xa8: {  	v2 =	vadd.f32 v3, v2;
	v1 =	vadd.f32 v5, v1;
	v5 =	vld [tilespmem:s0+$0xC580]  }
0xa9: {  	v9 =	vld [tilespmem:s30+$0xAF00]  }
0xaa: {  	v2 =	vadd.f32 v8, v2;
	v8 =	vld [tilespmem:s30+$0xB180];
	v1 =	vadd.f32 v4, v1  }
0xab: {  	v10 =	vld [tilespmem:s0+$0xC800]  }
.Ltmp2:
0xac: {  	v2 =	vadd.f32 v7, v2;
	v6 =	vadd.f32 v6, v1;
	v3 =	vld [tilespmem:s0+$0xCA80];
	(pc) =	sbr.rel @p1 .LBB2_6-.Ltmp2, $4  }
0xad: {  	v4 =	vld [tilespmem:s30+$0xB400]  }
0xae: {  	v7 =	vadd.f32 v9, v2;
	v1 =	vld [tilespmem:s30+$0xB900];
	v9 =	vadd.f32 v5, v6  }
0xaf: {  	s2 =	sshra.s32 s1, $0x2;
	v5 =	vld [tilespmem:s30+$0xB680]  }
0xb0: {  	s1 =	sadd.s32 $0x40, s1;
	v2 =	vld [tilespmem:s2+$0xA000];
	v6 =	vadd.f32 v8, v7;
	v7 =	vmul.f32 v10, v9  }
0xb1: {  	v8 =	vld [tilespmem:s2+$0xA280]  }
0xb2: {  	v9 =	vld [tilespmem:s30+$0xBB80];
	v3 =	vadd.f32 v3, v7  }
0xb3: {  	v50 =	vld [tilespmem:s2+$0xA500]  }
0xb4: {  	v10 =	vld [tilespmem:s30+$0xBE00];
	v4 =	vadd.f32 v4, v6;
	[tilespmem:s0+$0xC800] =	vst v3  }
0xb5: {  	v3 =	vld [tilespmem:s2+$0xA780]  }
0xb6: {  	v4 =	vadd.f32 v5, v4;
	v2 =	vadd.f32 v8, v2  }
0xb7: {  	v51 =	vld [tilespmem:s2+$0xAA00]  }
0xb8: {  	v52 =	vld [tilespmem:s30+$0xC080];
	v1 =	vadd.f32 v1, v4;
	v2 =	vadd.f32 v50, v2  }
0xb9: {  	v53 =	vld [tilespmem:s2+$0xAC80]  }
0xba: {  	v54 =	vld [tilespmem:s30+$0xC300];
	v1 =	vadd.f32 v9, v1;
	v2 =	vadd.f32 v3, v2  }
0xbb: {  	v3 =	vld [tilespmem:s2+$0xAF00]  }
0xbc: {  	v55 =	vld [tilespmem:s30+$0xC580];
	v1 =	vadd.f32 v10, v1;
	v2 =	vadd.f32 v51, v2  }
0xbd: {  	v56 =	vld [tilespmem:s2+$0xB180]  }
0xbe: {  	v57 =	vld [tilespmem:s30+$0xC800];
	v1 =	vadd.f32 v52, v1;
	v2 =	vadd.f32 v53, v2  }
0xbf: {  	v58 =	vld [tilespmem:s2+$0xB400]  }
0xc0: {  	v59 =	vld [tilespmem:s30+$0xCA80];
	v1 =	vadd.f32 v54, v1;
	v2 =	vadd.f32 v3, v2  }
0xc1: {  	v3 =	vld [tilespmem:s2+$0xB680]  }
0xc2: {  	v1 =	vadd.f32 v55, v1;
	v2 =	vadd.f32 v56, v2  }
0xc3: {  	v60 =	vld [tilespmem:s2+$0xB900]  }
0xc4: {  	v1 =	vmul.f32 v57, v1;
	v2 =	vadd.f32 v58, v2  }
0xc5: {  	v61 =	vld [tilespmem:s2+$0xBB80]  }
0xc6: {  	v1 =	vadd.f32 v59, v1;
	v2 =	vadd.f32 v3, v2  }
0xc7: {  	v3 =	vld [tilespmem:s2+$0xBE00]  }
0xc8: {  	[tilespmem:s30+$0xC800] =	vst v1;
	v1 =	vadd.f32 v60, v2  }
0xc9: {  	v2 =	vld [tilespmem:s2+$0xC080]  }
0xca: {  	v1 =	vadd.f32 v61, v1  }
0xcb: {  	v62 =	vld [tilespmem:s2+$0xC300]  }
0xcc: {  	v1 =	vadd.f32 v3, v1  }
0xcd: {  	v3 =	vld [tilespmem:s2+$0xC580]  }
0xce: {  	v1 =	vadd.f32 v2, v1  }
0xcf: {  	v2 =	vld [tilespmem:s2+$0xC800]  }
0xd0: {  	v1 =	vadd.f32 v62, v1  }
0xd1: {  	v63 =	vld [tilespmem:s2+$0xCA80]  }
0xd2: {  	v1 =	vadd.f32 v3, v1;
	_ =	sdelay $0x1  }
0xd3: {  	v1 =	vmul.f32 v2, v1;
	_ =	sdelay $0x1  }
0xd4: {  	v1 =	vadd.f32 v63, v1  }
0xd5: {  	s29 =	sadd.s32 $0x1, s29  }
0xd6: {  	s1 =	simm.s32 @!p0 $0xC800;
	p1 =	sne.s32 s29, s25;
	s0 =	simm.s32 @!p0 $0x0;
	[tilespmem:s2+$0xC800] =	vst v1  }
0xd7: {  	[hbm4b:s21+s0] =	stream.linear.scatter @!p0 [tilespmem:s1], [sflag:$0x1], $0x280, $0x38;
	[tilespmem:$0xF500] =	vst v63  }
.Ltmp3:
0xd8: {  	_ = 	snop;
	(pc) =	sbr.rel @p1 .LBB2_1-.Ltmp3, $4  }
0xd9: {  	s0 =	simm.s32 @!p0 $0x1  }
0xda: {  	_ =	swait.ge @!p0 [sflag:s0], $0x280  }
0xdb: {  	[sflag:s0] =	ssyncset.done @!p0 $0x0  }
0xdc: {  	[sflag:s0] =	ssyncadd.s32 @!p0 $0xFFFFFD80  }
0xdd: {  	_ =	sfence.sel $0x180000  }
0xde: {  	[bflag:$0x0] =	sbarrier.arrive $0xFFFF  }
0xdf: {  	_ =	strace $0x9000004A  }
0xe0: {  	s0 =	stileid.u32;
	[bflag:$0x2] =	sbarrier.arrive $0xFFFF  }
0xe1: {  	p0 =	sne.s32 s0, $0x0;
	s0 =	rddreg [dreg:$0x3]  }
0xe2: {  	s0 =	sadd.s32 @!p0 $0x100000, s0  }
0xe3: {  	[sflag:s0] =	ssyncadd.tile.s32 @!p0 $0x1;
	_ =	shalt  }
.Lfunc_end2:
_tile_overlayer_lowered:
.L_overlay_start_2:
0xe4: {  	(tag) =	ssettag $0x2  }
0xe5: {  	s0 =	rddreg [dreg:$0x0];
	s2 =	stileid.u32  }
0xe6: {  	s1 =	rddreg [dreg:$0x1];
	p0 =	sne.s32 s2, $0x0  }
0xe7: {  	s3 =	rddreg [dreg:$0x2];
	[bflag:$0x3] =	sbarrier.arrive $0xFFFF;
	s2 =	simm.s32 @!p0 $0x1C01  }
0xe8: {  	[timem:s3], [sflag:s2] =	dma.local @!p0 [hbm:s0], s1  }
0xe9: {  	s0 =	simm.s32 @!p0 $0x1  }
0xea: {  	_ =	swait.ge @!p0 [sflag:s0], s1  }
0xeb: {  	s1 =	ssub.s32 @!p0 $0x0, s1;
	[sflag:s0] =	ssyncset.done @!p0 $0x0  }
0xec: {  	[sflag:s0] =	ssyncadd.s32 @!p0 s1  }
0xed: {  	[bflag:$0x3] =	sbarrier.arrive $0xFFFF  }
0xee: {  	_ =	shalt  }

</sc_bundles>
